<compile_context>
chip_gen: v7x
topology: tpu7x:2x2x1
jax: 0.10.2.dev20260603
libtpu: 0.0.44.dev20260713+nightly
codegen_flags: <defaults>
</compile_context>

<pallas_src>
import functools

import jax
import jax.numpy as jnp
from jax import lax
from jax.experimental import pallas as pl
from jax.experimental.pallas import tpu as pltpu
from jax.experimental.pallas import tpu_sc as plsc

DIM_FILTER = 27
C = 16
NW = 32
ALIGN = 128


def _sc_gather(npad, ch):
    mesh = plsc.VectorSubcoreMesh(core_axis_name="c", subcore_axis_name="s")

    @functools.partial(
        pl.kernel,
        out_type=jax.ShapeDtypeStruct((DIM_FILTER * npad, C), jnp.bfloat16),
        mesh=mesh,
        scratch_types=[pltpu.VMEM_SHARED((npad, C), jnp.bfloat16),
                       pltpu.VMEM((ch,), jnp.int32),
                       pltpu.VMEM((ch,), jnp.int32),
                       pltpu.VMEM((ch, C), jnp.bfloat16),
                       pltpu.VMEM((ch, C), jnp.bfloat16),
                       pltpu.SemaphoreType.DMA,
                       pltpu.SemaphoreType.DMA,
                       pltpu.SemaphoreType.DMA],
        compiler_params=pltpu.CompilerParams(use_tc_tiling_on_sc=False),
    )
    def kfn(x_hbm, g_hbm, out_hbm, xs_sh, idx_a, idx_b, row_a, row_b,
            sem_g, sem_wa, sem_wb):
        sid = lax.axis_index("s")
        wid = sid * 2 + lax.axis_index("c")
        base = wid * ch
        bufs = (idx_a, idx_b)
        rows = (row_a, row_b)
        wsems = (sem_wa, sem_wb)

        @pl.when(sid == 0)
        def _load():
            pltpu.sync_copy(x_hbm, xs_sh)

        plsc.subcore_barrier()

        for k in range(DIM_FILTER):
            par = k % 2
            if k >= 2:
                pltpu.make_async_copy(
                    rows[par], out_hbm.at[pl.ds(base, ch)], wsems[par]).wait()
            pltpu.sync_copy(g_hbm.at[pl.ds(k * npad + base, ch)], bufs[par])
            pltpu.async_copy(xs_sh.at[bufs[par]], rows[par], sem_g).wait()
            pltpu.async_copy(rows[par],
                             out_hbm.at[pl.ds(k * npad + base, ch)],
                             wsems[par])

        for k in (DIM_FILTER - 2, DIM_FILTER - 1):
            par = k % 2
            pltpu.make_async_copy(
                rows[par], out_hbm.at[pl.ds(base, ch)], wsems[par]).wait()

    return kfn


def _tc_gemm(g8, wbd, npad8):
    BN8 = 6400
    nblk = npad8 // BN8

    def body(g_ref, w_ref, o_ref):
        k = pl.program_id(1)
        contrib = jnp.dot(g_ref[...], w_ref[0],
                          preferred_element_type=jnp.float32)

        @pl.when(k == 0)
        def _init():
            o_ref[...] = contrib

        @pl.when(k > 0)
        def _acc():
            o_ref[...] += contrib

    return pl.pallas_call(
        body,
        grid=(nblk, DIM_FILTER),
        in_specs=[pl.BlockSpec((BN8, 128), lambda i, k: (k * nblk + i, 0)),
                  pl.BlockSpec((1, 128, 128), lambda i, k: (k, 0, 0))],
        out_specs=pl.BlockSpec((BN8, 128), lambda i, k: (i, 0)),
        out_shape=jax.ShapeDtypeStruct((npad8, 128), jnp.float32),
    )(g8, wbd)


def kernel(x, neigh, weights):
    n = x.shape[0]
    ch = ((n + NW - 1) // NW + ALIGN - 1) // ALIGN * ALIGN
    npad = ch * NW

    xb = x.astype(jnp.bfloat16)
    if npad > n:
        xb = jnp.concatenate(
            [xb, jnp.zeros((npad - n, C), jnp.bfloat16)], axis=0)

    gi = neigh.astype(jnp.int32).T
    gflat = jnp.pad(gi, ((0, 0), (0, npad - n))).reshape(-1)

    g = _sc_gather(npad, ch)(xb, gflat)
    g8 = g.reshape(DIM_FILTER * npad * C // 128, 128)

    eye8 = jnp.eye(8, dtype=jnp.float32)
    wbd = jax.vmap(lambda w: jnp.kron(eye8, w))(
        weights.astype(jnp.float32)).astype(jnp.bfloat16)

    out8 = _tc_gemm(g8, wbd, npad * C // 128)
    return out8.reshape(npad, C)[:n]

# --- scband reference (transcript-rebuilt; emitter-appended) ---
"""Pipeline reference for scband-octree-conv-77936476553757 (READ-ONLY COPY).

The authoritative reference and input builder live on the scoring server;
editing this copy changes nothing except your own understanding.
"""

import jax, jax.numpy as jnp
import numpy as np

N = 100000
C_IN = 16
C_OUT = 16
DIM_FILTER = 27


def setup_inputs(seed: int = 0) -> dict:
    key = jax.random.key(seed)
    k1, k2, k3 = jax.random.split(key, 3)
    x = jax.random.normal(k1, (N, C_IN), dtype=jnp.float32)
    neigh = jax.random.randint(k2, (N, DIM_FILTER), 0, N, dtype=jnp.int64)
    # weights init per OctreeConv.Initialize: uniform(-sqrt(3)*std, sqrt(3)*std)
    std = np.sqrt(2.0 / float(DIM_FILTER * C_IN + DIM_FILTER * C_OUT))
    bound = np.sqrt(3.0) * std
    weights = jax.random.uniform(k3, (DIM_FILTER, C_IN, C_OUT), dtype=jnp.float32,
                                 minval=-bound, maxval=bound)
    return {"x": x, "neigh": neigh, "weights": weights}


def reference(x, neigh, weights):
    # forward_gemm: gather neighbor signals into buffer [N, 27, C_in],
    # invalid neighbors (neigh < 0) contribute zeros, then one big GEMM
    # buffer.flatten(1,2) @ weights.flatten(0,1)
    valid = neigh >= 0
    safe_idx = jnp.where(valid, neigh, 0)
    buffer = jnp.take(x, safe_idx, axis=0)              # [N, 27, C_in]
    buffer = jnp.where(valid[..., None], buffer, 0.0)   # zero invalid slots
    buf2d = buffer.reshape(buffer.shape[0], DIM_FILTER * C_IN)
    w2d = weights.reshape(DIM_FILTER * C_IN, C_OUT)
    out = buf2d @ w2d                                    # [N, C_out]
    return out

if __name__ == "__main__":
    import jax
    _d = setup_inputs()
    print(jax.jit(kernel)(*tuple(_d.values())))

</pallas_src>

<mosaic_0001>
#map = affine_map<(d0, d1) -> (0, 0)>
#map1 = affine_map<(d0, d1) -> (0)>
module attributes {stable_mosaic.version = 14 : i64} {
  func.func @kfn(%arg0: i32, %arg1: i32, %arg2: memref<102400x16xbf16, #tpu.memory_space<hbm>>, %arg3: memref<2764800xi32, #tpu.memory_space<hbm>>, %arg4: memref<2764800x16xbf16, #tpu.memory_space<hbm>>, %arg5: memref<102400x16xbf16, #tpu.memory_space<vmem_shared>>, %arg6: memref<3200xi32, #tpu.memory_space<vmem>>, %arg7: memref<3200xi32, #tpu.memory_space<vmem>>, %arg8: memref<3200x16xbf16, #tpu.memory_space<vmem>>, %arg9: memref<3200x16xbf16, #tpu.memory_space<vmem>>, %arg10: memref<!tpu.dma_semaphore, #tpu.memory_space<semaphore_mem>>, %arg11: memref<!tpu.dma_semaphore, #tpu.memory_space<semaphore_mem>>, %arg12: memref<!tpu.dma_semaphore, #tpu.memory_space<semaphore_mem>>) attributes {dimension_semantics = [#tpu.dimension_semantics<core_parallel>, #tpu.dimension_semantics<subcore_parallel>], iteration_bounds = array<i64: 2, 16>, scalar_prefetch = 0 : i64, scratch_operands = 8 : i64, tpu.core_type = #tpu.core_type<sc_vector_subcore>, window_params = [{transform_indices = #map}, {transform_indices = #map1}, {transform_indices = #map}]} {
    %mul3A = arith.constant 2 : i32
    %mul3A_0 = arith.muli %arg1, %mul3A : i32
    %add3A = arith.addi %mul3A_0, %arg0 : i32
    %mul3A_1 = arith.constant 3200 : i32
    %mul3A_2 = arith.muli %add3A, %mul3A_1 : i32
    %eq3A = arith.constant 0 : i32
    %eq3A_3 = arith.cmpi eq, %arg1, %eq3A : i32
    %convert_element_type3A = arith.extui %eq3A_3 : i1 to i32
    %cond3A = arith.constant 0 : i32
    %cond3A_4 = arith.cmpi ne, %convert_element_type3A, %cond3A : i32
    scf.if %cond3A_4 {
      "tpu.region"() ({
        %run_scoped3A = tpu.sem_alloc : memref<!tpu.dma_semaphore, #tpu.memory_space<semaphore_mem>>
        tpu.enqueue_dma source(%arg2 : memref<102400x16xbf16, #tpu.memory_space<hbm>>) target(%arg5 : memref<102400x16xbf16, #tpu.memory_space<vmem_shared>>) target_semaphore(%run_scoped3A : memref<!tpu.dma_semaphore, #tpu.memory_space<semaphore_mem>>)
        tpu.wait_dma2 semaphore(%run_scoped3A : memref<!tpu.dma_semaphore, #tpu.memory_space<semaphore_mem>>) src(%arg2 : memref<102400x16xbf16, #tpu.memory_space<hbm>>) dst(%arg5 : memref<102400x16xbf16, #tpu.memory_space<vmem_shared>>)
        tpu.yield
      }) : () -> ()
    } else {
    }
    %barrier3A = arith.constant 0 : index
    tpu.barrier barrier_id(%barrier3A)
    %add3A_5 = arith.constant 0 : i32
    %add3A_6 = arith.addi %add3A_5, %mul3A_2 : i32
    "tpu.region"() ({
      %run_scoped3A = tpu.sem_alloc : memref<!tpu.dma_semaphore, #tpu.memory_space<semaphore_mem>>
      %dma_start3A_489 = tpu.memref_slice %arg3[%add3A_6] : memref<2764800xi32, #tpu.memory_space<hbm>> -> memref<3200xi32, #tpu.memory_space<hbm>>
      %dma_start3A_490 = tpu.memref_slice %arg3[%add3A_6] : memref<2764800xi32, #tpu.memory_space<hbm>> -> memref<3200xi32, #tpu.memory_space<hbm>>
      tpu.enqueue_dma source(%dma_start3A_490 : memref<3200xi32, #tpu.memory_space<hbm>>) target(%arg6 : memref<3200xi32, #tpu.memory_space<vmem>>) target_semaphore(%run_scoped3A : memref<!tpu.dma_semaphore, #tpu.memory_space<semaphore_mem>>)
      %dma_wait3A_491 = tpu.memref_slice %arg3[%add3A_6] : memref<2764800xi32, #tpu.memory_space<hbm>> -> memref<3200xi32, #tpu.memory_space<hbm>>
      %dma_wait3A_492 = tpu.memref_slice %arg3[%add3A_6] : memref<2764800xi32, #tpu.memory_space<hbm>> -> memref<3200xi32, #tpu.memory_space<hbm>>
      tpu.wait_dma2 semaphore(%run_scoped3A : memref<!tpu.dma_semaphore, #tpu.memory_space<semaphore_mem>>) src(%dma_wait3A_492 : memref<3200xi32, #tpu.memory_space<hbm>>) dst(%arg6 : memref<3200xi32, #tpu.memory_space<vmem>>)
      tpu.yield
    }) : () -> ()
    %dma_start3A = arith.constant 0 : i32
    %dma_start3A_7 = arith.constant 0 : i32
    %dma_start3A_8 = tpu.memref_slice %arg5[%dma_start3A, %dma_start3A_7] : memref<102400x16xbf16, #tpu.memory_space<vmem_shared>> -> memref<102400x16xbf16, #tpu.memory_space<vmem_shared>>
    tpu.enqueue_indirect_dma source(%dma_start3A_8 : memref<102400x16xbf16, #tpu.memory_space<vmem_shared>>) target(%arg8 : memref<3200x16xbf16, #tpu.memory_space<vmem>>) offsets(%arg6 : memref<3200xi32, #tpu.memory_space<vmem>>) semaphore(%arg10 : memref<!tpu.dma_semaphore, #tpu.memory_space<semaphore_mem>>)
    %dma_wait3A = arith.constant 0 : i32
    %dma_wait3A_9 = arith.constant 0 : i32
    %dma_wait3A_10 = tpu.memref_slice %arg5[%dma_wait3A, %dma_wait3A_9] : memref<102400x16xbf16, #tpu.memory_space<vmem_shared>> -> memref<102400x16xbf16, #tpu.memory_space<vmem_shared>>
    tpu.wait_indirect_dma semaphore(%arg10 : memref<!tpu.dma_semaphore, #tpu.memory_space<semaphore_mem>>) src(%dma_wait3A_10 : memref<102400x16xbf16, #tpu.memory_space<vmem_shared>>) dst(%arg8 : memref<3200x16xbf16, #tpu.memory_space<vmem>>)
    %add3A_11 = arith.constant 0 : i32
    %add3A_12 = arith.addi %add3A_11, %mul3A_2 : i32
    %dma_start3A_13 = arith.constant 0 : i32
    %dma_start3A_14 = tpu.memref_slice %arg4[%add3A_12, %dma_start3A_13] : memref<2764800x16xbf16, #tpu.memory_space<hbm>> -> memref<3200x16xbf16, #tpu.memory_space<hbm>>
    %dma_start3A_15 = arith.constant 0 : i32
    %dma_start3A_16 = tpu.memref_slice %arg4[%add3A_12, %dma_start3A_15] : memref<2764800x16xbf16, #tpu.memory_space<hbm>> -> memref<3200x16xbf16, #tpu.memory_space<hbm>>
    tpu.enqueue_dma source(%arg8 : memref<3200x16xbf16, #tpu.memory_space<vmem>>) target(%dma_start3A_16 : memref<3200x16xbf16, #tpu.memory_space<hbm>>) target_semaphore(%arg11 : memref<!tpu.dma_semaphore, #tpu.memory_space<semaphore_mem>>)
    %add3A_17 = arith.constant 102400 : i32
    %add3A_18 = arith.addi %add3A_17, %mul3A_2 : i32
    "tpu.region"() ({
      %run_scoped3A = tpu.sem_alloc : memref<!tpu.dma_semaphore, #tpu.memory_space<semaphore_mem>>
      %dma_start3A_489 = tpu.memref_slice %arg3[%add3A_18] : memref<2764800xi32, #tpu.memory_space<hbm>> -> memref<3200xi32, #tpu.memory_space<hbm>>
      %dma_start3A_490 = tpu.memref_slice %arg3[%add3A_18] : memref<2764800xi32, #tpu.memory_space<hbm>> -> memref<3200xi32, #tpu.memory_space<hbm>>
      tpu.enqueue_dma source(%dma_start3A_490 : memref<3200xi32, #tpu.memory_space<hbm>>) target(%arg7 : memref<3200xi32, #tpu.memory_space<vmem>>) target_semaphore(%run_scoped3A : memref<!tpu.dma_semaphore, #tpu.memory_space<semaphore_mem>>)
      %dma_wait3A_491 = tpu.memref_slice %arg3[%add3A_18] : memref<2764800xi32, #tpu.memory_space<hbm>> -> memref<3200xi32, #tpu.memory_space<hbm>>
      %dma_wait3A_492 = tpu.memref_slice %arg3[%add3A_18] : memref<2764800xi32, #tpu.memory_space<hbm>> -> memref<3200xi32, #tpu.memory_space<hbm>>
      tpu.wait_dma2 semaphore(%run_scoped3A : memref<!tpu.dma_semaphore, #tpu.memory_space<semaphore_mem>>) src(%dma_wait3A_492 : memref<3200xi32, #tpu.memory_space<hbm>>) dst(%arg7 : memref<3200xi32, #tpu.memory_space<vmem>>)
      tpu.yield
    }) : () -> ()
    %dma_start3A_19 = arith.constant 0 : i32
    %dma_start3A_20 = arith.constant 0 : i32
    %dma_start3A_21 = tpu.memref_slice %arg5[%dma_start3A_19, %dma_start3A_20] : memref<102400x16xbf16, #tpu.memory_space<vmem_shared>> -> memref<102400x16xbf16, #tpu.memory_space<vmem_shared>>
    tpu.enqueue_indirect_dma source(%dma_start3A_21 : memref<102400x16xbf16, #tpu.memory_space<vmem_shared>>) target(%arg9 : memref<3200x16xbf16, #tpu.memory_space<vmem>>) offsets(%arg7 : memref<3200xi32, #tpu.memory_space<vmem>>) semaphore(%arg10 : memref<!tpu.dma_semaphore, #tpu.memory_space<semaphore_mem>>)
    %dma_wait3A_22 = arith.constant 0 : i32
    %dma_wait3A_23 = arith.constant 0 : i32
    %dma_wait3A_24 = tpu.memref_slice %arg5[%dma_wait3A_22, %dma_wait3A_23] : memref<102400x16xbf16, #tpu.memory_space<vmem_shared>> -> memref<102400x16xbf16, #tpu.memory_space<vmem_shared>>
    tpu.wait_indirect_dma semaphore(%arg10 : memref<!tpu.dma_semaphore, #tpu.memory_space<semaphore_mem>>) src(%dma_wait3A_24 : memref<102400x16xbf16, #tpu.memory_space<vmem_shared>>) dst(%arg9 : memref<3200x16xbf16, #tpu.memory_space<vmem>>)
    %add3A_25 = arith.constant 102400 : i32
    %add3A_26 = arith.addi %add3A_25, %mul3A_2 : i32
    %dma_start3A_27 = arith.constant 0 : i32
    %dma_start3A_28 = tpu.memref_slice %arg4[%add3A_26, %dma_start3A_27] : memref<2764800x16xbf16, #tpu.memory_space<hbm>> -> memref<3200x16xbf16, #tpu.memory_space<hbm>>
    %dma_start3A_29 = arith.constant 0 : i32
    %dma_start3A_30 = tpu.memref_slice %arg4[%add3A_26, %dma_start3A_29] : memref<2764800x16xbf16, #tpu.memory_space<hbm>> -> memref<3200x16xbf16, #tpu.memory_space<hbm>>
    tpu.enqueue_dma source(%arg9 : memref<3200x16xbf16, #tpu.memory_space<vmem>>) target(%dma_start3A_30 : memref<3200x16xbf16, #tpu.memory_space<hbm>>) target_semaphore(%arg12 : memref<!tpu.dma_semaphore, #tpu.memory_space<semaphore_mem>>)
    %dma_wait3A_31 = arith.constant 0 : i32
    %dma_wait3A_32 = tpu.memref_slice %arg4[%mul3A_2, %dma_wait3A_31] : memref<2764800x16xbf16, #tpu.memory_space<hbm>> -> memref<3200x16xbf16, #tpu.memory_space<hbm>>
    %dma_wait3A_33 = arith.constant 0 : i32
    %dma_wait3A_34 = tpu.memref_slice %arg4[%mul3A_2, %dma_wait3A_33] : memref<2764800x16xbf16, #tpu.memory_space<hbm>> -> memref<3200x16xbf16, #tpu.memory_space<hbm>>
    tpu.wait_dma2 semaphore(%arg11 : memref<!tpu.dma_semaphore, #tpu.memory_space<semaphore_mem>>) src(%arg8 : memref<3200x16xbf16, #tpu.memory_space<vmem>>) dst(%dma_wait3A_34 : memref<3200x16xbf16, #tpu.memory_space<hbm>>)
    %add3A_35 = arith.constant 204800 : i32
    %add3A_36 = arith.addi %add3A_35, %mul3A_2 : i32
    "tpu.region"() ({
      %run_scoped3A = tpu.sem_alloc : memref<!tpu.dma_semaphore, #tpu.memory_space<semaphore_mem>>
      %dma_start3A_489 = tpu.memref_slice %arg3[%add3A_36] : memref<2764800xi32, #tpu.memory_space<hbm>> -> memref<3200xi32, #tpu.memory_space<hbm>>
      %dma_start3A_490 = tpu.memref_slice %arg3[%add3A_36] : memref<2764800xi32, #tpu.memory_space<hbm>> -> memref<3200xi32, #tpu.memory_space<hbm>>
      tpu.enqueue_dma source(%dma_start3A_490 : memref<3200xi32, #tpu.memory_space<hbm>>) target(%arg6 : memref<3200xi32, #tpu.memory_space<vmem>>) target_semaphore(%run_scoped3A : memref<!tpu.dma_semaphore, #tpu.memory_space<semaphore_mem>>)
      %dma_wait3A_491 = tpu.memref_slice %arg3[%add3A_36] : memref<2764800xi32, #tpu.memory_space<hbm>> -> memref<3200xi32, #tpu.memory_space<hbm>>
      %dma_wait3A_492 = tpu.memref_slice %arg3[%add3A_36] : memref<2764800xi32, #tpu.memory_space<hbm>> -> memref<3200xi32, #tpu.memory_space<hbm>>
      tpu.wait_dma2 semaphore(%run_scoped3A : memref<!tpu.dma_semaphore, #tpu.memory_space<semaphore_mem>>) src(%dma_wait3A_492 : memref<3200xi32, #tpu.memory_space<hbm>>) dst(%arg6 : memref<3200xi32, #tpu.memory_space<vmem>>)
      tpu.yield
    }) : () -> ()
    %dma_start3A_37 = arith.constant 0 : i32
    %dma_start3A_38 = arith.constant 0 : i32
    %dma_start3A_39 = tpu.memref_slice %arg5[%dma_start3A_37, %dma_start3A_38] : memref<102400x16xbf16, #tpu.memory_space<vmem_shared>> -> memref<102400x16xbf16, #tpu.memory_space<vmem_shared>>
    tpu.enqueue_indirect_dma source(%dma_start3A_39 : memref<102400x16xbf16, #tpu.memory_space<vmem_shared>>) target(%arg8 : memref<3200x16xbf16, #tpu.memory_space<vmem>>) offsets(%arg6 : memref<3200xi32, #tpu.memory_space<vmem>>) semaphore(%arg10 : memref<!tpu.dma_semaphore, #tpu.memory_space<semaphore_mem>>)
    %dma_wait3A_40 = arith.constant 0 : i32
    %dma_wait3A_41 = arith.constant 0 : i32
    %dma_wait3A_42 = tpu.memref_slice %arg5[%dma_wait3A_40, %dma_wait3A_41] : memref<102400x16xbf16, #tpu.memory_space<vmem_shared>> -> memref<102400x16xbf16, #tpu.memory_space<vmem_shared>>
    tpu.wait_indirect_dma semaphore(%arg10 : memref<!tpu.dma_semaphore, #tpu.memory_space<semaphore_mem>>) src(%dma_wait3A_42 : memref<102400x16xbf16, #tpu.memory_space<vmem_shared>>) dst(%arg8 : memref<3200x16xbf16, #tpu.memory_space<vmem>>)
    %add3A_43 = arith.constant 204800 : i32
    %add3A_44 = arith.addi %add3A_43, %mul3A_2 : i32
    %dma_start3A_45 = arith.constant 0 : i32
    %dma_start3A_46 = tpu.memref_slice %arg4[%add3A_44, %dma_start3A_45] : memref<2764800x16xbf16, #tpu.memory_space<hbm>> -> memref<3200x16xbf16, #tpu.memory_space<hbm>>
    %dma_start3A_47 = arith.constant 0 : i32
    %dma_start3A_48 = tpu.memref_slice %arg4[%add3A_44, %dma_start3A_47] : memref<2764800x16xbf16, #tpu.memory_space<hbm>> -> memref<3200x16xbf16, #tpu.memory_space<hbm>>
    tpu.enqueue_dma source(%arg8 : memref<3200x16xbf16, #tpu.memory_space<vmem>>) target(%dma_start3A_48 : memref<3200x16xbf16, #tpu.memory_space<hbm>>) target_semaphore(%arg11 : memref<!tpu.dma_semaphore, #tpu.memory_space<semaphore_mem>>)
    %dma_wait3A_49 = arith.constant 0 : i32
    %dma_wait3A_50 = tpu.memref_slice %arg4[%mul3A_2, %dma_wait3A_49] : memref<2764800x16xbf16, #tpu.memory_space<hbm>> -> memref<3200x16xbf16, #tpu.memory_space<hbm>>
    %dma_wait3A_51 = arith.constant 0 : i32
    %dma_wait3A_52 = tpu.memref_slice %arg4[%mul3A_2, %dma_wait3A_51] : memref<2764800x16xbf16, #tpu.memory_space<hbm>> -> memref<3200x16xbf16, #tpu.memory_space<hbm>>
    tpu.wait_dma2 semaphore(%arg12 : memref<!tpu.dma_semaphore, #tpu.memory_space<semaphore_mem>>) src(%arg9 : memref<3200x16xbf16, #tpu.memory_space<vmem>>) dst(%dma_wait3A_52 : memref<3200x16xbf16, #tpu.memory_space<hbm>>)
    %add3A_53 = arith.constant 307200 : i32
    %add3A_54 = arith.addi %add3A_53, %mul3A_2 : i32
    "tpu.region"() ({
      %run_scoped3A = tpu.sem_alloc : memref<!tpu.dma_semaphore, #tpu.memory_space<semaphore_mem>>
      %dma_start3A_489 = tpu.memref_slice %arg3[%add3A_54] : memref<2764800xi32, #tpu.memory_space<hbm>> -> memref<3200xi32, #tpu.memory_space<hbm>>
      %dma_start3A_490 = tpu.memref_slice %arg3[%add3A_54] : memref<2764800xi32, #tpu.memory_space<hbm>> -> memref<3200xi32, #tpu.memory_space<hbm>>
      tpu.enqueue_dma source(%dma_start3A_490 : memref<3200xi32, #tpu.memory_space<hbm>>) target(%arg7 : memref<3200xi32, #tpu.memory_space<vmem>>) target_semaphore(%run_scoped3A : memref<!tpu.dma_semaphore, #tpu.memory_space<semaphore_mem>>)
      %dma_wait3A_491 = tpu.memref_slice %arg3[%add3A_54] : memref<2764800xi32, #tpu.memory_space<hbm>> -> memref<3200xi32, #tpu.memory_space<hbm>>
      %dma_wait3A_492 = tpu.memref_slice %arg3[%add3A_54] : memref<2764800xi32, #tpu.memory_space<hbm>> -> memref<3200xi32, #tpu.memory_space<hbm>>
      tpu.wait_dma2 semaphore(%run_scoped3A : memref<!tpu.dma_semaphore, #tpu.memory_space<semaphore_mem>>) src(%dma_wait3A_492 : memref<3200xi32, #tpu.memory_space<hbm>>) dst(%arg7 : memref<3200xi32, #tpu.memory_space<vmem>>)
      tpu.yield
    }) : () -> ()
    %dma_start3A_55 = arith.constant 0 : i32
    %dma_start3A_56 = arith.constant 0 : i32
    %dma_start3A_57 = tpu.memref_slice %arg5[%dma_start3A_55, %dma_start3A_56] : memref<102400x16xbf16, #tpu.memory_space<vmem_shared>> -> memref<102400x16xbf16, #tpu.memory_space<vmem_shared>>
    tpu.enqueue_indirect_dma source(%dma_start3A_57 : memref<102400x16xbf16, #tpu.memory_space<vmem_shared>>) target(%arg9 : memref<3200x16xbf16, #tpu.memory_space<vmem>>) offsets(%arg7 : memref<3200xi32, #tpu.memory_space<vmem>>) semaphore(%arg10 : memref<!tpu.dma_semaphore, #tpu.memory_space<semaphore_mem>>)
    %dma_wait3A_58 = arith.constant 0 : i32
    %dma_wait3A_59 = arith.constant 0 : i32
    %dma_wait3A_60 = tpu.memref_slice %arg5[%dma_wait3A_58, %dma_wait3A_59] : memref<102400x16xbf16, #tpu.memory_space<vmem_shared>> -> memref<102400x16xbf16, #tpu.memory_space<vmem_shared>>
    tpu.wait_indirect_dma semaphore(%arg10 : memref<!tpu.dma_semaphore, #tpu.memory_space<semaphore_mem>>) src(%dma_wait3A_60 : memref<102400x16xbf16, #tpu.memory_space<vmem_shared>>) dst(%arg9 : memref<3200x16xbf16, #tpu.memory_space<vmem>>)
    %add3A_61 = arith.constant 307200 : i32
    %add3A_62 = arith.addi %add3A_61, %mul3A_2 : i32
    %dma_start3A_63 = arith.constant 0 : i32
    %dma_start3A_64 = tpu.memref_slice %arg4[%add3A_62, %dma_start3A_63] : memref<2764800x16xbf16, #tpu.memory_space<hbm>> -> memref<3200x16xbf16, #tpu.memory_space<hbm>>
    %dma_start3A_65 = arith.constant 0 : i32
    %dma_start3A_66 = tpu.memref_slice %arg4[%add3A_62, %dma_start3A_65] : memref<2764800x16xbf16, #tpu.memory_space<hbm>> -> memref<3200x16xbf16, #tpu.memory_space<hbm>>
    tpu.enqueue_dma source(%arg9 : memref<3200x16xbf16, #tpu.memory_space<vmem>>) target(%dma_start3A_66 : memref<3200x16xbf16, #tpu.memory_space<hbm>>) target_semaphore(%arg12 : memref<!tpu.dma_semaphore, #tpu.memory_space<semaphore_mem>>)
    %dma_wait3A_67 = arith.constant 0 : i32
    %dma_wait3A_68 = tpu.memref_slice %arg4[%mul3A_2, %dma_wait3A_67] : memref<2764800x16xbf16, #tpu.memory_space<hbm>> -> memref<3200x16xbf16, #tpu.memory_space<hbm>>
    %dma_wait3A_69 = arith.constant 0 : i32
    %dma_wait3A_70 = tpu.memref_slice %arg4[%mul3A_2, %dma_wait3A_69] : memref<2764800x16xbf16, #tpu.memory_space<hbm>> -> memref<3200x16xbf16, #tpu.memory_space<hbm>>
    tpu.wait_dma2 semaphore(%arg11 : memref<!tpu.dma_semaphore, #tpu.memory_space<semaphore_mem>>) src(%arg8 : memref<3200x16xbf16, #tpu.memory_space<vmem>>) dst(%dma_wait3A_70 : memref<3200x16xbf16, #tpu.memory_space<hbm>>)
    %add3A_71 = arith.constant 409600 : i32
    %add3A_72 = arith.addi %add3A_71, %mul3A_2 : i32
    "tpu.region"() ({
      %run_scoped3A = tpu.sem_alloc : memref<!tpu.dma_semaphore, #tpu.memory_space<semaphore_mem>>
      %dma_start3A_489 = tpu.memref_slice %arg3[%add3A_72] : memref<2764800xi32, #tpu.memory_space<hbm>> -> memref<3200xi32, #tpu.memory_space<hbm>>
      %dma_start3A_490 = tpu.memref_slice %arg3[%add3A_72] : memref<2764800xi32, #tpu.memory_space<hbm>> -> memref<3200xi32, #tpu.memory_space<hbm>>
      tpu.enqueue_dma source(%dma_start3A_490 : memref<3200xi32, #tpu.memory_space<hbm>>) target(%arg6 : memref<3200xi32, #tpu.memory_space<vmem>>) target_semaphore(%run_scoped3A : memref<!tpu.dma_semaphore, #tpu.memory_space<semaphore_mem>>)
      %dma_wait3A_491 = tpu.memref_slice %arg3[%add3A_72] : memref<2764800xi32, #tpu.memory_space<hbm>> -> memref<3200xi32, #tpu.memory_space<hbm>>
      %dma_wait3A_492 = tpu.memref_slice %arg3[%add3A_72] : memref<2764800xi32, #tpu.memory_space<hbm>> -> memref<3200xi32, #tpu.memory_space<hbm>>
      tpu.wait_dma2 semaphore(%run_scoped3A : memref<!tpu.dma_semaphore, #tpu.memory_space<semaphore_mem>>) src(%dma_wait3A_492 : memref<3200xi32, #tpu.memory_space<hbm>>) dst(%arg6 : memref<3200xi32, #tpu.memory_space<vmem>>)
      tpu.yield
    }) : () -> ()
    %dma_start3A_73 = arith.constant 0 : i32
    %dma_start3A_74 = arith.constant 0 : i32
    %dma_start3A_75 = tpu.memref_slice %arg5[%dma_start3A_73, %dma_start3A_74] : memref<102400x16xbf16, #tpu.memory_space<vmem_shared>> -> memref<102400x16xbf16, #tpu.memory_space<vmem_shared>>
    tpu.enqueue_indirect_dma source(%dma_start3A_75 : memref<102400x16xbf16, #tpu.memory_space<vmem_shared>>) target(%arg8 : memref<3200x16xbf16, #tpu.memory_space<vmem>>) offsets(%arg6 : memref<3200xi32, #tpu.memory_space<vmem>>) semaphore(%arg10 : memref<!tpu.dma_semaphore, #tpu.memory_space<semaphore_mem>>)
    %dma_wait3A_76 = arith.constant 0 : i32
    %dma_wait3A_77 = arith.constant 0 : i32
    %dma_wait3A_78 = tpu.memref_slice %arg5[%dma_wait3A_76, %dma_wait3A_77] : memref<102400x16xbf16, #tpu.memory_space<vmem_shared>> -> memref<102400x16xbf16, #tpu.memory_space<vmem_shared>>
    tpu.wait_indirect_dma semaphore(%arg10 : memref<!tpu.dma_semaphore, #tpu.memory_space<semaphore_mem>>) src(%dma_wait3A_78 : memref<102400x16xbf16, #tpu.memory_space<vmem_shared>>) dst(%arg8 : memref<3200x16xbf16, #tpu.memory_space<vmem>>)
    %add3A_79 = arith.constant 409600 : i32
    %add3A_80 = arith.addi %add3A_79, %mul3A_2 : i32
    %dma_start3A_81 = arith.constant 0 : i32
    %dma_start3A_82 = tpu.memref_slice %arg4[%add3A_80, %dma_start3A_81] : memref<2764800x16xbf16, #tpu.memory_space<hbm>> -> memref<3200x16xbf16, #tpu.memory_space<hbm>>
    %dma_start3A_83 = arith.constant 0 : i32
    %dma_start3A_84 = tpu.memref_slice %arg4[%add3A_80, %dma_start3A_83] : memref<2764800x16xbf16, #tpu.memory_space<hbm>> -> memref<3200x16xbf16, #tpu.memory_space<hbm>>
    tpu.enqueue_dma source(%arg8 : memref<3200x16xbf16, #tpu.memory_space<vmem>>) target(%dma_start3A_84 : memref<3200x16xbf16, #tpu.memory_space<hbm>>) target_semaphore(%arg11 : memref<!tpu.dma_semaphore, #tpu.memory_space<semaphore_mem>>)
    %dma_wait3A_85 = arith.constant 0 : i32
    %dma_wait3A_86 = tpu.memref_slice %arg4[%mul3A_2, %dma_wait3A_85] : memref<2764800x16xbf16, #tpu.memory_space<hbm>> -> memref<3200x16xbf16, #tpu.memory_space<hbm>>
    %dma_wait3A_87 = arith.constant 0 : i32
    %dma_wait3A_88 = tpu.memref_slice %arg4[%mul3A_2, %dma_wait3A_87] : memref<2764800x16xbf16, #tpu.memory_space<hbm>> -> memref<3200x16xbf16, #tpu.memory_space<hbm>>
    tpu.wait_dma2 semaphore(%arg12 : memref<!tpu.dma_semaphore, #tpu.memory_space<semaphore_mem>>) src(%arg9 : memref<3200x16xbf16, #tpu.memory_space<vmem>>) dst(%dma_wait3A_88 : memref<3200x16xbf16, #tpu.memory_space<hbm>>)
    %add3A_89 = arith.constant 512000 : i32
    %add3A_90 = arith.addi %add3A_89, %mul3A_2 : i32
    "tpu.region"() ({
      %run_scoped3A = tpu.sem_alloc : memref<!tpu.dma_semaphore, #tpu.memory_space<semaphore_mem>>
      %dma_start3A_489 = tpu.memref_slice %arg3[%add3A_90] : memref<2764800xi32, #tpu.memory_space<hbm>> -> memref<3200xi32, #tpu.memory_space<hbm>>
      %dma_start3A_490 = tpu.memref_slice %arg3[%add3A_90] : memref<2764800xi32, #tpu.memory_space<hbm>> -> memref<3200xi32, #tpu.memory_space<hbm>>
      tpu.enqueue_dma source(%dma_start3A_490 : memref<3200xi32, #tpu.memory_space<hbm>>) target(%arg7 : memref<3200xi32, #tpu.memory_space<vmem>>) target_semaphore(%run_scoped3A : memref<!tpu.dma_semaphore, #tpu.memory_space<semaphore_mem>>)
      %dma_wait3A_491 = tpu.memref_slice %arg3[%add3A_90] : memref<2764800xi32, #tpu.memory_space<hbm>> -> memref<3200xi32, #tpu.memory_space<hbm>>
      %dma_wait3A_492 = tpu.memref_slice %arg3[%add3A_90] : memref<2764800xi32, #tpu.memory_space<hbm>> -> memref<3200xi32, #tpu.memory_space<hbm>>
      tpu.wait_dma2 semaphore(%run_scoped3A : memref<!tpu.dma_semaphore, #tpu.memory_space<semaphore_mem>>) src(%dma_wait3A_492 : memref<3200xi32, #tpu.memory_space<hbm>>) dst(%arg7 : memref<3200xi32, #tpu.memory_space<vmem>>)
      tpu.yield
    }) : () -> ()
    %dma_start3A_91 = arith.constant 0 : i32
    %dma_start3A_92 = arith.constant 0 : i32
    %dma_start3A_93 = tpu.memref_slice %arg5[%dma_start3A_91, %dma_start3A_92] : memref<102400x16xbf16, #tpu.memory_space<vmem_shared>> -> memref<102400x16xbf16, #tpu.memory_space<vmem_shared>>
    tpu.enqueue_indirect_dma source(%dma_start3A_93 : memref<102400x16xbf16, #tpu.memory_space<vmem_shared>>) target(%arg9 : memref<3200x16xbf16, #tpu.memory_space<vmem>>) offsets(%arg7 : memref<3200xi32, #tpu.memory_space<vmem>>) semaphore(%arg10 : memref<!tpu.dma_semaphore, #tpu.memory_space<semaphore_mem>>)
    %dma_wait3A_94 = arith.constant 0 : i32
    %dma_wait3A_95 = arith.constant 0 : i32
    %dma_wait3A_96 = tpu.memref_slice %arg5[%dma_wait3A_94, %dma_wait3A_95] : memref<102400x16xbf16, #tpu.memory_space<vmem_shared>> -> memref<102400x16xbf16, #tpu.memory_space<vmem_shared>>
    tpu.wait_indirect_dma semaphore(%arg10 : memref<!tpu.dma_semaphore, #tpu.memory_space<semaphore_mem>>) src(%dma_wait3A_96 : memref<102400x16xbf16, #tpu.memory_space<vmem_shared>>) dst(%arg9 : memref<3200x16xbf16, #tpu.memory_space<vmem>>)
    %add3A_97 = arith.constant 512000 : i32
    %add3A_98 = arith.addi %add3A_97, %mul3A_2 : i32
    %dma_start3A_99 = arith.constant 0 : i32
    %dma_start3A_100 = tpu.memref_slice %arg4[%add3A_98, %dma_start3A_99] : memref<2764800x16xbf16, #tpu.memory_space<hbm>> -> memref<3200x16xbf16, #tpu.memory_space<hbm>>
    %dma_start3A_101 = arith.constant 0 : i32
    %dma_start3A_102 = tpu.memref_slice %arg4[%add3A_98, %dma_start3A_101] : memref<2764800x16xbf16, #tpu.memory_space<hbm>> -> memref<3200x16xbf16, #tpu.memory_space<hbm>>
    tpu.enqueue_dma source(%arg9 : memref<3200x16xbf16, #tpu.memory_space<vmem>>) target(%dma_start3A_102 : memref<3200x16xbf16, #tpu.memory_space<hbm>>) target_semaphore(%arg12 : memref<!tpu.dma_semaphore, #tpu.memory_space<semaphore_mem>>)
    %dma_wait3A_103 = arith.constant 0 : i32
    %dma_wait3A_104 = tpu.memref_slice %arg4[%mul3A_2, %dma_wait3A_103] : memref<2764800x16xbf16, #tpu.memory_space<hbm>> -> memref<3200x16xbf16, #tpu.memory_space<hbm>>
    %dma_wait3A_105 = arith.constant 0 : i32
    %dma_wait3A_106 = tpu.memref_slice %arg4[%mul3A_2, %dma_wait3A_105] : memref<2764800x16xbf16, #tpu.memory_space<hbm>> -> memref<3200x16xbf16, #tpu.memory_space<hbm>>
    tpu.wait_dma2 semaphore(%arg11 : memref<!tpu.dma_semaphore, #tpu.memory_space<semaphore_mem>>) src(%arg8 : memref<3200x16xbf16, #tpu.memory_space<vmem>>) dst(%dma_wait3A_106 : memref<3200x16xbf16, #tpu.memory_space<hbm>>)
    %add3A_107 = arith.constant 614400 : i32
    %add3A_108 = arith.addi %add3A_107, %mul3A_2 : i32
    "tpu.region"() ({
      %run_scoped3A = tpu.sem_alloc : memref<!tpu.dma_semaphore, #tpu.memory_space<semaphore_mem>>
      %dma_start3A_489 = tpu.memref_slice %arg3[%add3A_108] : memref<2764800xi32, #tpu.memory_space<hbm>> -> memref<3200xi32, #tpu.memory_space<hbm>>
      %dma_start3A_490 = tpu.memref_slice %arg3[%add3A_108] : memref<2764800xi32, #tpu.memory_space<hbm>> -> memref<3200xi32, #tpu.memory_space<hbm>>
      tpu.enqueue_dma source(%dma_start3A_490 : memref<3200xi32, #tpu.memory_space<hbm>>) target(%arg6 : memref<3200xi32, #tpu.memory_space<vmem>>) target_semaphore(%run_scoped3A : memref<!tpu.dma_semaphore, #tpu.memory_space<semaphore_mem>>)
      %dma_wait3A_491 = tpu.memref_slice %arg3[%add3A_108] : memref<2764800xi32, #tpu.memory_space<hbm>> -> memref<3200xi32, #tpu.memory_space<hbm>>
      %dma_wait3A_492 = tpu.memref_slice %arg3[%add3A_108] : memref<2764800xi32, #tpu.memory_space<hbm>> -> memref<3200xi32, #tpu.memory_space<hbm>>
      tpu.wait_dma2 semaphore(%run_scoped3A : memref<!tpu.dma_semaphore, #tpu.memory_space<semaphore_mem>>) src(%dma_wait3A_492 : memref<3200xi32, #tpu.memory_space<hbm>>) dst(%arg6 : memref<3200xi32, #tpu.memory_space<vmem>>)
      tpu.yield
    }) : () -> ()
    %dma_start3A_109 = arith.constant 0 : i32
    %dma_start3A_110 = arith.constant 0 : i32
    %dma_start3A_111 = tpu.memref_slice %arg5[%dma_start3A_109, %dma_start3A_110] : memref<102400x16xbf16, #tpu.memory_space<vmem_shared>> -> memref<102400x16xbf16, #tpu.memory_space<vmem_shared>>
    tpu.enqueue_indirect_dma source(%dma_start3A_111 : memref<102400x16xbf16, #tpu.memory_space<vmem_shared>>) target(%arg8 : memref<3200x16xbf16, #tpu.memory_space<vmem>>) offsets(%arg6 : memref<3200xi32, #tpu.memory_space<vmem>>) semaphore(%arg10 : memref<!tpu.dma_semaphore, #tpu.memory_space<semaphore_mem>>)
    %dma_wait3A_112 = arith.constant 0 : i32
    %dma_wait3A_113 = arith.constant 0 : i32
    %dma_wait3A_114 = tpu.memref_slice %arg5[%dma_wait3A_112, %dma_wait3A_113] : memref<102400x16xbf16, #tpu.memory_space<vmem_shared>> -> memref<102400x16xbf16, #tpu.memory_space<vmem_shared>>
    tpu.wait_indirect_dma semaphore(%arg10 : memref<!tpu.dma_semaphore, #tpu.memory_space<semaphore_mem>>) src(%dma_wait3A_114 : memref<102400x16xbf16, #tpu.memory_space<vmem_shared>>) dst(%arg8 : memref<3200x16xbf16, #tpu.memory_space<vmem>>)
    %add3A_115 = arith.constant 614400 : i32
    %add3A_116 = arith.addi %add3A_115, %mul3A_2 : i32
    %dma_start3A_117 = arith.constant 0 : i32
    %dma_start3A_118 = tpu.memref_slice %arg4[%add3A_116, %dma_start3A_117] : memref<2764800x16xbf16, #tpu.memory_space<hbm>> -> memref<3200x16xbf16, #tpu.memory_space<hbm>>
    %dma_start3A_119 = arith.constant 0 : i32
    %dma_start3A_120 = tpu.memref_slice %arg4[%add3A_116, %dma_start3A_119] : memref<2764800x16xbf16, #tpu.memory_space<hbm>> -> memref<3200x16xbf16, #tpu.memory_space<hbm>>
    tpu.enqueue_dma source(%arg8 : memref<3200x16xbf16, #tpu.memory_space<vmem>>) target(%dma_start3A_120 : memref<3200x16xbf16, #tpu.memory_space<hbm>>) target_semaphore(%arg11 : memref<!tpu.dma_semaphore, #tpu.memory_space<semaphore_mem>>)
    %dma_wait3A_121 = arith.constant 0 : i32
    %dma_wait3A_122 = tpu.memref_slice %arg4[%mul3A_2, %dma_wait3A_121] : memref<2764800x16xbf16, #tpu.memory_space<hbm>> -> memref<3200x16xbf16, #tpu.memory_space<hbm>>
    %dma_wait3A_123 = arith.constant 0 : i32
    %dma_wait3A_124 = tpu.memref_slice %arg4[%mul3A_2, %dma_wait3A_123] : memref<2764800x16xbf16, #tpu.memory_space<hbm>> -> memref<3200x16xbf16, #tpu.memory_space<hbm>>
    tpu.wait_dma2 semaphore(%arg12 : memref<!tpu.dma_semaphore, #tpu.memory_space<semaphore_mem>>) src(%arg9 : memref<3200x16xbf16, #tpu.memory_space<vmem>>) dst(%dma_wait3A_124 : memref<3200x16xbf16, #tpu.memory_space<hbm>>)
    %add3A_125 = arith.constant 716800 : i32
    %add3A_126 = arith.addi %add3A_125, %mul3A_2 : i32
    "tpu.region"() ({
      %run_scoped3A = tpu.sem_alloc : memref<!tpu.dma_semaphore, #tpu.memory_space<semaphore_mem>>
      %dma_start3A_489 = tpu.memref_slice %arg3[%add3A_126] : memref<2764800xi32, #tpu.memory_space<hbm>> -> memref<3200xi32, #tpu.memory_space<hbm>>
      %dma_start3A_490 = tpu.memref_slice %arg3[%add3A_126] : memref<2764800xi32, #tpu.memory_space<hbm>> -> memref<3200xi32, #tpu.memory_space<hbm>>
      tpu.enqueue_dma source(%dma_start3A_490 : memref<3200xi32, #tpu.memory_space<hbm>>) target(%arg7 : memref<3200xi32, #tpu.memory_space<vmem>>) target_semaphore(%run_scoped3A : memref<!tpu.dma_semaphore, #tpu.memory_space<semaphore_mem>>)
      %dma_wait3A_491 = tpu.memref_slice %arg3[%add3A_126] : memref<2764800xi32, #tpu.memory_space<hbm>> -> memref<3200xi32, #tpu.memory_space<hbm>>
      %dma_wait3A_492 = tpu.memref_slice %arg3[%add3A_126] : memref<2764800xi32, #tpu.memory_space<hbm>> -> memref<3200xi32, #tpu.memory_space<hbm>>
      tpu.wait_dma2 semaphore(%run_scoped3A : memref<!tpu.dma_semaphore, #tpu.memory_space<semaphore_mem>>) src(%dma_wait3A_492 : memref<3200xi32, #tpu.memory_space<hbm>>) dst(%arg7 : memref<3200xi32, #tpu.memory_space<vmem>>)
      tpu.yield
    }) : () -> ()
    %dma_start3A_127 = arith.constant 0 : i32
    %dma_start3A_128 = arith.constant 0 : i32
    %dma_start3A_129 = tpu.memref_slice %arg5[%dma_start3A_127, %dma_start3A_128] : memref<102400x16xbf16, #tpu.memory_space<vmem_shared>> -> memref<102400x16xbf16, #tpu.memory_space<vmem_shared>>
    tpu.enqueue_indirect_dma source(%dma_start3A_129 : memref<102400x16xbf16, #tpu.memory_space<vmem_shared>>) target(%arg9 : memref<3200x16xbf16, #tpu.memory_space<vmem>>) offsets(%arg7 : memref<3200xi32, #tpu.memory_space<vmem>>) semaphore(%arg10 : memref<!tpu.dma_semaphore, #tpu.memory_space<semaphore_mem>>)
    %dma_wait3A_130 = arith.constant 0 : i32
    %dma_wait3A_131 = arith.constant 0 : i32
    %dma_wait3A_132 = tpu.memref_slice %arg5[%dma_wait3A_130, %dma_wait3A_131] : memref<102400x16xbf16, #tpu.memory_space<vmem_shared>> -> memref<102400x16xbf16, #tpu.memory_space<vmem_shared>>
    tpu.wait_indirect_dma semaphore(%arg10 : memref<!tpu.dma_semaphore, #tpu.memory_space<semaphore_mem>>) src(%dma_wait3A_132 : memref<102400x16xbf16, #tpu.memory_space<vmem_shared>>) dst(%arg9 : memref<3200x16xbf16, #tpu.memory_space<vmem>>)
    %add3A_133 = arith.constant 716800 : i32
    %add3A_134 = arith.addi %add3A_133, %mul3A_2 : i32
    %dma_start3A_135 = arith.constant 0 : i32
    %dma_start3A_136 = tpu.memref_slice %arg4[%add3A_134, %dma_start3A_135] : memref<2764800x16xbf16, #tpu.memory_space<hbm>> -> memref<3200x16xbf16, #tpu.memory_space<hbm>>
    %dma_start3A_137 = arith.constant 0 : i32
    %dma_start3A_138 = tpu.memref_slice %arg4[%add3A_134, %dma_start3A_137] : memref<2764800x16xbf16, #tpu.memory_space<hbm>> -> memref<3200x16xbf16, #tpu.memory_space<hbm>>
    tpu.enqueue_dma source(%arg9 : memref<3200x16xbf16, #tpu.memory_space<vmem>>) target(%dma_start3A_138 : memref<3200x16xbf16, #tpu.memory_space<hbm>>) target_semaphore(%arg12 : memref<!tpu.dma_semaphore, #tpu.memory_space<semaphore_mem>>)
    %dma_wait3A_139 = arith.constant 0 : i32
    %dma_wait3A_140 = tpu.memref_slice %arg4[%mul3A_2, %dma_wait3A_139] : memref<2764800x16xbf16, #tpu.memory_space<hbm>> -> memref<3200x16xbf16, #tpu.memory_space<hbm>>
    %dma_wait3A_141 = arith.constant 0 : i32
    %dma_wait3A_142 = tpu.memref_slice %arg4[%mul3A_2, %dma_wait3A_141] : memref<2764800x16xbf16, #tpu.memory_space<hbm>> -> memref<3200x16xbf16, #tpu.memory_space<hbm>>
    tpu.wait_dma2 semaphore(%arg11 : memref<!tpu.dma_semaphore, #tpu.memory_space<semaphore_mem>>) src(%arg8 : memref<3200x16xbf16, #tpu.memory_space<vmem>>) dst(%dma_wait3A_142 : memref<3200x16xbf16, #tpu.memory_space<hbm>>)
    %add3A_143 = arith.constant 819200 : i32
    %add3A_144 = arith.addi %add3A_143, %mul3A_2 : i32
    "tpu.region"() ({
      %run_scoped3A = tpu.sem_alloc : memref<!tpu.dma_semaphore, #tpu.memory_space<semaphore_mem>>
      %dma_start3A_489 = tpu.memref_slice %arg3[%add3A_144] : memref<2764800xi32, #tpu.memory_space<hbm>> -> memref<3200xi32, #tpu.memory_space<hbm>>
      %dma_start3A_490 = tpu.memref_slice %arg3[%add3A_144] : memref<2764800xi32, #tpu.memory_space<hbm>> -> memref<3200xi32, #tpu.memory_space<hbm>>
      tpu.enqueue_dma source(%dma_start3A_490 : memref<3200xi32, #tpu.memory_space<hbm>>) target(%arg6 : memref<3200xi32, #tpu.memory_space<vmem>>) target_semaphore(%run_scoped3A : memref<!tpu.dma_semaphore, #tpu.memory_space<semaphore_mem>>)
      %dma_wait3A_491 = tpu.memref_slice %arg3[%add3A_144] : memref<2764800xi32, #tpu.memory_space<hbm>> -> memref<3200xi32, #tpu.memory_space<hbm>>
      %dma_wait3A_492 = tpu.memref_slice %arg3[%add3A_144] : memref<2764800xi32, #tpu.memory_space<hbm>> -> memref<3200xi32, #tpu.memory_space<hbm>>
      tpu.wait_dma2 semaphore(%run_scoped3A : memref<!tpu.dma_semaphore, #tpu.memory_space<semaphore_mem>>) src(%dma_wait3A_492 : memref<3200xi32, #tpu.memory_space<hbm>>) dst(%arg6 : memref<3200xi32, #tpu.memory_space<vmem>>)
      tpu.yield
    }) : () -> ()
    %dma_start3A_145 = arith.constant 0 : i32
    %dma_start3A_146 = arith.constant 0 : i32
    %dma_start3A_147 = tpu.memref_slice %arg5[%dma_start3A_145, %dma_start3A_146] : memref<102400x16xbf16, #tpu.memory_space<vmem_shared>> -> memref<102400x16xbf16, #tpu.memory_space<vmem_shared>>
    tpu.enqueue_indirect_dma source(%dma_start3A_147 : memref<102400x16xbf16, #tpu.memory_space<vmem_shared>>) target(%arg8 : memref<3200x16xbf16, #tpu.memory_space<vmem>>) offsets(%arg6 : memref<3200xi32, #tpu.memory_space<vmem>>) semaphore(%arg10 : memref<!tpu.dma_semaphore, #tpu.memory_space<semaphore_mem>>)
    %dma_wait3A_148 = arith.constant 0 : i32
    %dma_wait3A_149 = arith.constant 0 : i32
    %dma_wait3A_150 = tpu.memref_slice %arg5[%dma_wait3A_148, %dma_wait3A_149] : memref<102400x16xbf16, #tpu.memory_space<vmem_shared>> -> memref<102400x16xbf16, #tpu.memory_space<vmem_shared>>
    tpu.wait_indirect_dma semaphore(%arg10 : memref<!tpu.dma_semaphore, #tpu.memory_space<semaphore_mem>>) src(%dma_wait3A_150 : memref<102400x16xbf16, #tpu.memory_space<vmem_shared>>) dst(%arg8 : memref<3200x16xbf16, #tpu.memory_space<vmem>>)
    %add3A_151 = arith.constant 819200 : i32
    %add3A_152 = arith.addi %add3A_151, %mul3A_2 : i32
    %dma_start3A_153 = arith.constant 0 : i32
    %dma_start3A_154 = tpu.memref_slice %arg4[%add3A_152, %dma_start3A_153] : memref<2764800x16xbf16, #tpu.memory_space<hbm>> -> memref<3200x16xbf16, #tpu.memory_space<hbm>>
    %dma_start3A_155 = arith.constant 0 : i32
    %dma_start3A_156 = tpu.memref_slice %arg4[%add3A_152, %dma_start3A_155] : memref<2764800x16xbf16, #tpu.memory_space<hbm>> -> memref<3200x16xbf16, #tpu.memory_space<hbm>>
    tpu.enqueue_dma source(%arg8 : memref<3200x16xbf16, #tpu.memory_space<vmem>>) target(%dma_start3A_156 : memref<3200x16xbf16, #tpu.memory_space<hbm>>) target_semaphore(%arg11 : memref<!tpu.dma_semaphore, #tpu.memory_space<semaphore_mem>>)
    %dma_wait3A_157 = arith.constant 0 : i32
    %dma_wait3A_158 = tpu.memref_slice %arg4[%mul3A_2, %dma_wait3A_157] : memref<2764800x16xbf16, #tpu.memory_space<hbm>> -> memref<3200x16xbf16, #tpu.memory_space<hbm>>
    %dma_wait3A_159 = arith.constant 0 : i32
    %dma_wait3A_160 = tpu.memref_slice %arg4[%mul3A_2, %dma_wait3A_159] : memref<2764800x16xbf16, #tpu.memory_space<hbm>> -> memref<3200x16xbf16, #tpu.memory_space<hbm>>
    tpu.wait_dma2 semaphore(%arg12 : memref<!tpu.dma_semaphore, #tpu.memory_space<semaphore_mem>>) src(%arg9 : memref<3200x16xbf16, #tpu.memory_space<vmem>>) dst(%dma_wait3A_160 : memref<3200x16xbf16, #tpu.memory_space<hbm>>)
    %add3A_161 = arith.constant 921600 : i32
    %add3A_162 = arith.addi %add3A_161, %mul3A_2 : i32
    "tpu.region"() ({
      %run_scoped3A = tpu.sem_alloc : memref<!tpu.dma_semaphore, #tpu.memory_space<semaphore_mem>>
      %dma_start3A_489 = tpu.memref_slice %arg3[%add3A_162] : memref<2764800xi32, #tpu.memory_space<hbm>> -> memref<3200xi32, #tpu.memory_space<hbm>>
      %dma_start3A_490 = tpu.memref_slice %arg3[%add3A_162] : memref<2764800xi32, #tpu.memory_space<hbm>> -> memref<3200xi32, #tpu.memory_space<hbm>>
      tpu.enqueue_dma source(%dma_start3A_490 : memref<3200xi32, #tpu.memory_space<hbm>>) target(%arg7 : memref<3200xi32, #tpu.memory_space<vmem>>) target_semaphore(%run_scoped3A : memref<!tpu.dma_semaphore, #tpu.memory_space<semaphore_mem>>)
      %dma_wait3A_491 = tpu.memref_slice %arg3[%add3A_162] : memref<2764800xi32, #tpu.memory_space<hbm>> -> memref<3200xi32, #tpu.memory_space<hbm>>
      %dma_wait3A_492 = tpu.memref_slice %arg3[%add3A_162] : memref<2764800xi32, #tpu.memory_space<hbm>> -> memref<3200xi32, #tpu.memory_space<hbm>>
      tpu.wait_dma2 semaphore(%run_scoped3A : memref<!tpu.dma_semaphore, #tpu.memory_space<semaphore_mem>>) src(%dma_wait3A_492 : memref<3200xi32, #tpu.memory_space<hbm>>) dst(%arg7 : memref<3200xi32, #tpu.memory_space<vmem>>)
      tpu.yield
    }) : () -> ()
    %dma_start3A_163 = arith.constant 0 : i32
    %dma_start3A_164 = arith.constant 0 : i32
    %dma_start3A_165 = tpu.memref_slice %arg5[%dma_start3A_163, %dma_start3A_164] : memref<102400x16xbf16, #tpu.memory_space<vmem_shared>> -> memref<102400x16xbf16, #tpu.memory_space<vmem_shared>>
    tpu.enqueue_indirect_dma source(%dma_start3A_165 : memref<102400x16xbf16, #tpu.memory_space<vmem_shared>>) target(%arg9 : memref<3200x16xbf16, #tpu.memory_space<vmem>>) offsets(%arg7 : memref<3200xi32, #tpu.memory_space<vmem>>) semaphore(%arg10 : memref<!tpu.dma_semaphore, #tpu.memory_space<semaphore_mem>>)
    %dma_wait3A_166 = arith.constant 0 : i32
    %dma_wait3A_167 = arith.constant 0 : i32
    %dma_wait3A_168 = tpu.memref_slice %arg5[%dma_wait3A_166, %dma_wait3A_167] : memref<102400x16xbf16, #tpu.memory_space<vmem_shared>> -> memref<102400x16xbf16, #tpu.memory_space<vmem_shared>>
    tpu.wait_indirect_dma semaphore(%arg10 : memref<!tpu.dma_semaphore, #tpu.memory_space<semaphore_mem>>) src(%dma_wait3A_168 : memref<102400x16xbf16, #tpu.memory_space<vmem_shared>>) dst(%arg9 : memref<3200x16xbf16, #tpu.memory_space<vmem>>)
    %add3A_169 = arith.constant 921600 : i32
    %add3A_170 = arith.addi %add3A_169, %mul3A_2 : i32
    %dma_start3A_171 = arith.constant 0 : i32
    %dma_start3A_172 = tpu.memref_slice %arg4[%add3A_170, %dma_start3A_171] : memref<2764800x16xbf16, #tpu.memory_space<hbm>> -> memref<3200x16xbf16, #tpu.memory_space<hbm>>
    %dma_start3A_173 = arith.constant 0 : i32
    %dma_start3A_174 = tpu.memref_slice %arg4[%add3A_170, %dma_start3A_173] : memref<2764800x16xbf16, #tpu.memory_space<hbm>> -> memref<3200x16xbf16, #tpu.memory_space<hbm>>
    tpu.enqueue_dma source(%arg9 : memref<3200x16xbf16, #tpu.memory_space<vmem>>) target(%dma_start3A_174 : memref<3200x16xbf16, #tpu.memory_space<hbm>>) target_semaphore(%arg12 : memref<!tpu.dma_semaphore, #tpu.memory_space<semaphore_mem>>)
    %dma_wait3A_175 = arith.constant 0 : i32
    %dma_wait3A_176 = tpu.memref_slice %arg4[%mul3A_2, %dma_wait3A_175] : memref<2764800x16xbf16, #tpu.memory_space<hbm>> -> memref<3200x16xbf16, #tpu.memory_space<hbm>>
    %dma_wait3A_177 = arith.constant 0 : i32
    %dma_wait3A_178 = tpu.memref_slice %arg4[%mul3A_2, %dma_wait3A_177] : memref<2764800x16xbf16, #tpu.memory_space<hbm>> -> memref<3200x16xbf16, #tpu.memory_space<hbm>>
    tpu.wait_dma2 semaphore(%arg11 : memref<!tpu.dma_semaphore, #tpu.memory_space<semaphore_mem>>) src(%arg8 : memref<3200x16xbf16, #tpu.memory_space<vmem>>) dst(%dma_wait3A_178 : memref<3200x16xbf16, #tpu.memory_space<hbm>>)
    %add3A_179 = arith.constant 1024000 : i32
    %add3A_180 = arith.addi %add3A_179, %mul3A_2 : i32
    "tpu.region"() ({
      %run_scoped3A = tpu.sem_alloc : memref<!tpu.dma_semaphore, #tpu.memory_space<semaphore_mem>>
      %dma_start3A_489 = tpu.memref_slice %arg3[%add3A_180] : memref<2764800xi32, #tpu.memory_space<hbm>> -> memref<3200xi32, #tpu.memory_space<hbm>>
      %dma_start3A_490 = tpu.memref_slice %arg3[%add3A_180] : memref<2764800xi32, #tpu.memory_space<hbm>> -> memref<3200xi32, #tpu.memory_space<hbm>>
      tpu.enqueue_dma source(%dma_start3A_490 : memref<3200xi32, #tpu.memory_space<hbm>>) target(%arg6 : memref<3200xi32, #tpu.memory_space<vmem>>) target_semaphore(%run_scoped3A : memref<!tpu.dma_semaphore, #tpu.memory_space<semaphore_mem>>)
      %dma_wait3A_491 = tpu.memref_slice %arg3[%add3A_180] : memref<2764800xi32, #tpu.memory_space<hbm>> -> memref<3200xi32, #tpu.memory_space<hbm>>
      %dma_wait3A_492 = tpu.memref_slice %arg3[%add3A_180] : memref<2764800xi32, #tpu.memory_space<hbm>> -> memref<3200xi32, #tpu.memory_space<hbm>>
      tpu.wait_dma2 semaphore(%run_scoped3A : memref<!tpu.dma_semaphore, #tpu.memory_space<semaphore_mem>>) src(%dma_wait3A_492 : memref<3200xi32, #tpu.memory_space<hbm>>) dst(%arg6 : memref<3200xi32, #tpu.memory_space<vmem>>)
      tpu.yield
    }) : () -> ()
    %dma_start3A_181 = arith.constant 0 : i32
    %dma_start3A_182 = arith.constant 0 : i32
    %dma_start3A_183 = tpu.memref_slice %arg5[%dma_start3A_181, %dma_start3A_182] : memref<102400x16xbf16, #tpu.memory_space<vmem_shared>> -> memref<102400x16xbf16, #tpu.memory_space<vmem_shared>>
    tpu.enqueue_indirect_dma source(%dma_start3A_183 : memref<102400x16xbf16, #tpu.memory_space<vmem_shared>>) target(%arg8 : memref<3200x16xbf16, #tpu.memory_space<vmem>>) offsets(%arg6 : memref<3200xi32, #tpu.memory_space<vmem>>) semaphore(%arg10 : memref<!tpu.dma_semaphore, #tpu.memory_space<semaphore_mem>>)
    %dma_wait3A_184 = arith.constant 0 : i32
    %dma_wait3A_185 = arith.constant 0 : i32
    %dma_wait3A_186 = tpu.memref_slice %arg5[%dma_wait3A_184, %dma_wait3A_185] : memref<102400x16xbf16, #tpu.memory_space<vmem_shared>> -> memref<102400x16xbf16, #tpu.memory_space<vmem_shared>>
    tpu.wait_indirect_dma semaphore(%arg10 : memref<!tpu.dma_semaphore, #tpu.memory_space<semaphore_mem>>) src(%dma_wait3A_186 : memref<102400x16xbf16, #tpu.memory_space<vmem_shared>>) dst(%arg8 : memref<3200x16xbf16, #tpu.memory_space<vmem>>)
    %add3A_187 = arith.constant 1024000 : i32
    %add3A_188 = arith.addi %add3A_187, %mul3A_2 : i32
    %dma_start3A_189 = arith.constant 0 : i32
    %dma_start3A_190 = tpu.memref_slice %arg4[%add3A_188, %dma_start3A_189] : memref<2764800x16xbf16, #tpu.memory_space<hbm>> -> memref<3200x16xbf16, #tpu.memory_space<hbm>>
    %dma_start3A_191 = arith.constant 0 : i32
    %dma_start3A_192 = tpu.memref_slice %arg4[%add3A_188, %dma_start3A_191] : memref<2764800x16xbf16, #tpu.memory_space<hbm>> -> memref<3200x16xbf16, #tpu.memory_space<hbm>>
    tpu.enqueue_dma source(%arg8 : memref<3200x16xbf16, #tpu.memory_space<vmem>>) target(%dma_start3A_192 : memref<3200x16xbf16, #tpu.memory_space<hbm>>) target_semaphore(%arg11 : memref<!tpu.dma_semaphore, #tpu.memory_space<semaphore_mem>>)
    %dma_wait3A_193 = arith.constant 0 : i32
    %dma_wait3A_194 = tpu.memref_slice %arg4[%mul3A_2, %dma_wait3A_193] : memref<2764800x16xbf16, #tpu.memory_space<hbm>> -> memref<3200x16xbf16, #tpu.memory_space<hbm>>
    %dma_wait3A_195 = arith.constant 0 : i32
    %dma_wait3A_196 = tpu.memref_slice %arg4[%mul3A_2, %dma_wait3A_195] : memref<2764800x16xbf16, #tpu.memory_space<hbm>> -> memref<3200x16xbf16, #tpu.memory_space<hbm>>
    tpu.wait_dma2 semaphore(%arg12 : memref<!tpu.dma_semaphore, #tpu.memory_space<semaphore_mem>>) src(%arg9 : memref<3200x16xbf16, #tpu.memory_space<vmem>>) dst(%dma_wait3A_196 : memref<3200x16xbf16, #tpu.memory_space<hbm>>)
    %add3A_197 = arith.constant 1126400 : i32
    %add3A_198 = arith.addi %add3A_197, %mul3A_2 : i32
    "tpu.region"() ({
      %run_scoped3A = tpu.sem_alloc : memref<!tpu.dma_semaphore, #tpu.memory_space<semaphore_mem>>
      %dma_start3A_489 = tpu.memref_slice %arg3[%add3A_198] : memref<2764800xi32, #tpu.memory_space<hbm>> -> memref<3200xi32, #tpu.memory_space<hbm>>
      %dma_start3A_490 = tpu.memref_slice %arg3[%add3A_198] : memref<2764800xi32, #tpu.memory_space<hbm>> -> memref<3200xi32, #tpu.memory_space<hbm>>
      tpu.enqueue_dma source(%dma_start3A_490 : memref<3200xi32, #tpu.memory_space<hbm>>) target(%arg7 : memref<3200xi32, #tpu.memory_space<vmem>>) target_semaphore(%run_scoped3A : memref<!tpu.dma_semaphore, #tpu.memory_space<semaphore_mem>>)
      %dma_wait3A_491 = tpu.memref_slice %arg3[%add3A_198] : memref<2764800xi32, #tpu.memory_space<hbm>> -> memref<3200xi32, #tpu.memory_space<hbm>>
      %dma_wait3A_492 = tpu.memref_slice %arg3[%add3A_198] : memref<2764800xi32, #tpu.memory_space<hbm>> -> memref<3200xi32, #tpu.memory_space<hbm>>
      tpu.wait_dma2 semaphore(%run_scoped3A : memref<!tpu.dma_semaphore, #tpu.memory_space<semaphore_mem>>) src(%dma_wait3A_492 : memref<3200xi32, #tpu.memory_space<hbm>>) dst(%arg7 : memref<3200xi32, #tpu.memory_space<vmem>>)
      tpu.yield
    }) : () -> ()
    %dma_start3A_199 = arith.constant 0 : i32
    %dma_start3A_200 = arith.constant 0 : i32
    %dma_start3A_201 = tpu.memref_slice %arg5[%dma_start3A_199, %dma_start3A_200] : memref<102400x16xbf16, #tpu.memory_space<vmem_shared>> -> memref<102400x16xbf16, #tpu.memory_space<vmem_shared>>
    tpu.enqueue_indirect_dma source(%dma_start3A_201 : memref<102400x16xbf16, #tpu.memory_space<vmem_shared>>) target(%arg9 : memref<3200x16xbf16, #tpu.memory_space<vmem>>) offsets(%arg7 : memref<3200xi32, #tpu.memory_space<vmem>>) semaphore(%arg10 : memref<!tpu.dma_semaphore, #tpu.memory_space<semaphore_mem>>)
    %dma_wait3A_202 = arith.constant 0 : i32
    %dma_wait3A_203 = arith.constant 0 : i32
    %dma_wait3A_204 = tpu.memref_slice %arg5[%dma_wait3A_202, %dma_wait3A_203] : memref<102400x16xbf16, #tpu.memory_space<vmem_shared>> -> memref<102400x16xbf16, #tpu.memory_space<vmem_shared>>
    tpu.wait_indirect_dma semaphore(%arg10 : memref<!tpu.dma_semaphore, #tpu.memory_space<semaphore_mem>>) src(%dma_wait3A_204 : memref<102400x16xbf16, #tpu.memory_space<vmem_shared>>) dst(%arg9 : memref<3200x16xbf16, #tpu.memory_space<vmem>>)
    %add3A_205 = arith.constant 1126400 : i32
    %add3A_206 = arith.addi %add3A_205, %mul3A_2 : i32
    %dma_start3A_207 = arith.constant 0 : i32
    %dma_start3A_208 = tpu.memref_slice %arg4[%add3A_206, %dma_start3A_207] : memref<2764800x16xbf16, #tpu.memory_space<hbm>> -> memref<3200x16xbf16, #tpu.memory_space<hbm>>
    %dma_start3A_209 = arith.constant 0 : i32
    %dma_start3A_210 = tpu.memref_slice %arg4[%add3A_206, %dma_start3A_209] : memref<2764800x16xbf16, #tpu.memory_space<hbm>> -> memref<3200x16xbf16, #tpu.memory_space<hbm>>
    tpu.enqueue_dma source(%arg9 : memref<3200x16xbf16, #tpu.memory_space<vmem>>) target(%dma_start3A_210 : memref<3200x16xbf16, #tpu.memory_space<hbm>>) target_semaphore(%arg12 : memref<!tpu.dma_semaphore, #tpu.memory_space<semaphore_mem>>)
    %dma_wait3A_211 = arith.constant 0 : i32
    %dma_wait3A_212 = tpu.memref_slice %arg4[%mul3A_2, %dma_wait3A_211] : memref<2764800x16xbf16, #tpu.memory_space<hbm>> -> memref<3200x16xbf16, #tpu.memory_space<hbm>>
    %dma_wait3A_213 = arith.constant 0 : i32
    %dma_wait3A_214 = tpu.memref_slice %arg4[%mul3A_2, %dma_wait3A_213] : memref<2764800x16xbf16, #tpu.memory_space<hbm>> -> memref<3200x16xbf16, #tpu.memory_space<hbm>>
    tpu.wait_dma2 semaphore(%arg11 : memref<!tpu.dma_semaphore, #tpu.memory_space<semaphore_mem>>) src(%arg8 : memref<3200x16xbf16, #tpu.memory_space<vmem>>) dst(%dma_wait3A_214 : memref<3200x16xbf16, #tpu.memory_space<hbm>>)
    %add3A_215 = arith.constant 1228800 : i32
    %add3A_216 = arith.addi %add3A_215, %mul3A_2 : i32
    "tpu.region"() ({
      %run_scoped3A = tpu.sem_alloc : memref<!tpu.dma_semaphore, #tpu.memory_space<semaphore_mem>>
      %dma_start3A_489 = tpu.memref_slice %arg3[%add3A_216] : memref<2764800xi32, #tpu.memory_space<hbm>> -> memref<3200xi32, #tpu.memory_space<hbm>>
      %dma_start3A_490 = tpu.memref_slice %arg3[%add3A_216] : memref<2764800xi32, #tpu.memory_space<hbm>> -> memref<3200xi32, #tpu.memory_space<hbm>>
      tpu.enqueue_dma source(%dma_start3A_490 : memref<3200xi32, #tpu.memory_space<hbm>>) target(%arg6 : memref<3200xi32, #tpu.memory_space<vmem>>) target_semaphore(%run_scoped3A : memref<!tpu.dma_semaphore, #tpu.memory_space<semaphore_mem>>)
      %dma_wait3A_491 = tpu.memref_slice %arg3[%add3A_216] : memref<2764800xi32, #tpu.memory_space<hbm>> -> memref<3200xi32, #tpu.memory_space<hbm>>
      %dma_wait3A_492 = tpu.memref_slice %arg3[%add3A_216] : memref<2764800xi32, #tpu.memory_space<hbm>> -> memref<3200xi32, #tpu.memory_space<hbm>>
      tpu.wait_dma2 semaphore(%run_scoped3A : memref<!tpu.dma_semaphore, #tpu.memory_space<semaphore_mem>>) src(%dma_wait3A_492 : memref<3200xi32, #tpu.memory_space<hbm>>) dst(%arg6 : memref<3200xi32, #tpu.memory_space<vmem>>)
      tpu.yield
    }) : () -> ()
    %dma_start3A_217 = arith.constant 0 : i32
    %dma_start3A_218 = arith.constant 0 : i32
    %dma_start3A_219 = tpu.memref_slice %arg5[%dma_start3A_217, %dma_start3A_218] : memref<102400x16xbf16, #tpu.memory_space<vmem_shared>> -> memref<102400x16xbf16, #tpu.memory_space<vmem_shared>>
    tpu.enqueue_indirect_dma source(%dma_start3A_219 : memref<102400x16xbf16, #tpu.memory_space<vmem_shared>>) target(%arg8 : memref<3200x16xbf16, #tpu.memory_space<vmem>>) offsets(%arg6 : memref<3200xi32, #tpu.memory_space<vmem>>) semaphore(%arg10 : memref<!tpu.dma_semaphore, #tpu.memory_space<semaphore_mem>>)
    %dma_wait3A_220 = arith.constant 0 : i32
    %dma_wait3A_221 = arith.constant 0 : i32
    %dma_wait3A_222 = tpu.memref_slice %arg5[%dma_wait3A_220, %dma_wait3A_221] : memref<102400x16xbf16, #tpu.memory_space<vmem_shared>> -> memref<102400x16xbf16, #tpu.memory_space<vmem_shared>>
    tpu.wait_indirect_dma semaphore(%arg10 : memref<!tpu.dma_semaphore, #tpu.memory_space<semaphore_mem>>) src(%dma_wait3A_222 : memref<102400x16xbf16, #tpu.memory_space<vmem_shared>>) dst(%arg8 : memref<3200x16xbf16, #tpu.memory_space<vmem>>)
    %add3A_223 = arith.constant 1228800 : i32
    %add3A_224 = arith.addi %add3A_223, %mul3A_2 : i32
    %dma_start3A_225 = arith.constant 0 : i32
    %dma_start3A_226 = tpu.memref_slice %arg4[%add3A_224, %dma_start3A_225] : memref<2764800x16xbf16, #tpu.memory_space<hbm>> -> memref<3200x16xbf16, #tpu.memory_space<hbm>>
    %dma_start3A_227 = arith.constant 0 : i32
    %dma_start3A_228 = tpu.memref_slice %arg4[%add3A_224, %dma_start3A_227] : memref<2764800x16xbf16, #tpu.memory_space<hbm>> -> memref<3200x16xbf16, #tpu.memory_space<hbm>>
    tpu.enqueue_dma source(%arg8 : memref<3200x16xbf16, #tpu.memory_space<vmem>>) target(%dma_start3A_228 : memref<3200x16xbf16, #tpu.memory_space<hbm>>) target_semaphore(%arg11 : memref<!tpu.dma_semaphore, #tpu.memory_space<semaphore_mem>>)
    %dma_wait3A_229 = arith.constant 0 : i32
    %dma_wait3A_230 = tpu.memref_slice %arg4[%mul3A_2, %dma_wait3A_229] : memref<2764800x16xbf16, #tpu.memory_space<hbm>> -> memref<3200x16xbf16, #tpu.memory_space<hbm>>
    %dma_wait3A_231 = arith.constant 0 : i32
    %dma_wait3A_232 = tpu.memref_slice %arg4[%mul3A_2, %dma_wait3A_231] : memref<2764800x16xbf16, #tpu.memory_space<hbm>> -> memref<3200x16xbf16, #tpu.memory_space<hbm>>
    tpu.wait_dma2 semaphore(%arg12 : memref<!tpu.dma_semaphore, #tpu.memory_space<semaphore_mem>>) src(%arg9 : memref<3200x16xbf16, #tpu.memory_space<vmem>>) dst(%dma_wait3A_232 : memref<3200x16xbf16, #tpu.memory_space<hbm>>)
    %add3A_233 = arith.constant 1331200 : i32
    %add3A_234 = arith.addi %add3A_233, %mul3A_2 : i32
    "tpu.region"() ({
      %run_scoped3A = tpu.sem_alloc : memref<!tpu.dma_semaphore, #tpu.memory_space<semaphore_mem>>
      %dma_start3A_489 = tpu.memref_slice %arg3[%add3A_234] : memref<2764800xi32, #tpu.memory_space<hbm>> -> memref<3200xi32, #tpu.memory_space<hbm>>
      %dma_start3A_490 = tpu.memref_slice %arg3[%add3A_234] : memref<2764800xi32, #tpu.memory_space<hbm>> -> memref<3200xi32, #tpu.memory_space<hbm>>
      tpu.enqueue_dma source(%dma_start3A_490 : memref<3200xi32, #tpu.memory_space<hbm>>) target(%arg7 : memref<3200xi32, #tpu.memory_space<vmem>>) target_semaphore(%run_scoped3A : memref<!tpu.dma_semaphore, #tpu.memory_space<semaphore_mem>>)
      %dma_wait3A_491 = tpu.memref_slice %arg3[%add3A_234] : memref<2764800xi32, #tpu.memory_space<hbm>> -> memref<3200xi32, #tpu.memory_space<hbm>>
      %dma_wait3A_492 = tpu.memref_slice %arg3[%add3A_234] : memref<2764800xi32, #tpu.memory_space<hbm>> -> memref<3200xi32, #tpu.memory_space<hbm>>
      tpu.wait_dma2 semaphore(%run_scoped3A : memref<!tpu.dma_semaphore, #tpu.memory_space<semaphore_mem>>) src(%dma_wait3A_492 : memref<3200xi32, #tpu.memory_space<hbm>>) dst(%arg7 : memref<3200xi32, #tpu.memory_space<vmem>>)
      tpu.yield
    }) : () -> ()
    %dma_start3A_235 = arith.constant 0 : i32
    %dma_start3A_236 = arith.constant 0 : i32
    %dma_start3A_237 = tpu.memref_slice %arg5[%dma_start3A_235, %dma_start3A_236] : memref<102400x16xbf16, #tpu.memory_space<vmem_shared>> -> memref<102400x16xbf16, #tpu.memory_space<vmem_shared>>
    tpu.enqueue_indirect_dma source(%dma_start3A_237 : memref<102400x16xbf16, #tpu.memory_space<vmem_shared>>) target(%arg9 : memref<3200x16xbf16, #tpu.memory_space<vmem>>) offsets(%arg7 : memref<3200xi32, #tpu.memory_space<vmem>>) semaphore(%arg10 : memref<!tpu.dma_semaphore, #tpu.memory_space<semaphore_mem>>)
    %dma_wait3A_238 = arith.constant 0 : i32
    %dma_wait3A_239 = arith.constant 0 : i32
    %dma_wait3A_240 = tpu.memref_slice %arg5[%dma_wait3A_238, %dma_wait3A_239] : memref<102400x16xbf16, #tpu.memory_space<vmem_shared>> -> memref<102400x16xbf16, #tpu.memory_space<vmem_shared>>
    tpu.wait_indirect_dma semaphore(%arg10 : memref<!tpu.dma_semaphore, #tpu.memory_space<semaphore_mem>>) src(%dma_wait3A_240 : memref<102400x16xbf16, #tpu.memory_space<vmem_shared>>) dst(%arg9 : memref<3200x16xbf16, #tpu.memory_space<vmem>>)
    %add3A_241 = arith.constant 1331200 : i32
    %add3A_242 = arith.addi %add3A_241, %mul3A_2 : i32
    %dma_start3A_243 = arith.constant 0 : i32
    %dma_start3A_244 = tpu.memref_slice %arg4[%add3A_242, %dma_start3A_243] : memref<2764800x16xbf16, #tpu.memory_space<hbm>> -> memref<3200x16xbf16, #tpu.memory_space<hbm>>
    %dma_start3A_245 = arith.constant 0 : i32
    %dma_start3A_246 = tpu.memref_slice %arg4[%add3A_242, %dma_start3A_245] : memref<2764800x16xbf16, #tpu.memory_space<hbm>> -> memref<3200x16xbf16, #tpu.memory_space<hbm>>
    tpu.enqueue_dma source(%arg9 : memref<3200x16xbf16, #tpu.memory_space<vmem>>) target(%dma_start3A_246 : memref<3200x16xbf16, #tpu.memory_space<hbm>>) target_semaphore(%arg12 : memref<!tpu.dma_semaphore, #tpu.memory_space<semaphore_mem>>)
    %dma_wait3A_247 = arith.constant 0 : i32
    %dma_wait3A_248 = tpu.memref_slice %arg4[%mul3A_2, %dma_wait3A_247] : memref<2764800x16xbf16, #tpu.memory_space<hbm>> -> memref<3200x16xbf16, #tpu.memory_space<hbm>>
    %dma_wait3A_249 = arith.constant 0 : i32
    %dma_wait3A_250 = tpu.memref_slice %arg4[%mul3A_2, %dma_wait3A_249] : memref<2764800x16xbf16, #tpu.memory_space<hbm>> -> memref<3200x16xbf16, #tpu.memory_space<hbm>>
    tpu.wait_dma2 semaphore(%arg11 : memref<!tpu.dma_semaphore, #tpu.memory_space<semaphore_mem>>) src(%arg8 : memref<3200x16xbf16, #tpu.memory_space<vmem>>) dst(%dma_wait3A_250 : memref<3200x16xbf16, #tpu.memory_space<hbm>>)
    %add3A_251 = arith.constant 1433600 : i32
    %add3A_252 = arith.addi %add3A_251, %mul3A_2 : i32
    "tpu.region"() ({
      %run_scoped3A = tpu.sem_alloc : memref<!tpu.dma_semaphore, #tpu.memory_space<semaphore_mem>>
      %dma_start3A_489 = tpu.memref_slice %arg3[%add3A_252] : memref<2764800xi32, #tpu.memory_space<hbm>> -> memref<3200xi32, #tpu.memory_space<hbm>>
      %dma_start3A_490 = tpu.memref_slice %arg3[%add3A_252] : memref<2764800xi32, #tpu.memory_space<hbm>> -> memref<3200xi32, #tpu.memory_space<hbm>>
      tpu.enqueue_dma source(%dma_start3A_490 : memref<3200xi32, #tpu.memory_space<hbm>>) target(%arg6 : memref<3200xi32, #tpu.memory_space<vmem>>) target_semaphore(%run_scoped3A : memref<!tpu.dma_semaphore, #tpu.memory_space<semaphore_mem>>)
      %dma_wait3A_491 = tpu.memref_slice %arg3[%add3A_252] : memref<2764800xi32, #tpu.memory_space<hbm>> -> memref<3200xi32, #tpu.memory_space<hbm>>
      %dma_wait3A_492 = tpu.memref_slice %arg3[%add3A_252] : memref<2764800xi32, #tpu.memory_space<hbm>> -> memref<3200xi32, #tpu.memory_space<hbm>>
      tpu.wait_dma2 semaphore(%run_scoped3A : memref<!tpu.dma_semaphore, #tpu.memory_space<semaphore_mem>>) src(%dma_wait3A_492 : memref<3200xi32, #tpu.memory_space<hbm>>) dst(%arg6 : memref<3200xi32, #tpu.memory_space<vmem>>)
      tpu.yield
    }) : () -> ()
    %dma_start3A_253 = arith.constant 0 : i32
    %dma_start3A_254 = arith.constant 0 : i32
    %dma_start3A_255 = tpu.memref_slice %arg5[%dma_start3A_253, %dma_start3A_254] : memref<102400x16xbf16, #tpu.memory_space<vmem_shared>> -> memref<102400x16xbf16, #tpu.memory_space<vmem_shared>>
    tpu.enqueue_indirect_dma source(%dma_start3A_255 : memref<102400x16xbf16, #tpu.memory_space<vmem_shared>>) target(%arg8 : memref<3200x16xbf16, #tpu.memory_space<vmem>>) offsets(%arg6 : memref<3200xi32, #tpu.memory_space<vmem>>) semaphore(%arg10 : memref<!tpu.dma_semaphore, #tpu.memory_space<semaphore_mem>>)
    %dma_wait3A_256 = arith.constant 0 : i32
    %dma_wait3A_257 = arith.constant 0 : i32
    %dma_wait3A_258 = tpu.memref_slice %arg5[%dma_wait3A_256, %dma_wait3A_257] : memref<102400x16xbf16, #tpu.memory_space<vmem_shared>> -> memref<102400x16xbf16, #tpu.memory_space<vmem_shared>>
    tpu.wait_indirect_dma semaphore(%arg10 : memref<!tpu.dma_semaphore, #tpu.memory_space<semaphore_mem>>) src(%dma_wait3A_258 : memref<102400x16xbf16, #tpu.memory_space<vmem_shared>>) dst(%arg8 : memref<3200x16xbf16, #tpu.memory_space<vmem>>)
    %add3A_259 = arith.constant 1433600 : i32
    %add3A_260 = arith.addi %add3A_259, %mul3A_2 : i32
    %dma_start3A_261 = arith.constant 0 : i32
    %dma_start3A_262 = tpu.memref_slice %arg4[%add3A_260, %dma_start3A_261] : memref<2764800x16xbf16, #tpu.memory_space<hbm>> -> memref<3200x16xbf16, #tpu.memory_space<hbm>>
    %dma_start3A_263 = arith.constant 0 : i32
    %dma_start3A_264 = tpu.memref_slice %arg4[%add3A_260, %dma_start3A_263] : memref<2764800x16xbf16, #tpu.memory_space<hbm>> -> memref<3200x16xbf16, #tpu.memory_space<hbm>>
    tpu.enqueue_dma source(%arg8 : memref<3200x16xbf16, #tpu.memory_space<vmem>>) target(%dma_start3A_264 : memref<3200x16xbf16, #tpu.memory_space<hbm>>) target_semaphore(%arg11 : memref<!tpu.dma_semaphore, #tpu.memory_space<semaphore_mem>>)
    %dma_wait3A_265 = arith.constant 0 : i32
    %dma_wait3A_266 = tpu.memref_slice %arg4[%mul3A_2, %dma_wait3A_265] : memref<2764800x16xbf16, #tpu.memory_space<hbm>> -> memref<3200x16xbf16, #tpu.memory_space<hbm>>
    %dma_wait3A_267 = arith.constant 0 : i32
    %dma_wait3A_268 = tpu.memref_slice %arg4[%mul3A_2, %dma_wait3A_267] : memref<2764800x16xbf16, #tpu.memory_space<hbm>> -> memref<3200x16xbf16, #tpu.memory_space<hbm>>
    tpu.wait_dma2 semaphore(%arg12 : memref<!tpu.dma_semaphore, #tpu.memory_space<semaphore_mem>>) src(%arg9 : memref<3200x16xbf16, #tpu.memory_space<vmem>>) dst(%dma_wait3A_268 : memref<3200x16xbf16, #tpu.memory_space<hbm>>)
    %add3A_269 = arith.constant 1536000 : i32
    %add3A_270 = arith.addi %add3A_269, %mul3A_2 : i32
    "tpu.region"() ({
      %run_scoped3A = tpu.sem_alloc : memref<!tpu.dma_semaphore, #tpu.memory_space<semaphore_mem>>
      %dma_start3A_489 = tpu.memref_slice %arg3[%add3A_270] : memref<2764800xi32, #tpu.memory_space<hbm>> -> memref<3200xi32, #tpu.memory_space<hbm>>
      %dma_start3A_490 = tpu.memref_slice %arg3[%add3A_270] : memref<2764800xi32, #tpu.memory_space<hbm>> -> memref<3200xi32, #tpu.memory_space<hbm>>
      tpu.enqueue_dma source(%dma_start3A_490 : memref<3200xi32, #tpu.memory_space<hbm>>) target(%arg7 : memref<3200xi32, #tpu.memory_space<vmem>>) target_semaphore(%run_scoped3A : memref<!tpu.dma_semaphore, #tpu.memory_space<semaphore_mem>>)
      %dma_wait3A_491 = tpu.memref_slice %arg3[%add3A_270] : memref<2764800xi32, #tpu.memory_space<hbm>> -> memref<3200xi32, #tpu.memory_space<hbm>>
      %dma_wait3A_492 = tpu.memref_slice %arg3[%add3A_270] : memref<2764800xi32, #tpu.memory_space<hbm>> -> memref<3200xi32, #tpu.memory_space<hbm>>
      tpu.wait_dma2 semaphore(%run_scoped3A : memref<!tpu.dma_semaphore, #tpu.memory_space<semaphore_mem>>) src(%dma_wait3A_492 : memref<3200xi32, #tpu.memory_space<hbm>>) dst(%arg7 : memref<3200xi32, #tpu.memory_space<vmem>>)
      tpu.yield
    }) : () -> ()
    %dma_start3A_271 = arith.constant 0 : i32
    %dma_start3A_272 = arith.constant 0 : i32
    %dma_start3A_273 = tpu.memref_slice %arg5[%dma_start3A_271, %dma_start3A_272] : memref<102400x16xbf16, #tpu.memory_space<vmem_shared>> -> memref<102400x16xbf16, #tpu.memory_space<vmem_shared>>
    tpu.enqueue_indirect_dma source(%dma_start3A_273 : memref<102400x16xbf16, #tpu.memory_space<vmem_shared>>) target(%arg9 : memref<3200x16xbf16, #tpu.memory_space<vmem>>) offsets(%arg7 : memref<3200xi32, #tpu.memory_space<vmem>>) semaphore(%arg10 : memref<!tpu.dma_semaphore, #tpu.memory_space<semaphore_mem>>)
    %dma_wait3A_274 = arith.constant 0 : i32
    %dma_wait3A_275 = arith.constant 0 : i32
    %dma_wait3A_276 = tpu.memref_slice %arg5[%dma_wait3A_274, %dma_wait3A_275] : memref<102400x16xbf16, #tpu.memory_space<vmem_shared>> -> memref<102400x16xbf16, #tpu.memory_space<vmem_shared>>
    tpu.wait_indirect_dma semaphore(%arg10 : memref<!tpu.dma_semaphore, #tpu.memory_space<semaphore_mem>>) src(%dma_wait3A_276 : memref<102400x16xbf16, #tpu.memory_space<vmem_shared>>) dst(%arg9 : memref<3200x16xbf16, #tpu.memory_space<vmem>>)
    %add3A_277 = arith.constant 1536000 : i32
    %add3A_278 = arith.addi %add3A_277, %mul3A_2 : i32
    %dma_start3A_279 = arith.constant 0 : i32
    %dma_start3A_280 = tpu.memref_slice %arg4[%add3A_278, %dma_start3A_279] : memref<2764800x16xbf16, #tpu.memory_space<hbm>> -> memref<3200x16xbf16, #tpu.memory_space<hbm>>
    %dma_start3A_281 = arith.constant 0 : i32
    %dma_start3A_282 = tpu.memref_slice %arg4[%add3A_278, %dma_start3A_281] : memref<2764800x16xbf16, #tpu.memory_space<hbm>> -> memref<3200x16xbf16, #tpu.memory_space<hbm>>
    tpu.enqueue_dma source(%arg9 : memref<3200x16xbf16, #tpu.memory_space<vmem>>) target(%dma_start3A_282 : memref<3200x16xbf16, #tpu.memory_space<hbm>>) target_semaphore(%arg12 : memref<!tpu.dma_semaphore, #tpu.memory_space<semaphore_mem>>)
    %dma_wait3A_283 = arith.constant 0 : i32
    %dma_wait3A_284 = tpu.memref_slice %arg4[%mul3A_2, %dma_wait3A_283] : memref<2764800x16xbf16, #tpu.memory_space<hbm>> -> memref<3200x16xbf16, #tpu.memory_space<hbm>>
    %dma_wait3A_285 = arith.constant 0 : i32
    %dma_wait3A_286 = tpu.memref_slice %arg4[%mul3A_2, %dma_wait3A_285] : memref<2764800x16xbf16, #tpu.memory_space<hbm>> -> memref<3200x16xbf16, #tpu.memory_space<hbm>>
    tpu.wait_dma2 semaphore(%arg11 : memref<!tpu.dma_semaphore, #tpu.memory_space<semaphore_mem>>) src(%arg8 : memref<3200x16xbf16, #tpu.memory_space<vmem>>) dst(%dma_wait3A_286 : memref<3200x16xbf16, #tpu.memory_space<hbm>>)
    %add3A_287 = arith.constant 1638400 : i32
    %add3A_288 = arith.addi %add3A_287, %mul3A_2 : i32
    "tpu.region"() ({
      %run_scoped3A = tpu.sem_alloc : memref<!tpu.dma_semaphore, #tpu.memory_space<semaphore_mem>>
      %dma_start3A_489 = tpu.memref_slice %arg3[%add3A_288] : memref<2764800xi32, #tpu.memory_space<hbm>> -> memref<3200xi32, #tpu.memory_space<hbm>>
      %dma_start3A_490 = tpu.memref_slice %arg3[%add3A_288] : memref<2764800xi32, #tpu.memory_space<hbm>> -> memref<3200xi32, #tpu.memory_space<hbm>>
      tpu.enqueue_dma source(%dma_start3A_490 : memref<3200xi32, #tpu.memory_space<hbm>>) target(%arg6 : memref<3200xi32, #tpu.memory_space<vmem>>) target_semaphore(%run_scoped3A : memref<!tpu.dma_semaphore, #tpu.memory_space<semaphore_mem>>)
      %dma_wait3A_491 = tpu.memref_slice %arg3[%add3A_288] : memref<2764800xi32, #tpu.memory_space<hbm>> -> memref<3200xi32, #tpu.memory_space<hbm>>
      %dma_wait3A_492 = tpu.memref_slice %arg3[%add3A_288] : memref<2764800xi32, #tpu.memory_space<hbm>> -> memref<3200xi32, #tpu.memory_space<hbm>>
      tpu.wait_dma2 semaphore(%run_scoped3A : memref<!tpu.dma_semaphore, #tpu.memory_space<semaphore_mem>>) src(%dma_wait3A_492 : memref<3200xi32, #tpu.memory_space<hbm>>) dst(%arg6 : memref<3200xi32, #tpu.memory_space<vmem>>)
      tpu.yield
    }) : () -> ()
    %dma_start3A_289 = arith.constant 0 : i32
    %dma_start3A_290 = arith.constant 0 : i32
    %dma_start3A_291 = tpu.memref_slice %arg5[%dma_start3A_289, %dma_start3A_290] : memref<102400x16xbf16, #tpu.memory_space<vmem_shared>> -> memref<102400x16xbf16, #tpu.memory_space<vmem_shared>>
    tpu.enqueue_indirect_dma source(%dma_start3A_291 : memref<102400x16xbf16, #tpu.memory_space<vmem_shared>>) target(%arg8 : memref<3200x16xbf16, #tpu.memory_space<vmem>>) offsets(%arg6 : memref<3200xi32, #tpu.memory_space<vmem>>) semaphore(%arg10 : memref<!tpu.dma_semaphore, #tpu.memory_space<semaphore_mem>>)
    %dma_wait3A_292 = arith.constant 0 : i32
    %dma_wait3A_293 = arith.constant 0 : i32
    %dma_wait3A_294 = tpu.memref_slice %arg5[%dma_wait3A_292, %dma_wait3A_293] : memref<102400x16xbf16, #tpu.memory_space<vmem_shared>> -> memref<102400x16xbf16, #tpu.memory_space<vmem_shared>>
    tpu.wait_indirect_dma semaphore(%arg10 : memref<!tpu.dma_semaphore, #tpu.memory_space<semaphore_mem>>) src(%dma_wait3A_294 : memref<102400x16xbf16, #tpu.memory_space<vmem_shared>>) dst(%arg8 : memref<3200x16xbf16, #tpu.memory_space<vmem>>)
    %add3A_295 = arith.constant 1638400 : i32
    %add3A_296 = arith.addi %add3A_295, %mul3A_2 : i32
    %dma_start3A_297 = arith.constant 0 : i32
    %dma_start3A_298 = tpu.memref_slice %arg4[%add3A_296, %dma_start3A_297] : memref<2764800x16xbf16, #tpu.memory_space<hbm>> -> memref<3200x16xbf16, #tpu.memory_space<hbm>>
    %dma_start3A_299 = arith.constant 0 : i32
    %dma_start3A_300 = tpu.memref_slice %arg4[%add3A_296, %dma_start3A_299] : memref<2764800x16xbf16, #tpu.memory_space<hbm>> -> memref<3200x16xbf16, #tpu.memory_space<hbm>>
    tpu.enqueue_dma source(%arg8 : memref<3200x16xbf16, #tpu.memory_space<vmem>>) target(%dma_start3A_300 : memref<3200x16xbf16, #tpu.memory_space<hbm>>) target_semaphore(%arg11 : memref<!tpu.dma_semaphore, #tpu.memory_space<semaphore_mem>>)
    %dma_wait3A_301 = arith.constant 0 : i32
    %dma_wait3A_302 = tpu.memref_slice %arg4[%mul3A_2, %dma_wait3A_301] : memref<2764800x16xbf16, #tpu.memory_space<hbm>> -> memref<3200x16xbf16, #tpu.memory_space<hbm>>
    %dma_wait3A_303 = arith.constant 0 : i32
    %dma_wait3A_304 = tpu.memref_slice %arg4[%mul3A_2, %dma_wait3A_303] : memref<2764800x16xbf16, #tpu.memory_space<hbm>> -> memref<3200x16xbf16, #tpu.memory_space<hbm>>
    tpu.wait_dma2 semaphore(%arg12 : memref<!tpu.dma_semaphore, #tpu.memory_space<semaphore_mem>>) src(%arg9 : memref<3200x16xbf16, #tpu.memory_space<vmem>>) dst(%dma_wait3A_304 : memref<3200x16xbf16, #tpu.memory_space<hbm>>)
    %add3A_305 = arith.constant 1740800 : i32
    %add3A_306 = arith.addi %add3A_305, %mul3A_2 : i32
    "tpu.region"() ({
      %run_scoped3A = tpu.sem_alloc : memref<!tpu.dma_semaphore, #tpu.memory_space<semaphore_mem>>
      %dma_start3A_489 = tpu.memref_slice %arg3[%add3A_306] : memref<2764800xi32, #tpu.memory_space<hbm>> -> memref<3200xi32, #tpu.memory_space<hbm>>
      %dma_start3A_490 = tpu.memref_slice %arg3[%add3A_306] : memref<2764800xi32, #tpu.memory_space<hbm>> -> memref<3200xi32, #tpu.memory_space<hbm>>
      tpu.enqueue_dma source(%dma_start3A_490 : memref<3200xi32, #tpu.memory_space<hbm>>) target(%arg7 : memref<3200xi32, #tpu.memory_space<vmem>>) target_semaphore(%run_scoped3A : memref<!tpu.dma_semaphore, #tpu.memory_space<semaphore_mem>>)
      %dma_wait3A_491 = tpu.memref_slice %arg3[%add3A_306] : memref<2764800xi32, #tpu.memory_space<hbm>> -> memref<3200xi32, #tpu.memory_space<hbm>>
      %dma_wait3A_492 = tpu.memref_slice %arg3[%add3A_306] : memref<2764800xi32, #tpu.memory_space<hbm>> -> memref<3200xi32, #tpu.memory_space<hbm>>
      tpu.wait_dma2 semaphore(%run_scoped3A : memref<!tpu.dma_semaphore, #tpu.memory_space<semaphore_mem>>) src(%dma_wait3A_492 : memref<3200xi32, #tpu.memory_space<hbm>>) dst(%arg7 : memref<3200xi32, #tpu.memory_space<vmem>>)
      tpu.yield
    }) : () -> ()
    %dma_start3A_307 = arith.constant 0 : i32
    %dma_start3A_308 = arith.constant 0 : i32
    %dma_start3A_309 = tpu.memref_slice %arg5[%dma_start3A_307, %dma_start3A_308] : memref<102400x16xbf16, #tpu.memory_space<vmem_shared>> -> memref<102400x16xbf16, #tpu.memory_space<vmem_shared>>
    tpu.enqueue_indirect_dma source(%dma_start3A_309 : memref<102400x16xbf16, #tpu.memory_space<vmem_shared>>) target(%arg9 : memref<3200x16xbf16, #tpu.memory_space<vmem>>) offsets(%arg7 : memref<3200xi32, #tpu.memory_space<vmem>>) semaphore(%arg10 : memref<!tpu.dma_semaphore, #tpu.memory_space<semaphore_mem>>)
    %dma_wait3A_310 = arith.constant 0 : i32
    %dma_wait3A_311 = arith.constant 0 : i32
    %dma_wait3A_312 = tpu.memref_slice %arg5[%dma_wait3A_310, %dma_wait3A_311] : memref<102400x16xbf16, #tpu.memory_space<vmem_shared>> -> memref<102400x16xbf16, #tpu.memory_space<vmem_shared>>
    tpu.wait_indirect_dma semaphore(%arg10 : memref<!tpu.dma_semaphore, #tpu.memory_space<semaphore_mem>>) src(%dma_wait3A_312 : memref<102400x16xbf16, #tpu.memory_space<vmem_shared>>) dst(%arg9 : memref<3200x16xbf16, #tpu.memory_space<vmem>>)
    %add3A_313 = arith.constant 1740800 : i32
    %add3A_314 = arith.addi %add3A_313, %mul3A_2 : i32
    %dma_start3A_315 = arith.constant 0 : i32
    %dma_start3A_316 = tpu.memref_slice %arg4[%add3A_314, %dma_start3A_315] : memref<2764800x16xbf16, #tpu.memory_space<hbm>> -> memref<3200x16xbf16, #tpu.memory_space<hbm>>
    %dma_start3A_317 = arith.constant 0 : i32
    %dma_start3A_318 = tpu.memref_slice %arg4[%add3A_314, %dma_start3A_317] : memref<2764800x16xbf16, #tpu.memory_space<hbm>> -> memref<3200x16xbf16, #tpu.memory_space<hbm>>
    tpu.enqueue_dma source(%arg9 : memref<3200x16xbf16, #tpu.memory_space<vmem>>) target(%dma_start3A_318 : memref<3200x16xbf16, #tpu.memory_space<hbm>>) target_semaphore(%arg12 : memref<!tpu.dma_semaphore, #tpu.memory_space<semaphore_mem>>)
    %dma_wait3A_319 = arith.constant 0 : i32
    %dma_wait3A_320 = tpu.memref_slice %arg4[%mul3A_2, %dma_wait3A_319] : memref<2764800x16xbf16, #tpu.memory_space<hbm>> -> memref<3200x16xbf16, #tpu.memory_space<hbm>>
    %dma_wait3A_321 = arith.constant 0 : i32
    %dma_wait3A_322 = tpu.memref_slice %arg4[%mul3A_2, %dma_wait3A_321] : memref<2764800x16xbf16, #tpu.memory_space<hbm>> -> memref<3200x16xbf16, #tpu.memory_space<hbm>>
    tpu.wait_dma2 semaphore(%arg11 : memref<!tpu.dma_semaphore, #tpu.memory_space<semaphore_mem>>) src(%arg8 : memref<3200x16xbf16, #tpu.memory_space<vmem>>) dst(%dma_wait3A_322 : memref<3200x16xbf16, #tpu.memory_space<hbm>>)
    %add3A_323 = arith.constant 1843200 : i32
    %add3A_324 = arith.addi %add3A_323, %mul3A_2 : i32
    "tpu.region"() ({
      %run_scoped3A = tpu.sem_alloc : memref<!tpu.dma_semaphore, #tpu.memory_space<semaphore_mem>>
      %dma_start3A_489 = tpu.memref_slice %arg3[%add3A_324] : memref<2764800xi32, #tpu.memory_space<hbm>> -> memref<3200xi32, #tpu.memory_space<hbm>>
      %dma_start3A_490 = tpu.memref_slice %arg3[%add3A_324] : memref<2764800xi32, #tpu.memory_space<hbm>> -> memref<3200xi32, #tpu.memory_space<hbm>>
      tpu.enqueue_dma source(%dma_start3A_490 : memref<3200xi32, #tpu.memory_space<hbm>>) target(%arg6 : memref<3200xi32, #tpu.memory_space<vmem>>) target_semaphore(%run_scoped3A : memref<!tpu.dma_semaphore, #tpu.memory_space<semaphore_mem>>)
      %dma_wait3A_491 = tpu.memref_slice %arg3[%add3A_324] : memref<2764800xi32, #tpu.memory_space<hbm>> -> memref<3200xi32, #tpu.memory_space<hbm>>
      %dma_wait3A_492 = tpu.memref_slice %arg3[%add3A_324] : memref<2764800xi32, #tpu.memory_space<hbm>> -> memref<3200xi32, #tpu.memory_space<hbm>>
      tpu.wait_dma2 semaphore(%run_scoped3A : memref<!tpu.dma_semaphore, #tpu.memory_space<semaphore_mem>>) src(%dma_wait3A_492 : memref<3200xi32, #tpu.memory_space<hbm>>) dst(%arg6 : memref<3200xi32, #tpu.memory_space<vmem>>)
      tpu.yield
    }) : () -> ()
    %dma_start3A_325 = arith.constant 0 : i32
    %dma_start3A_326 = arith.constant 0 : i32
    %dma_start3A_327 = tpu.memref_slice %arg5[%dma_start3A_325, %dma_start3A_326] : memref<102400x16xbf16, #tpu.memory_space<vmem_shared>> -> memref<102400x16xbf16, #tpu.memory_space<vmem_shared>>
    tpu.enqueue_indirect_dma source(%dma_start3A_327 : memref<102400x16xbf16, #tpu.memory_space<vmem_shared>>) target(%arg8 : memref<3200x16xbf16, #tpu.memory_space<vmem>>) offsets(%arg6 : memref<3200xi32, #tpu.memory_space<vmem>>) semaphore(%arg10 : memref<!tpu.dma_semaphore, #tpu.memory_space<semaphore_mem>>)
    %dma_wait3A_328 = arith.constant 0 : i32
    %dma_wait3A_329 = arith.constant 0 : i32
    %dma_wait3A_330 = tpu.memref_slice %arg5[%dma_wait3A_328, %dma_wait3A_329] : memref<102400x16xbf16, #tpu.memory_space<vmem_shared>> -> memref<102400x16xbf16, #tpu.memory_space<vmem_shared>>
    tpu.wait_indirect_dma semaphore(%arg10 : memref<!tpu.dma_semaphore, #tpu.memory_space<semaphore_mem>>) src(%dma_wait3A_330 : memref<102400x16xbf16, #tpu.memory_space<vmem_shared>>) dst(%arg8 : memref<3200x16xbf16, #tpu.memory_space<vmem>>)
    %add3A_331 = arith.constant 1843200 : i32
    %add3A_332 = arith.addi %add3A_331, %mul3A_2 : i32
    %dma_start3A_333 = arith.constant 0 : i32
    %dma_start3A_334 = tpu.memref_slice %arg4[%add3A_332, %dma_start3A_333] : memref<2764800x16xbf16, #tpu.memory_space<hbm>> -> memref<3200x16xbf16, #tpu.memory_space<hbm>>
    %dma_start3A_335 = arith.constant 0 : i32
    %dma_start3A_336 = tpu.memref_slice %arg4[%add3A_332, %dma_start3A_335] : memref<2764800x16xbf16, #tpu.memory_space<hbm>> -> memref<3200x16xbf16, #tpu.memory_space<hbm>>
    tpu.enqueue_dma source(%arg8 : memref<3200x16xbf16, #tpu.memory_space<vmem>>) target(%dma_start3A_336 : memref<3200x16xbf16, #tpu.memory_space<hbm>>) target_semaphore(%arg11 : memref<!tpu.dma_semaphore, #tpu.memory_space<semaphore_mem>>)
    %dma_wait3A_337 = arith.constant 0 : i32
    %dma_wait3A_338 = tpu.memref_slice %arg4[%mul3A_2, %dma_wait3A_337] : memref<2764800x16xbf16, #tpu.memory_space<hbm>> -> memref<3200x16xbf16, #tpu.memory_space<hbm>>
    %dma_wait3A_339 = arith.constant 0 : i32
    %dma_wait3A_340 = tpu.memref_slice %arg4[%mul3A_2, %dma_wait3A_339] : memref<2764800x16xbf16, #tpu.memory_space<hbm>> -> memref<3200x16xbf16, #tpu.memory_space<hbm>>
    tpu.wait_dma2 semaphore(%arg12 : memref<!tpu.dma_semaphore, #tpu.memory_space<semaphore_mem>>) src(%arg9 : memref<3200x16xbf16, #tpu.memory_space<vmem>>) dst(%dma_wait3A_340 : memref<3200x16xbf16, #tpu.memory_space<hbm>>)
    %add3A_341 = arith.constant 1945600 : i32
    %add3A_342 = arith.addi %add3A_341, %mul3A_2 : i32
    "tpu.region"() ({
      %run_scoped3A = tpu.sem_alloc : memref<!tpu.dma_semaphore, #tpu.memory_space<semaphore_mem>>
      %dma_start3A_489 = tpu.memref_slice %arg3[%add3A_342] : memref<2764800xi32, #tpu.memory_space<hbm>> -> memref<3200xi32, #tpu.memory_space<hbm>>
      %dma_start3A_490 = tpu.memref_slice %arg3[%add3A_342] : memref<2764800xi32, #tpu.memory_space<hbm>> -> memref<3200xi32, #tpu.memory_space<hbm>>
      tpu.enqueue_dma source(%dma_start3A_490 : memref<3200xi32, #tpu.memory_space<hbm>>) target(%arg7 : memref<3200xi32, #tpu.memory_space<vmem>>) target_semaphore(%run_scoped3A : memref<!tpu.dma_semaphore, #tpu.memory_space<semaphore_mem>>)
      %dma_wait3A_491 = tpu.memref_slice %arg3[%add3A_342] : memref<2764800xi32, #tpu.memory_space<hbm>> -> memref<3200xi32, #tpu.memory_space<hbm>>
      %dma_wait3A_492 = tpu.memref_slice %arg3[%add3A_342] : memref<2764800xi32, #tpu.memory_space<hbm>> -> memref<3200xi32, #tpu.memory_space<hbm>>
      tpu.wait_dma2 semaphore(%run_scoped3A : memref<!tpu.dma_semaphore, #tpu.memory_space<semaphore_mem>>) src(%dma_wait3A_492 : memref<3200xi32, #tpu.memory_space<hbm>>) dst(%arg7 : memref<3200xi32, #tpu.memory_space<vmem>>)
      tpu.yield
    }) : () -> ()
    %dma_start3A_343 = arith.constant 0 : i32
    %dma_start3A_344 = arith.constant 0 : i32
    %dma_start3A_345 = tpu.memref_slice %arg5[%dma_start3A_343, %dma_start3A_344] : memref<102400x16xbf16, #tpu.memory_space<vmem_shared>> -> memref<102400x16xbf16, #tpu.memory_space<vmem_shared>>
    tpu.enqueue_indirect_dma source(%dma_start3A_345 : memref<102400x16xbf16, #tpu.memory_space<vmem_shared>>) target(%arg9 : memref<3200x16xbf16, #tpu.memory_space<vmem>>) offsets(%arg7 : memref<3200xi32, #tpu.memory_space<vmem>>) semaphore(%arg10 : memref<!tpu.dma_semaphore, #tpu.memory_space<semaphore_mem>>)
    %dma_wait3A_346 = arith.constant 0 : i32
    %dma_wait3A_347 = arith.constant 0 : i32
    %dma_wait3A_348 = tpu.memref_slice %arg5[%dma_wait3A_346, %dma_wait3A_347] : memref<102400x16xbf16, #tpu.memory_space<vmem_shared>> -> memref<102400x16xbf16, #tpu.memory_space<vmem_shared>>
    tpu.wait_indirect_dma semaphore(%arg10 : memref<!tpu.dma_semaphore, #tpu.memory_space<semaphore_mem>>) src(%dma_wait3A_348 : memref<102400x16xbf16, #tpu.memory_space<vmem_shared>>) dst(%arg9 : memref<3200x16xbf16, #tpu.memory_space<vmem>>)
    %add3A_349 = arith.constant 1945600 : i32
    %add3A_350 = arith.addi %add3A_349, %mul3A_2 : i32
    %dma_start3A_351 = arith.constant 0 : i32
    %dma_start3A_352 = tpu.memref_slice %arg4[%add3A_350, %dma_start3A_351] : memref<2764800x16xbf16, #tpu.memory_space<hbm>> -> memref<3200x16xbf16, #tpu.memory_space<hbm>>
    %dma_start3A_353 = arith.constant 0 : i32
    %dma_start3A_354 = tpu.memref_slice %arg4[%add3A_350, %dma_start3A_353] : memref<2764800x16xbf16, #tpu.memory_space<hbm>> -> memref<3200x16xbf16, #tpu.memory_space<hbm>>
    tpu.enqueue_dma source(%arg9 : memref<3200x16xbf16, #tpu.memory_space<vmem>>) target(%dma_start3A_354 : memref<3200x16xbf16, #tpu.memory_space<hbm>>) target_semaphore(%arg12 : memref<!tpu.dma_semaphore, #tpu.memory_space<semaphore_mem>>)
    %dma_wait3A_355 = arith.constant 0 : i32
    %dma_wait3A_356 = tpu.memref_slice %arg4[%mul3A_2, %dma_wait3A_355] : memref<2764800x16xbf16, #tpu.memory_space<hbm>> -> memref<3200x16xbf16, #tpu.memory_space<hbm>>
    %dma_wait3A_357 = arith.constant 0 : i32
    %dma_wait3A_358 = tpu.memref_slice %arg4[%mul3A_2, %dma_wait3A_357] : memref<2764800x16xbf16, #tpu.memory_space<hbm>> -> memref<3200x16xbf16, #tpu.memory_space<hbm>>
    tpu.wait_dma2 semaphore(%arg11 : memref<!tpu.dma_semaphore, #tpu.memory_space<semaphore_mem>>) src(%arg8 : memref<3200x16xbf16, #tpu.memory_space<vmem>>) dst(%dma_wait3A_358 : memref<3200x16xbf16, #tpu.memory_space<hbm>>)
    %add3A_359 = arith.constant 2048000 : i32
    %add3A_360 = arith.addi %add3A_359, %mul3A_2 : i32
    "tpu.region"() ({
      %run_scoped3A = tpu.sem_alloc : memref<!tpu.dma_semaphore, #tpu.memory_space<semaphore_mem>>
      %dma_start3A_489 = tpu.memref_slice %arg3[%add3A_360] : memref<2764800xi32, #tpu.memory_space<hbm>> -> memref<3200xi32, #tpu.memory_space<hbm>>
      %dma_start3A_490 = tpu.memref_slice %arg3[%add3A_360] : memref<2764800xi32, #tpu.memory_space<hbm>> -> memref<3200xi32, #tpu.memory_space<hbm>>
      tpu.enqueue_dma source(%dma_start3A_490 : memref<3200xi32, #tpu.memory_space<hbm>>) target(%arg6 : memref<3200xi32, #tpu.memory_space<vmem>>) target_semaphore(%run_scoped3A : memref<!tpu.dma_semaphore, #tpu.memory_space<semaphore_mem>>)
      %dma_wait3A_491 = tpu.memref_slice %arg3[%add3A_360] : memref<2764800xi32, #tpu.memory_space<hbm>> -> memref<3200xi32, #tpu.memory_space<hbm>>
      %dma_wait3A_492 = tpu.memref_slice %arg3[%add3A_360] : memref<2764800xi32, #tpu.memory_space<hbm>> -> memref<3200xi32, #tpu.memory_space<hbm>>
      tpu.wait_dma2 semaphore(%run_scoped3A : memref<!tpu.dma_semaphore, #tpu.memory_space<semaphore_mem>>) src(%dma_wait3A_492 : memref<3200xi32, #tpu.memory_space<hbm>>) dst(%arg6 : memref<3200xi32, #tpu.memory_space<vmem>>)
      tpu.yield
    }) : () -> ()
    %dma_start3A_361 = arith.constant 0 : i32
    %dma_start3A_362 = arith.constant 0 : i32
    %dma_start3A_363 = tpu.memref_slice %arg5[%dma_start3A_361, %dma_start3A_362] : memref<102400x16xbf16, #tpu.memory_space<vmem_shared>> -> memref<102400x16xbf16, #tpu.memory_space<vmem_shared>>
    tpu.enqueue_indirect_dma source(%dma_start3A_363 : memref<102400x16xbf16, #tpu.memory_space<vmem_shared>>) target(%arg8 : memref<3200x16xbf16, #tpu.memory_space<vmem>>) offsets(%arg6 : memref<3200xi32, #tpu.memory_space<vmem>>) semaphore(%arg10 : memref<!tpu.dma_semaphore, #tpu.memory_space<semaphore_mem>>)
    %dma_wait3A_364 = arith.constant 0 : i32
    %dma_wait3A_365 = arith.constant 0 : i32
    %dma_wait3A_366 = tpu.memref_slice %arg5[%dma_wait3A_364, %dma_wait3A_365] : memref<102400x16xbf16, #tpu.memory_space<vmem_shared>> -> memref<102400x16xbf16, #tpu.memory_space<vmem_shared>>
    tpu.wait_indirect_dma semaphore(%arg10 : memref<!tpu.dma_semaphore, #tpu.memory_space<semaphore_mem>>) src(%dma_wait3A_366 : memref<102400x16xbf16, #tpu.memory_space<vmem_shared>>) dst(%arg8 : memref<3200x16xbf16, #tpu.memory_space<vmem>>)
    %add3A_367 = arith.constant 2048000 : i32
    %add3A_368 = arith.addi %add3A_367, %mul3A_2 : i32
    %dma_start3A_369 = arith.constant 0 : i32
    %dma_start3A_370 = tpu.memref_slice %arg4[%add3A_368, %dma_start3A_369] : memref<2764800x16xbf16, #tpu.memory_space<hbm>> -> memref<3200x16xbf16, #tpu.memory_space<hbm>>
    %dma_start3A_371 = arith.constant 0 : i32
    %dma_start3A_372 = tpu.memref_slice %arg4[%add3A_368, %dma_start3A_371] : memref<2764800x16xbf16, #tpu.memory_space<hbm>> -> memref<3200x16xbf16, #tpu.memory_space<hbm>>
    tpu.enqueue_dma source(%arg8 : memref<3200x16xbf16, #tpu.memory_space<vmem>>) target(%dma_start3A_372 : memref<3200x16xbf16, #tpu.memory_space<hbm>>) target_semaphore(%arg11 : memref<!tpu.dma_semaphore, #tpu.memory_space<semaphore_mem>>)
    %dma_wait3A_373 = arith.constant 0 : i32
    %dma_wait3A_374 = tpu.memref_slice %arg4[%mul3A_2, %dma_wait3A_373] : memref<2764800x16xbf16, #tpu.memory_space<hbm>> -> memref<3200x16xbf16, #tpu.memory_space<hbm>>
    %dma_wait3A_375 = arith.constant 0 : i32
    %dma_wait3A_376 = tpu.memref_slice %arg4[%mul3A_2, %dma_wait3A_375] : memref<2764800x16xbf16, #tpu.memory_space<hbm>> -> memref<3200x16xbf16, #tpu.memory_space<hbm>>
    tpu.wait_dma2 semaphore(%arg12 : memref<!tpu.dma_semaphore, #tpu.memory_space<semaphore_mem>>) src(%arg9 : memref<3200x16xbf16, #tpu.memory_space<vmem>>) dst(%dma_wait3A_376 : memref<3200x16xbf16, #tpu.memory_space<hbm>>)
    %add3A_377 = arith.constant 2150400 : i32
    %add3A_378 = arith.addi %add3A_377, %mul3A_2 : i32
    "tpu.region"() ({
      %run_scoped3A = tpu.sem_alloc : memref<!tpu.dma_semaphore, #tpu.memory_space<semaphore_mem>>
      %dma_start3A_489 = tpu.memref_slice %arg3[%add3A_378] : memref<2764800xi32, #tpu.memory_space<hbm>> -> memref<3200xi32, #tpu.memory_space<hbm>>
      %dma_start3A_490 = tpu.memref_slice %arg3[%add3A_378] : memref<2764800xi32, #tpu.memory_space<hbm>> -> memref<3200xi32, #tpu.memory_space<hbm>>
      tpu.enqueue_dma source(%dma_start3A_490 : memref<3200xi32, #tpu.memory_space<hbm>>) target(%arg7 : memref<3200xi32, #tpu.memory_space<vmem>>) target_semaphore(%run_scoped3A : memref<!tpu.dma_semaphore, #tpu.memory_space<semaphore_mem>>)
      %dma_wait3A_491 = tpu.memref_slice %arg3[%add3A_378] : memref<2764800xi32, #tpu.memory_space<hbm>> -> memref<3200xi32, #tpu.memory_space<hbm>>
      %dma_wait3A_492 = tpu.memref_slice %arg3[%add3A_378] : memref<2764800xi32, #tpu.memory_space<hbm>> -> memref<3200xi32, #tpu.memory_space<hbm>>
      tpu.wait_dma2 semaphore(%run_scoped3A : memref<!tpu.dma_semaphore, #tpu.memory_space<semaphore_mem>>) src(%dma_wait3A_492 : memref<3200xi32, #tpu.memory_space<hbm>>) dst(%arg7 : memref<3200xi32, #tpu.memory_space<vmem>>)
      tpu.yield
    }) : () -> ()
    %dma_start3A_379 = arith.constant 0 : i32
    %dma_start3A_380 = arith.constant 0 : i32
    %dma_start3A_381 = tpu.memref_slice %arg5[%dma_start3A_379, %dma_start3A_380] : memref<102400x16xbf16, #tpu.memory_space<vmem_shared>> -> memref<102400x16xbf16, #tpu.memory_space<vmem_shared>>
    tpu.enqueue_indirect_dma source(%dma_start3A_381 : memref<102400x16xbf16, #tpu.memory_space<vmem_shared>>) target(%arg9 : memref<3200x16xbf16, #tpu.memory_space<vmem>>) offsets(%arg7 : memref<3200xi32, #tpu.memory_space<vmem>>) semaphore(%arg10 : memref<!tpu.dma_semaphore, #tpu.memory_space<semaphore_mem>>)
    %dma_wait3A_382 = arith.constant 0 : i32
    %dma_wait3A_383 = arith.constant 0 : i32
    %dma_wait3A_384 = tpu.memref_slice %arg5[%dma_wait3A_382, %dma_wait3A_383] : memref<102400x16xbf16, #tpu.memory_space<vmem_shared>> -> memref<102400x16xbf16, #tpu.memory_space<vmem_shared>>
    tpu.wait_indirect_dma semaphore(%arg10 : memref<!tpu.dma_semaphore, #tpu.memory_space<semaphore_mem>>) src(%dma_wait3A_384 : memref<102400x16xbf16, #tpu.memory_space<vmem_shared>>) dst(%arg9 : memref<3200x16xbf16, #tpu.memory_space<vmem>>)
    %add3A_385 = arith.constant 2150400 : i32
    %add3A_386 = arith.addi %add3A_385, %mul3A_2 : i32
    %dma_start3A_387 = arith.constant 0 : i32
    %dma_start3A_388 = tpu.memref_slice %arg4[%add3A_386, %dma_start3A_387] : memref<2764800x16xbf16, #tpu.memory_space<hbm>> -> memref<3200x16xbf16, #tpu.memory_space<hbm>>
    %dma_start3A_389 = arith.constant 0 : i32
    %dma_start3A_390 = tpu.memref_slice %arg4[%add3A_386, %dma_start3A_389] : memref<2764800x16xbf16, #tpu.memory_space<hbm>> -> memref<3200x16xbf16, #tpu.memory_space<hbm>>
    tpu.enqueue_dma source(%arg9 : memref<3200x16xbf16, #tpu.memory_space<vmem>>) target(%dma_start3A_390 : memref<3200x16xbf16, #tpu.memory_space<hbm>>) target_semaphore(%arg12 : memref<!tpu.dma_semaphore, #tpu.memory_space<semaphore_mem>>)
    %dma_wait3A_391 = arith.constant 0 : i32
    %dma_wait3A_392 = tpu.memref_slice %arg4[%mul3A_2, %dma_wait3A_391] : memref<2764800x16xbf16, #tpu.memory_space<hbm>> -> memref<3200x16xbf16, #tpu.memory_space<hbm>>
    %dma_wait3A_393 = arith.constant 0 : i32
    %dma_wait3A_394 = tpu.memref_slice %arg4[%mul3A_2, %dma_wait3A_393] : memref<2764800x16xbf16, #tpu.memory_space<hbm>> -> memref<3200x16xbf16, #tpu.memory_space<hbm>>
    tpu.wait_dma2 semaphore(%arg11 : memref<!tpu.dma_semaphore, #tpu.memory_space<semaphore_mem>>) src(%arg8 : memref<3200x16xbf16, #tpu.memory_space<vmem>>) dst(%dma_wait3A_394 : memref<3200x16xbf16, #tpu.memory_space<hbm>>)
    %add3A_395 = arith.constant 2252800 : i32
    %add3A_396 = arith.addi %add3A_395, %mul3A_2 : i32
    "tpu.region"() ({
      %run_scoped3A = tpu.sem_alloc : memref<!tpu.dma_semaphore, #tpu.memory_space<semaphore_mem>>
      %dma_start3A_489 = tpu.memref_slice %arg3[%add3A_396] : memref<2764800xi32, #tpu.memory_space<hbm>> -> memref<3200xi32, #tpu.memory_space<hbm>>
      %dma_start3A_490 = tpu.memref_slice %arg3[%add3A_396] : memref<2764800xi32, #tpu.memory_space<hbm>> -> memref<3200xi32, #tpu.memory_space<hbm>>
      tpu.enqueue_dma source(%dma_start3A_490 : memref<3200xi32, #tpu.memory_space<hbm>>) target(%arg6 : memref<3200xi32, #tpu.memory_space<vmem>>) target_semaphore(%run_scoped3A : memref<!tpu.dma_semaphore, #tpu.memory_space<semaphore_mem>>)
      %dma_wait3A_491 = tpu.memref_slice %arg3[%add3A_396] : memref<2764800xi32, #tpu.memory_space<hbm>> -> memref<3200xi32, #tpu.memory_space<hbm>>
      %dma_wait3A_492 = tpu.memref_slice %arg3[%add3A_396] : memref<2764800xi32, #tpu.memory_space<hbm>> -> memref<3200xi32, #tpu.memory_space<hbm>>
      tpu.wait_dma2 semaphore(%run_scoped3A : memref<!tpu.dma_semaphore, #tpu.memory_space<semaphore_mem>>) src(%dma_wait3A_492 : memref<3200xi32, #tpu.memory_space<hbm>>) dst(%arg6 : memref<3200xi32, #tpu.memory_space<vmem>>)
      tpu.yield
    }) : () -> ()
    %dma_start3A_397 = arith.constant 0 : i32
    %dma_start3A_398 = arith.constant 0 : i32
    %dma_start3A_399 = tpu.memref_slice %arg5[%dma_start3A_397, %dma_start3A_398] : memref<102400x16xbf16, #tpu.memory_space<vmem_shared>> -> memref<102400x16xbf16, #tpu.memory_space<vmem_shared>>
    tpu.enqueue_indirect_dma source(%dma_start3A_399 : memref<102400x16xbf16, #tpu.memory_space<vmem_shared>>) target(%arg8 : memref<3200x16xbf16, #tpu.memory_space<vmem>>) offsets(%arg6 : memref<3200xi32, #tpu.memory_space<vmem>>) semaphore(%arg10 : memref<!tpu.dma_semaphore, #tpu.memory_space<semaphore_mem>>)
    %dma_wait3A_400 = arith.constant 0 : i32
    %dma_wait3A_401 = arith.constant 0 : i32
    %dma_wait3A_402 = tpu.memref_slice %arg5[%dma_wait3A_400, %dma_wait3A_401] : memref<102400x16xbf16, #tpu.memory_space<vmem_shared>> -> memref<102400x16xbf16, #tpu.memory_space<vmem_shared>>
    tpu.wait_indirect_dma semaphore(%arg10 : memref<!tpu.dma_semaphore, #tpu.memory_space<semaphore_mem>>) src(%dma_wait3A_402 : memref<102400x16xbf16, #tpu.memory_space<vmem_shared>>) dst(%arg8 : memref<3200x16xbf16, #tpu.memory_space<vmem>>)
    %add3A_403 = arith.constant 2252800 : i32
    %add3A_404 = arith.addi %add3A_403, %mul3A_2 : i32
    %dma_start3A_405 = arith.constant 0 : i32
    %dma_start3A_406 = tpu.memref_slice %arg4[%add3A_404, %dma_start3A_405] : memref<2764800x16xbf16, #tpu.memory_space<hbm>> -> memref<3200x16xbf16, #tpu.memory_space<hbm>>
    %dma_start3A_407 = arith.constant 0 : i32
    %dma_start3A_408 = tpu.memref_slice %arg4[%add3A_404, %dma_start3A_407] : memref<2764800x16xbf16, #tpu.memory_space<hbm>> -> memref<3200x16xbf16, #tpu.memory_space<hbm>>
    tpu.enqueue_dma source(%arg8 : memref<3200x16xbf16, #tpu.memory_space<vmem>>) target(%dma_start3A_408 : memref<3200x16xbf16, #tpu.memory_space<hbm>>) target_semaphore(%arg11 : memref<!tpu.dma_semaphore, #tpu.memory_space<semaphore_mem>>)
    %dma_wait3A_409 = arith.constant 0 : i32
    %dma_wait3A_410 = tpu.memref_slice %arg4[%mul3A_2, %dma_wait3A_409] : memref<2764800x16xbf16, #tpu.memory_space<hbm>> -> memref<3200x16xbf16, #tpu.memory_space<hbm>>
    %dma_wait3A_411 = arith.constant 0 : i32
    %dma_wait3A_412 = tpu.memref_slice %arg4[%mul3A_2, %dma_wait3A_411] : memref<2764800x16xbf16, #tpu.memory_space<hbm>> -> memref<3200x16xbf16, #tpu.memory_space<hbm>>
    tpu.wait_dma2 semaphore(%arg12 : memref<!tpu.dma_semaphore, #tpu.memory_space<semaphore_mem>>) src(%arg9 : memref<3200x16xbf16, #tpu.memory_space<vmem>>) dst(%dma_wait3A_412 : memref<3200x16xbf16, #tpu.memory_space<hbm>>)
    %add3A_413 = arith.constant 2355200 : i32
    %add3A_414 = arith.addi %add3A_413, %mul3A_2 : i32
    "tpu.region"() ({
      %run_scoped3A = tpu.sem_alloc : memref<!tpu.dma_semaphore, #tpu.memory_space<semaphore_mem>>
      %dma_start3A_489 = tpu.memref_slice %arg3[%add3A_414] : memref<2764800xi32, #tpu.memory_space<hbm>> -> memref<3200xi32, #tpu.memory_space<hbm>>
      %dma_start3A_490 = tpu.memref_slice %arg3[%add3A_414] : memref<2764800xi32, #tpu.memory_space<hbm>> -> memref<3200xi32, #tpu.memory_space<hbm>>
      tpu.enqueue_dma source(%dma_start3A_490 : memref<3200xi32, #tpu.memory_space<hbm>>) target(%arg7 : memref<3200xi32, #tpu.memory_space<vmem>>) target_semaphore(%run_scoped3A : memref<!tpu.dma_semaphore, #tpu.memory_space<semaphore_mem>>)
      %dma_wait3A_491 = tpu.memref_slice %arg3[%add3A_414] : memref<2764800xi32, #tpu.memory_space<hbm>> -> memref<3200xi32, #tpu.memory_space<hbm>>
      %dma_wait3A_492 = tpu.memref_slice %arg3[%add3A_414] : memref<2764800xi32, #tpu.memory_space<hbm>> -> memref<3200xi32, #tpu.memory_space<hbm>>
      tpu.wait_dma2 semaphore(%run_scoped3A : memref<!tpu.dma_semaphore, #tpu.memory_space<semaphore_mem>>) src(%dma_wait3A_492 : memref<3200xi32, #tpu.memory_space<hbm>>) dst(%arg7 : memref<3200xi32, #tpu.memory_space<vmem>>)
      tpu.yield
    }) : () -> ()
    %dma_start3A_415 = arith.constant 0 : i32
    %dma_start3A_416 = arith.constant 0 : i32
    %dma_start3A_417 = tpu.memref_slice %arg5[%dma_start3A_415, %dma_start3A_416] : memref<102400x16xbf16, #tpu.memory_space<vmem_shared>> -> memref<102400x16xbf16, #tpu.memory_space<vmem_shared>>
    tpu.enqueue_indirect_dma source(%dma_start3A_417 : memref<102400x16xbf16, #tpu.memory_space<vmem_shared>>) target(%arg9 : memref<3200x16xbf16, #tpu.memory_space<vmem>>) offsets(%arg7 : memref<3200xi32, #tpu.memory_space<vmem>>) semaphore(%arg10 : memref<!tpu.dma_semaphore, #tpu.memory_space<semaphore_mem>>)
    %dma_wait3A_418 = arith.constant 0 : i32
    %dma_wait3A_419 = arith.constant 0 : i32
    %dma_wait3A_420 = tpu.memref_slice %arg5[%dma_wait3A_418, %dma_wait3A_419] : memref<102400x16xbf16, #tpu.memory_space<vmem_shared>> -> memref<102400x16xbf16, #tpu.memory_space<vmem_shared>>
    tpu.wait_indirect_dma semaphore(%arg10 : memref<!tpu.dma_semaphore, #tpu.memory_space<semaphore_mem>>) src(%dma_wait3A_420 : memref<102400x16xbf16, #tpu.memory_space<vmem_shared>>) dst(%arg9 : memref<3200x16xbf16, #tpu.memory_space<vmem>>)
    %add3A_421 = arith.constant 2355200 : i32
    %add3A_422 = arith.addi %add3A_421, %mul3A_2 : i32
    %dma_start3A_423 = arith.constant 0 : i32
    %dma_start3A_424 = tpu.memref_slice %arg4[%add3A_422, %dma_start3A_423] : memref<2764800x16xbf16, #tpu.memory_space<hbm>> -> memref<3200x16xbf16, #tpu.memory_space<hbm>>
    %dma_start3A_425 = arith.constant 0 : i32
    %dma_start3A_426 = tpu.memref_slice %arg4[%add3A_422, %dma_start3A_425] : memref<2764800x16xbf16, #tpu.memory_space<hbm>> -> memref<3200x16xbf16, #tpu.memory_space<hbm>>
    tpu.enqueue_dma source(%arg9 : memref<3200x16xbf16, #tpu.memory_space<vmem>>) target(%dma_start3A_426 : memref<3200x16xbf16, #tpu.memory_space<hbm>>) target_semaphore(%arg12 : memref<!tpu.dma_semaphore, #tpu.memory_space<semaphore_mem>>)
    %dma_wait3A_427 = arith.constant 0 : i32
    %dma_wait3A_428 = tpu.memref_slice %arg4[%mul3A_2, %dma_wait3A_427] : memref<2764800x16xbf16, #tpu.memory_space<hbm>> -> memref<3200x16xbf16, #tpu.memory_space<hbm>>
    %dma_wait3A_429 = arith.constant 0 : i32
    %dma_wait3A_430 = tpu.memref_slice %arg4[%mul3A_2, %dma_wait3A_429] : memref<2764800x16xbf16, #tpu.memory_space<hbm>> -> memref<3200x16xbf16, #tpu.memory_space<hbm>>
    tpu.wait_dma2 semaphore(%arg11 : memref<!tpu.dma_semaphore, #tpu.memory_space<semaphore_mem>>) src(%arg8 : memref<3200x16xbf16, #tpu.memory_space<vmem>>) dst(%dma_wait3A_430 : memref<3200x16xbf16, #tpu.memory_space<hbm>>)
    %add3A_431 = arith.constant 2457600 : i32
    %add3A_432 = arith.addi %add3A_431, %mul3A_2 : i32
    "tpu.region"() ({
      %run_scoped3A = tpu.sem_alloc : memref<!tpu.dma_semaphore, #tpu.memory_space<semaphore_mem>>
      %dma_start3A_489 = tpu.memref_slice %arg3[%add3A_432] : memref<2764800xi32, #tpu.memory_space<hbm>> -> memref<3200xi32, #tpu.memory_space<hbm>>
      %dma_start3A_490 = tpu.memref_slice %arg3[%add3A_432] : memref<2764800xi32, #tpu.memory_space<hbm>> -> memref<3200xi32, #tpu.memory_space<hbm>>
      tpu.enqueue_dma source(%dma_start3A_490 : memref<3200xi32, #tpu.memory_space<hbm>>) target(%arg6 : memref<3200xi32, #tpu.memory_space<vmem>>) target_semaphore(%run_scoped3A : memref<!tpu.dma_semaphore, #tpu.memory_space<semaphore_mem>>)
      %dma_wait3A_491 = tpu.memref_slice %arg3[%add3A_432] : memref<2764800xi32, #tpu.memory_space<hbm>> -> memref<3200xi32, #tpu.memory_space<hbm>>
      %dma_wait3A_492 = tpu.memref_slice %arg3[%add3A_432] : memref<2764800xi32, #tpu.memory_space<hbm>> -> memref<3200xi32, #tpu.memory_space<hbm>>
      tpu.wait_dma2 semaphore(%run_scoped3A : memref<!tpu.dma_semaphore, #tpu.memory_space<semaphore_mem>>) src(%dma_wait3A_492 : memref<3200xi32, #tpu.memory_space<hbm>>) dst(%arg6 : memref<3200xi32, #tpu.memory_space<vmem>>)
      tpu.yield
    }) : () -> ()
    %dma_start3A_433 = arith.constant 0 : i32
    %dma_start3A_434 = arith.constant 0 : i32
    %dma_start3A_435 = tpu.memref_slice %arg5[%dma_start3A_433, %dma_start3A_434] : memref<102400x16xbf16, #tpu.memory_space<vmem_shared>> -> memref<102400x16xbf16, #tpu.memory_space<vmem_shared>>
    tpu.enqueue_indirect_dma source(%dma_start3A_435 : memref<102400x16xbf16, #tpu.memory_space<vmem_shared>>) target(%arg8 : memref<3200x16xbf16, #tpu.memory_space<vmem>>) offsets(%arg6 : memref<3200xi32, #tpu.memory_space<vmem>>) semaphore(%arg10 : memref<!tpu.dma_semaphore, #tpu.memory_space<semaphore_mem>>)
    %dma_wait3A_436 = arith.constant 0 : i32
    %dma_wait3A_437 = arith.constant 0 : i32
    %dma_wait3A_438 = tpu.memref_slice %arg5[%dma_wait3A_436, %dma_wait3A_437] : memref<102400x16xbf16, #tpu.memory_space<vmem_shared>> -> memref<102400x16xbf16, #tpu.memory_space<vmem_shared>>
    tpu.wait_indirect_dma semaphore(%arg10 : memref<!tpu.dma_semaphore, #tpu.memory_space<semaphore_mem>>) src(%dma_wait3A_438 : memref<102400x16xbf16, #tpu.memory_space<vmem_shared>>) dst(%arg8 : memref<3200x16xbf16, #tpu.memory_space<vmem>>)
    %add3A_439 = arith.constant 2457600 : i32
    %add3A_440 = arith.addi %add3A_439, %mul3A_2 : i32
    %dma_start3A_441 = arith.constant 0 : i32
    %dma_start3A_442 = tpu.memref_slice %arg4[%add3A_440, %dma_start3A_441] : memref<2764800x16xbf16, #tpu.memory_space<hbm>> -> memref<3200x16xbf16, #tpu.memory_space<hbm>>
    %dma_start3A_443 = arith.constant 0 : i32
    %dma_start3A_444 = tpu.memref_slice %arg4[%add3A_440, %dma_start3A_443] : memref<2764800x16xbf16, #tpu.memory_space<hbm>> -> memref<3200x16xbf16, #tpu.memory_space<hbm>>
    tpu.enqueue_dma source(%arg8 : memref<3200x16xbf16, #tpu.memory_space<vmem>>) target(%dma_start3A_444 : memref<3200x16xbf16, #tpu.memory_space<hbm>>) target_semaphore(%arg11 : memref<!tpu.dma_semaphore, #tpu.memory_space<semaphore_mem>>)
    %dma_wait3A_445 = arith.constant 0 : i32
    %dma_wait3A_446 = tpu.memref_slice %arg4[%mul3A_2, %dma_wait3A_445] : memref<2764800x16xbf16, #tpu.memory_space<hbm>> -> memref<3200x16xbf16, #tpu.memory_space<hbm>>
    %dma_wait3A_447 = arith.constant 0 : i32
    %dma_wait3A_448 = tpu.memref_slice %arg4[%mul3A_2, %dma_wait3A_447] : memref<2764800x16xbf16, #tpu.memory_space<hbm>> -> memref<3200x16xbf16, #tpu.memory_space<hbm>>
    tpu.wait_dma2 semaphore(%arg12 : memref<!tpu.dma_semaphore, #tpu.memory_space<semaphore_mem>>) src(%arg9 : memref<3200x16xbf16, #tpu.memory_space<vmem>>) dst(%dma_wait3A_448 : memref<3200x16xbf16, #tpu.memory_space<hbm>>)
    %add3A_449 = arith.constant 2560000 : i32
    %add3A_450 = arith.addi %add3A_449, %mul3A_2 : i32
    "tpu.region"() ({
      %run_scoped3A = tpu.sem_alloc : memref<!tpu.dma_semaphore, #tpu.memory_space<semaphore_mem>>
      %dma_start3A_489 = tpu.memref_slice %arg3[%add3A_450] : memref<2764800xi32, #tpu.memory_space<hbm>> -> memref<3200xi32, #tpu.memory_space<hbm>>
      %dma_start3A_490 = tpu.memref_slice %arg3[%add3A_450] : memref<2764800xi32, #tpu.memory_space<hbm>> -> memref<3200xi32, #tpu.memory_space<hbm>>
      tpu.enqueue_dma source(%dma_start3A_490 : memref<3200xi32, #tpu.memory_space<hbm>>) target(%arg7 : memref<3200xi32, #tpu.memory_space<vmem>>) target_semaphore(%run_scoped3A : memref<!tpu.dma_semaphore, #tpu.memory_space<semaphore_mem>>)
      %dma_wait3A_491 = tpu.memref_slice %arg3[%add3A_450] : memref<2764800xi32, #tpu.memory_space<hbm>> -> memref<3200xi32, #tpu.memory_space<hbm>>
      %dma_wait3A_492 = tpu.memref_slice %arg3[%add3A_450] : memref<2764800xi32, #tpu.memory_space<hbm>> -> memref<3200xi32, #tpu.memory_space<hbm>>
      tpu.wait_dma2 semaphore(%run_scoped3A : memref<!tpu.dma_semaphore, #tpu.memory_space<semaphore_mem>>) src(%dma_wait3A_492 : memref<3200xi32, #tpu.memory_space<hbm>>) dst(%arg7 : memref<3200xi32, #tpu.memory_space<vmem>>)
      tpu.yield
    }) : () -> ()
    %dma_start3A_451 = arith.constant 0 : i32
    %dma_start3A_452 = arith.constant 0 : i32
    %dma_start3A_453 = tpu.memref_slice %arg5[%dma_start3A_451, %dma_start3A_452] : memref<102400x16xbf16, #tpu.memory_space<vmem_shared>> -> memref<102400x16xbf16, #tpu.memory_space<vmem_shared>>
    tpu.enqueue_indirect_dma source(%dma_start3A_453 : memref<102400x16xbf16, #tpu.memory_space<vmem_shared>>) target(%arg9 : memref<3200x16xbf16, #tpu.memory_space<vmem>>) offsets(%arg7 : memref<3200xi32, #tpu.memory_space<vmem>>) semaphore(%arg10 : memref<!tpu.dma_semaphore, #tpu.memory_space<semaphore_mem>>)
    %dma_wait3A_454 = arith.constant 0 : i32
    %dma_wait3A_455 = arith.constant 0 : i32
    %dma_wait3A_456 = tpu.memref_slice %arg5[%dma_wait3A_454, %dma_wait3A_455] : memref<102400x16xbf16, #tpu.memory_space<vmem_shared>> -> memref<102400x16xbf16, #tpu.memory_space<vmem_shared>>
    tpu.wait_indirect_dma semaphore(%arg10 : memref<!tpu.dma_semaphore, #tpu.memory_space<semaphore_mem>>) src(%dma_wait3A_456 : memref<102400x16xbf16, #tpu.memory_space<vmem_shared>>) dst(%arg9 : memref<3200x16xbf16, #tpu.memory_space<vmem>>)
    %add3A_457 = arith.constant 2560000 : i32
    %add3A_458 = arith.addi %add3A_457, %mul3A_2 : i32
    %dma_start3A_459 = arith.constant 0 : i32
    %dma_start3A_460 = tpu.memref_slice %arg4[%add3A_458, %dma_start3A_459] : memref<2764800x16xbf16, #tpu.memory_space<hbm>> -> memref<3200x16xbf16, #tpu.memory_space<hbm>>
    %dma_start3A_461 = arith.constant 0 : i32
    %dma_start3A_462 = tpu.memref_slice %arg4[%add3A_458, %dma_start3A_461] : memref<2764800x16xbf16, #tpu.memory_space<hbm>> -> memref<3200x16xbf16, #tpu.memory_space<hbm>>
    tpu.enqueue_dma source(%arg9 : memref<3200x16xbf16, #tpu.memory_space<vmem>>) target(%dma_start3A_462 : memref<3200x16xbf16, #tpu.memory_space<hbm>>) target_semaphore(%arg12 : memref<!tpu.dma_semaphore, #tpu.memory_space<semaphore_mem>>)
    %dma_wait3A_463 = arith.constant 0 : i32
    %dma_wait3A_464 = tpu.memref_slice %arg4[%mul3A_2, %dma_wait3A_463] : memref<2764800x16xbf16, #tpu.memory_space<hbm>> -> memref<3200x16xbf16, #tpu.memory_space<hbm>>
    %dma_wait3A_465 = arith.constant 0 : i32
    %dma_wait3A_466 = tpu.memref_slice %arg4[%mul3A_2, %dma_wait3A_465] : memref<2764800x16xbf16, #tpu.memory_space<hbm>> -> memref<3200x16xbf16, #tpu.memory_space<hbm>>
    tpu.wait_dma2 semaphore(%arg11 : memref<!tpu.dma_semaphore, #tpu.memory_space<semaphore_mem>>) src(%arg8 : memref<3200x16xbf16, #tpu.memory_space<vmem>>) dst(%dma_wait3A_466 : memref<3200x16xbf16, #tpu.memory_space<hbm>>)
    %add3A_467 = arith.constant 2662400 : i32
    %add3A_468 = arith.addi %add3A_467, %mul3A_2 : i32
    "tpu.region"() ({
      %run_scoped3A = tpu.sem_alloc : memref<!tpu.dma_semaphore, #tpu.memory_space<semaphore_mem>>
      %dma_start3A_489 = tpu.memref_slice %arg3[%add3A_468] : memref<2764800xi32, #tpu.memory_space<hbm>> -> memref<3200xi32, #tpu.memory_space<hbm>>
      %dma_start3A_490 = tpu.memref_slice %arg3[%add3A_468] : memref<2764800xi32, #tpu.memory_space<hbm>> -> memref<3200xi32, #tpu.memory_space<hbm>>
      tpu.enqueue_dma source(%dma_start3A_490 : memref<3200xi32, #tpu.memory_space<hbm>>) target(%arg6 : memref<3200xi32, #tpu.memory_space<vmem>>) target_semaphore(%run_scoped3A : memref<!tpu.dma_semaphore, #tpu.memory_space<semaphore_mem>>)
      %dma_wait3A_491 = tpu.memref_slice %arg3[%add3A_468] : memref<2764800xi32, #tpu.memory_space<hbm>> -> memref<3200xi32, #tpu.memory_space<hbm>>
      %dma_wait3A_492 = tpu.memref_slice %arg3[%add3A_468] : memref<2764800xi32, #tpu.memory_space<hbm>> -> memref<3200xi32, #tpu.memory_space<hbm>>
      tpu.wait_dma2 semaphore(%run_scoped3A : memref<!tpu.dma_semaphore, #tpu.memory_space<semaphore_mem>>) src(%dma_wait3A_492 : memref<3200xi32, #tpu.memory_space<hbm>>) dst(%arg6 : memref<3200xi32, #tpu.memory_space<vmem>>)
      tpu.yield
    }) : () -> ()
    %dma_start3A_469 = arith.constant 0 : i32
    %dma_start3A_470 = arith.constant 0 : i32
    %dma_start3A_471 = tpu.memref_slice %arg5[%dma_start3A_469, %dma_start3A_470] : memref<102400x16xbf16, #tpu.memory_space<vmem_shared>> -> memref<102400x16xbf16, #tpu.memory_space<vmem_shared>>
    tpu.enqueue_indirect_dma source(%dma_start3A_471 : memref<102400x16xbf16, #tpu.memory_space<vmem_shared>>) target(%arg8 : memref<3200x16xbf16, #tpu.memory_space<vmem>>) offsets(%arg6 : memref<3200xi32, #tpu.memory_space<vmem>>) semaphore(%arg10 : memref<!tpu.dma_semaphore, #tpu.memory_space<semaphore_mem>>)
    %dma_wait3A_472 = arith.constant 0 : i32
    %dma_wait3A_473 = arith.constant 0 : i32
    %dma_wait3A_474 = tpu.memref_slice %arg5[%dma_wait3A_472, %dma_wait3A_473] : memref<102400x16xbf16, #tpu.memory_space<vmem_shared>> -> memref<102400x16xbf16, #tpu.memory_space<vmem_shared>>
    tpu.wait_indirect_dma semaphore(%arg10 : memref<!tpu.dma_semaphore, #tpu.memory_space<semaphore_mem>>) src(%dma_wait3A_474 : memref<102400x16xbf16, #tpu.memory_space<vmem_shared>>) dst(%arg8 : memref<3200x16xbf16, #tpu.memory_space<vmem>>)
    %add3A_475 = arith.constant 2662400 : i32
    %add3A_476 = arith.addi %add3A_475, %mul3A_2 : i32
    %dma_start3A_477 = arith.constant 0 : i32
    %dma_start3A_478 = tpu.memref_slice %arg4[%add3A_476, %dma_start3A_477] : memref<2764800x16xbf16, #tpu.memory_space<hbm>> -> memref<3200x16xbf16, #tpu.memory_space<hbm>>
    %dma_start3A_479 = arith.constant 0 : i32
    %dma_start3A_480 = tpu.memref_slice %arg4[%add3A_476, %dma_start3A_479] : memref<2764800x16xbf16, #tpu.memory_space<hbm>> -> memref<3200x16xbf16, #tpu.memory_space<hbm>>
    tpu.enqueue_dma source(%arg8 : memref<3200x16xbf16, #tpu.memory_space<vmem>>) target(%dma_start3A_480 : memref<3200x16xbf16, #tpu.memory_space<hbm>>) target_semaphore(%arg11 : memref<!tpu.dma_semaphore, #tpu.memory_space<semaphore_mem>>)
    %dma_wait3A_481 = arith.constant 0 : i32
    %dma_wait3A_482 = tpu.memref_slice %arg4[%mul3A_2, %dma_wait3A_481] : memref<2764800x16xbf16, #tpu.memory_space<hbm>> -> memref<3200x16xbf16, #tpu.memory_space<hbm>>
    %dma_wait3A_483 = arith.constant 0 : i32
    %dma_wait3A_484 = tpu.memref_slice %arg4[%mul3A_2, %dma_wait3A_483] : memref<2764800x16xbf16, #tpu.memory_space<hbm>> -> memref<3200x16xbf16, #tpu.memory_space<hbm>>
    tpu.wait_dma2 semaphore(%arg12 : memref<!tpu.dma_semaphore, #tpu.memory_space<semaphore_mem>>) src(%arg9 : memref<3200x16xbf16, #tpu.memory_space<vmem>>) dst(%dma_wait3A_484 : memref<3200x16xbf16, #tpu.memory_space<hbm>>)
    %dma_wait3A_485 = arith.constant 0 : i32
    %dma_wait3A_486 = tpu.memref_slice %arg4[%mul3A_2, %dma_wait3A_485] : memref<2764800x16xbf16, #tpu.memory_space<hbm>> -> memref<3200x16xbf16, #tpu.memory_space<hbm>>
    %dma_wait3A_487 = arith.constant 0 : i32
    %dma_wait3A_488 = tpu.memref_slice %arg4[%mul3A_2, %dma_wait3A_487] : memref<2764800x16xbf16, #tpu.memory_space<hbm>> -> memref<3200x16xbf16, #tpu.memory_space<hbm>>
    tpu.wait_dma2 semaphore(%arg11 : memref<!tpu.dma_semaphore, #tpu.memory_space<semaphore_mem>>) src(%arg8 : memref<3200x16xbf16, #tpu.memory_space<vmem>>) dst(%dma_wait3A_488 : memref<3200x16xbf16, #tpu.memory_space<hbm>>)
    return
  }
}

module attributes {stable_mosaic.version = 14 : i64} {
  func.func @body(%arg0: i32, %arg1: i32, %arg2: memref<6400x128xbf16, #tpu.memory_space<vmem>>, %arg3: memref<1x128x128xbf16, #tpu.memory_space<vmem>>, %arg4: memref<6400x128xf32, #tpu.memory_space<vmem>>) attributes {dimension_semantics = [#tpu.dimension_semantics<arbitrary>, #tpu.dimension_semantics<arbitrary>], iteration_bounds = array<i64: 2, 27>, scalar_prefetch = 0 : i64, scratch_operands = 0 : i64, tpu.core_type = #tpu.core_type<tc>, window_params = [{transform_indices = @transform_0, window_bounds = array<i64: 6400, 128>}, {transform_indices = @transform_1, window_bounds = array<i64: 1, 128, 128>}, {transform_indices = @transform_2, window_bounds = array<i64: 6400, 128>}]} {
    %get3A = arith.constant 0 : index
    %get3A_0 = arith.constant 0 : index
    %get3A_1 = vector.load %arg2[%get3A, %get3A_0] : memref<6400x128xbf16, #tpu.memory_space<vmem>>, vector<6400x128xbf16>
    %get3A_2 = arith.constant 0 : index
    %get3A_3 = arith.constant 0 : index
    %get3A_4 = arith.constant 0 : index
    %get3A_5 = vector.load %arg3[%get3A_2, %get3A_3, %get3A_4] : memref<1x128x128xbf16, #tpu.memory_space<vmem>>, vector<1x128x128xbf16>
    %get3A_6 = vector.shape_cast %get3A_5 : vector<1x128x128xbf16> to vector<128x128xbf16>
    %dot_general3A = arith.constant dense<0.000000e+00> : vector<6400x128xf32>
    %dot_general3A_7 = tpu.matmul %get3A_1, %get3A_6, %dot_general3A {dimension_numbers = #tpu.dot_dimension_numbers<[1], [0], [0], [1], [0, 0, 1, 1], [], []>, transpose_lhs_hint = false} : vector<6400x128xbf16>, vector<128x128xbf16>, vector<6400x128xf32> -> vector<6400x128xf32>
    %eq3A = arith.constant 0 : i32
    %eq3A_8 = arith.cmpi eq, %arg1, %eq3A : i32
    %convert_element_type3A = arith.extui %eq3A_8 : i1 to i32
    %cond3A = arith.constant 0 : i32
    %cond3A_9 = arith.cmpi ne, %convert_element_type3A, %cond3A : i32
    scf.if %cond3A_9 {
      %swap3A = arith.constant 0 : index
      %swap3A_14 = arith.constant 0 : index
      %swap3A_15 = vector.load %arg4[%swap3A, %swap3A_14] : memref<6400x128xf32, #tpu.memory_space<vmem>>, vector<6400x128xf32>
      tpu.vector_store %arg4[%swap3A, %swap3A_14], %dot_general3A_7 {strides = array<i32>} : memref<6400x128xf32, #tpu.memory_space<vmem>>, vector<6400x128xf32>,
    } else {
    }
    %gt3A = arith.constant 0 : i32
    %gt3A_10 = arith.cmpi sgt, %arg1, %gt3A : i32
    %convert_element_type3A_11 = arith.extui %gt3A_10 : i1 to i32
    %cond3A_12 = arith.constant 0 : i32
    %cond3A_13 = arith.cmpi ne, %convert_element_type3A_11, %cond3A_12 : i32
    scf.if %cond3A_13 {
      %get3A_14 = arith.constant 0 : index
      %get3A_15 = arith.constant 0 : index
      %get3A_16 = vector.load %arg4[%get3A_14, %get3A_15] : memref<6400x128xf32, #tpu.memory_space<vmem>>, vector<6400x128xf32>
      %add3A = arith.addf %get3A_16, %dot_general3A_7 : vector<6400x128xf32>
      %swap3A = arith.constant 0 : index
      %swap3A_17 = arith.constant 0 : index
      %swap3A_18 = vector.load %arg4[%swap3A, %swap3A_17] : memref<6400x128xf32, #tpu.memory_space<vmem>>, vector<6400x128xf32>
      tpu.vector_store %arg4[%swap3A, %swap3A_17], %add3A {strides = array<i32>} : memref<6400x128xf32, #tpu.memory_space<vmem>>, vector<6400x128xf32>,
    } else {
    }
    return
  }
  func.func @transform_0(%arg0: i32, %arg1: i32) -> (i32, i32) {
    %mul3A = arith.constant 2 : i32
    %mul3A_0 = arith.muli %arg1, %mul3A : i32
    %add3A = arith.addi %mul3A_0, %arg0 : i32
    %c0_i32 = arith.constant 0 : i32
    %c0_i32_1 = arith.constant 0 : i32
    return %add3A, %c0_i32 : i32, i32
  }
  func.func @transform_1(%arg0: i32, %arg1: i32) -> (i32, i32, i32) {
    %c0_i32 = arith.constant 0 : i32
    %c0_i32_0 = arith.constant 0 : i32
    %c0_i32_1 = arith.constant 0 : i32
    return %arg1, %c0_i32, %c0_i32_0 : i32, i32, i32
  }
  func.func @transform_2(%arg0: i32, %arg1: i32) -> (i32, i32) {
    %c0_i32 = arith.constant 0 : i32
    %c0_i32_0 = arith.constant 0 : i32
    return %arg0, %c0_i32 : i32, i32
  }
}

</mosaic_0001>

<sc_bundles>
// kernel: kernel.4.cloned.1.call-start
scs
__scs_entry_jumppad:
0x0: {  	(pc) =	sbr.rel $0x88, $3  }
0x1: {  	(tag) =	ssettag $0x0;
	lr =	simm.s32 $0x1  }
0x2: {  	[smem:$0x3F9E] =	sst lr;
	_ =	strace $0xD0000000  }
0x3: {  	_ = 	snop  }
0x4: {  	_ = 	snop  }
0x5: {  	_ = 	snop  }
0x6: {  	_ = 	snop  }
0x7: {  	_ = 	snop  }
__scs_overlays_trampoline_lowered:
0x8: {  	[smem:$0x3FAD] =	sst s0  }
0x9: {  	[smem:$0x3FAE] =	sst s1  }
0xa: {  	[smem:$0x3FAF] =	sst s2  }
0xb: {  	[smem:$0x3FB0] =	sst s3  }
0xc: {  	[smem:$0x3FB1] =	sst s4  }
0xd: {  	[smem:$0x3FB2] =	sst s5  }
0xe: {  	[smem:$0x3FB3] =	sst s6  }
0xf: {  	[smem:$0x3FB4] =	sst s7  }
0x10: {  	[smem:$0x3FB5] =	sst s8  }
0x11: {  	[smem:$0x3FB6] =	sst s9;
	s0 =	simm.s32 @!p0 $0x0  }
0x12: {  	s1 =	sld [smem:$0x3F9C];
	s0 =	simm.s32 @p0 $0x1  }
0x13: {  	[smem:$0x3FB7] =	sst s0;
	s0 =	simm.s32 @!p1 $0x0  }
0x14: {  	s2 =	sld [smem:$0x3F9B];
	s0 =	simm.s32 @p1 $0x1  }
0x15: {  	[smem:$0x3FB8] =	sst s0;
	s0 =	simm.s32 @!p2 $0x0  }
0x16: {  	s3 =	sld [smem:$0x3FDB];
	s0 =	simm.s32 @p2 $0x1  }
0x17: {  	s4 =	simm.s32 $0x1BF5;
	[smem:$0x3FBA] =	sst s0  }
0x18: {  	s0 =	sld [smem:$0x3F9D];
	_ =	swait.ge [sflag:s4], $0x0  }
0x19: {  	s7 =	sld [smem:$0x3F9E]  }
0x1a: {  	s8 =	sadd.s32 $0xFFFFE003, lr  }
0x1b: {  	s9 =	sadd.s32 $0xFFFFFEF7, lr;
	s5 =	simm.s32 $0xFFFFFFFF;
	p2 =	slt.u32 s8, $0xFFFFF086  }
0x1c: {  	p1 =	slt.u32 s9, $0xF7A;
	s5 =	simm.s32 @!p2 $0x0  }
0x1d: {  	s5 =	simm.s32 @p1 $0x1;
	p0 =	seq.s32 s7, s2  }
0x1e: {  	s7 =	smul.u32 @!p0 $0xF7A, s2;
	p2 =	seq.s32 @!p0 s5, $0x0  }
0x1f: {  	s9 =	smul.u32 $0xF7A, s1;
	s8 =	simm.s32 @!p0 $0x1BF5;
	p2 =	por !p2, p0  }
0x20: {  	[sflag:s8] =	ssyncset.s32 @!p0 $0xFFFFF086;
	s6 =	sadd.s32 @!p0 s3, s7;
	s7 =	simm.s32 @!p0 $0x108  }
0x21: {  	s3 =	sadd.s32 s3, s9;
	s6 =	sadd.s32 @!p0 $0x88, s6;
	s7 =	simm.s32 @p2 $0x1082  }
0x22: {  	[simem:s7], [sflag:s8] =	dma.local @!p0 [hbm:s6], $0xF7A  }
0x23: {  	s9 =	sor.u32 $0xD0000000, s2;
	s6 =	simm.s32 $0x108;
	_ =	swait.ge @!p0 [sflag:s8], $0x0  }
0x24: {  	s3 =	sadd.s32 $0x88, s3;
	s6 =	simm.s32 @!p1 $0x1082;
	[sflag:s4] =	ssyncset.s32 $0xFFFFF086  }
0x25: {  	[simem:s6], [sflag:s4] =	dma.local [hbm:s3], $0xF7A  }
0x26: {  	[smem:$0x3F9E] =	sst s1;
	(tag) =	ssettag s2;
	_ =	strace s9  }
0x27: {  	s1 =	sld [smem:$0x3FAE]  }
0x28: {  	s2 =	sld [smem:$0x3FAF]  }
0x29: {  	s4 =	sld [smem:$0x3FB1]  }
0x2a: {  	p0 =	seq.s32 s5, $0x0;
	s5 =	sld [smem:$0x3FB2]  }
0x2b: {  	s6 =	sld [smem:$0x3FB3]  }
0x2c: {  	s7 =	sld [smem:$0x3FB4]  }
0x2d: {  	s3 =	simm.s32 $0x108;
	s8 =	sld [smem:$0x3FB5]  }
0x2e: {  	s3 =	simm.s32 @!p0 $0x1082;
	s9 =	sld [smem:$0x3FB6]  }
0x2f: {  	lr =	sadd.s32 s0, s3;
	s0 =	sld [smem:$0x3FAD]  }
0x30: {  	s3 =	sld [smem:$0x3FB0]  }
0x31: {  	[smem:$0x3FB9] =	sst s10  }
0x32: {  	s10 =	sld [smem:$0x3FB7];
	_ =	sdelay $0x3  }
0x33: {  	p0 =	seq.s32 s10, $0x1;
	s10 =	sld [smem:$0x3FB9];
	_ =	sdelay $0x3  }
0x34: {  	[smem:$0x3FB9] =	sst s10  }
0x35: {  	s10 =	sld [smem:$0x3FB8];
	_ =	sdelay $0x3  }
0x36: {  	p1 =	seq.s32 s10, $0x1;
	s10 =	sld [smem:$0x3FB9];
	_ =	sdelay $0x3  }
0x37: {  	[smem:$0x3FB9] =	sst s10  }
0x38: {  	s10 =	sld [smem:$0x3FBA]  }
0x39: {  	_ = 	snop;
	(pc) =	sbr.ind lr, $3  }
0x3a: {  	_ = 	snop  }
0x3b: {  	_ = 	snop  }
0x3c: {  	p2 =	seq.s32 s10, $0x1;
	s10 =	sld [smem:$0x3FB9]  }
0x3d: {  	_ =	shalt  }
0x3e: {  	_ =	shalt  }
0x3f: {  	_ =	shalt  }
0x40: {  	_ =	shalt  }
0x41: {  	_ =	shalt  }
0x42: {  	_ =	shalt  }
0x43: {  	_ =	shalt  }
0x44: {  	_ =	shalt  }
0x45: {  	_ =	shalt  }
0x46: {  	_ =	shalt  }
0x47: {  	_ =	shalt  }
0x48: {  	_ =	shalt  }
0x49: {  	_ =	shalt  }
0x4a: {  	_ =	shalt  }
0x4b: {  	_ =	shalt  }
0x4c: {  	_ =	shalt  }
0x4d: {  	_ =	shalt  }
0x4e: {  	_ =	shalt  }
0x4f: {  	_ =	shalt  }
0x50: {  	_ =	shalt  }
0x51: {  	_ =	shalt  }
0x52: {  	_ =	shalt  }
0x53: {  	_ =	shalt  }
0x54: {  	_ =	shalt  }
0x55: {  	_ =	shalt  }
0x56: {  	_ =	shalt  }
0x57: {  	_ =	shalt  }
0x58: {  	_ =	shalt  }
0x59: {  	_ =	shalt  }
0x5a: {  	_ =	shalt  }
0x5b: {  	_ =	shalt  }
0x5c: {  	_ =	shalt  }
0x5d: {  	_ =	shalt  }
0x5e: {  	_ =	shalt  }
0x5f: {  	_ =	shalt  }
0x60: {  	_ =	shalt  }
0x61: {  	_ =	shalt  }
0x62: {  	_ =	shalt  }
0x63: {  	_ =	shalt  }
0x64: {  	_ =	shalt  }
0x65: {  	_ =	shalt  }
0x66: {  	_ =	shalt  }
0x67: {  	_ =	shalt  }
0x68: {  	_ =	shalt  }
0x69: {  	_ =	shalt  }
0x6a: {  	_ =	shalt  }
0x6b: {  	_ =	shalt  }
0x6c: {  	_ =	shalt  }
0x6d: {  	_ =	shalt  }
0x6e: {  	_ =	shalt  }
0x6f: {  	_ =	shalt  }
0x70: {  	_ =	shalt  }
0x71: {  	_ =	shalt  }
0x72: {  	_ =	shalt  }
0x73: {  	_ =	shalt  }
0x74: {  	_ =	shalt  }
0x75: {  	_ =	shalt  }
0x76: {  	_ =	shalt  }
0x77: {  	_ =	shalt  }
0x78: {  	_ =	shalt  }
0x79: {  	_ =	shalt  }
0x7a: {  	_ =	shalt  }
0x7b: {  	_ =	shalt  }
0x7c: {  	_ =	shalt  }
0x7d: {  	_ =	shalt  }
0x7e: {  	_ =	shalt  }
0x7f: {  	_ =	shalt  }
0x80: {  	_ =	shalt  }
0x81: {  	_ =	shalt  }
0x82: {  	_ =	shalt  }
0x83: {  	_ =	shalt  }
0x84: {  	_ =	shalt  }
0x85: {  	_ =	shalt  }
0x86: {  	_ =	shalt  }
0x87: {  	_ =	shalt  }
.Lfunc_end0:
.L_simem_size_0:
called_computation_lowered:
.L_overlay_start_0:
0x88: {  	s2 =	sld [smem:$0x3FD9]  }
0x89: {  	s3 =	sld [smem:$0x3FFE];
	_ =	sdelay $0x1  }
0x8a: {  	s1 =	srdreg.scid  }
0x8b: {  	s0 =	sand.u32 $0x1, s1  }
0x8c: {  	s17 =	sshll.u32 s0, $0xA;
	s2 =	sadd.s32 s3, s2  }
0x8d: {  	s2 =	sadd.s32 s2, s17  }
0x8e: {  	[smem:$0x3FC5] =	sst s2  }
0x8f: {  	_ = 	snop  }
0x90: {  	s2 =	sld [smem:$0x3FD0];
	(tm) =	ssettm $0x1  }
0x91: {  	s18 =	sld [smem:$0x3FFB];
	_ =	sdelay $0x3  }
0x92: {  	_ =	strace s18  }
0x93: {  	s3 =	sld [smem:$0x3FFC];
	_ =	sdelay $0x3  }
0x94: {  	_ =	strace s3  }
0x95: {  	s3 =	sld [smem:$0x3FFD];
	_ =	sdelay $0x3  }
0x96: {  	_ =	strace s3  }
0x97: {  	_ =	strace $0x8FFFFFFF  }
0x98: {  	s19 =	sld [smem:$0x3FDB];
	_ =	sdelay $0x1  }
0x99: {  	s4 =	simm.s32 $_scs_section_size  }
0x9a: {  	s5 =	simm.s32 $_size__tile_overlayer_lowered;
	s6 =	simm.s32 $_tile_overlayer_lowered  }
0x9b: {  	s22 =	simm.s32 $0x1BFF;
	s21 =	sshll.u32 s6, $0x1;
	s3 =	sadd.s32 s4, s19  }
0x9c: {  	s7 =	simm.s32 $0x0;
	s20 =	sshll.u32 s5, $0x1;
	s5 =	sadd.s32 s21, s3  }
0x9d: {  	[timem:s7], [sflag:s22] =	dma.local [hbm:s5], s20  }
0x9e: {  	_ =	swait.ge [sflag:s22], s20  }
0x9f: {  	s4 =	ssub.s32 $0x0, s20;
	[sflag:s22] =	ssyncset.done $0x0  }
0xa0: {  	[sflag:s22] =	ssyncadd.s32 s4;
	_ =	sdelay $0x1  }
0xa1: {  	s23 =	simm.s32 $0x1B8B  }
0xa2: {  	_ =	swait.ge [sflag:s23], $0x1  }
0xa3: {  	[sflag:s23] =	ssyncset.done $0x0  }
0xa4: {  	s25 =	simm.s32 $0x1B8E;
	s24 =	sld [smem:$0x3FFE];
	[sflag:s23] =	ssyncadd.s32 $0xFFFFFFFF  }
0xa5: {  	s26 =	simm.s32 $execute0_lowered;
	[smem:$0x3FD2] =	sst s25  }
0xa6: {  	s5 =	sshll.u32 s26, $0x1;
	_ =	strace $0x80000046;
	[dreg:$0x1] =	wrdreg $0xFFFFFFFF  }
0xa7: {  	s28 =	simm.s32 $_size_execute0_lowered;
	s3 =	sadd.s32 s3, s5;
	[dreg:$0x0] =	wrdreg $0x0  }
0xa8: {  	s5 =	sshll.u32 s28, $0x1;
	[dreg:$0x2] =	wrdreg s3  }
0xa9: {  	[dreg:$0x3] =	wrdreg s5  }
0xaa: {  	[dreg:$0x4] =	wrdreg $0xC0  }
0xab: {  	_ =	task [dreg:s7], $0x5FFFF  }
0xac: {  	[dreg:$0x1] =	wrdreg $0xFFFFFFFF  }
0xad: {  	[dreg:$0x0] =	wrdreg $0x60  }
0xae: {  	[dreg:$0x2] =	wrdreg s2  }
0xaf: {  	[dreg:$0x3] =	wrdreg s24  }
0xb0: {  	[dreg:$0x4] =	wrdreg $0x0  }
0xb1: {  	[dreg:$0x5] =	wrdreg $0x9  }
0xb2: {  	_ =	task.clear_ibuf [dreg:s7], $0x6FFFF;
	_ =	strace $0x90000046  }
0xb3: {  	s29 =	simm.s32 $0x9;
	_ =	strace $0x80000048  }
0xb4: {  	_ =	swait.ge [sflag:s29], $0x1  }
0xb5: {  	[sflag:s29] =	ssyncadd.s32 $0xFFFFFFFF  }
0xb6: {  	_ =	strace $0x90000048  }
0xb7: {  	_ =	sfence  }
0xb8: {  	s30 =	sld [smem:$0x0];
	_ =	sdelay $0x2  }
0xb9: {  	s31 =	sshll.u32 s1, $0xD;
	s1 =	sshrl.u32 s1, $0x2  }
0xba: {  	s3 =	sand.u32 $0x4000, s31;
	s1 =	sadd.s32 s1, s30  }
0xbb: {  	s0 =	sor.u32 s3, s0;
	s1 =	sshll.u32 s1, $0x11  }
0xbc: {  	s0 =	sor.u32 s1, s0  }
0xbd: {  	s0 =	sadd.s32 $0x8F2B, s0  }
0xbe: {  	[sflag:s0] =	ssyncadd.remote.s32 $0x1  }
0xbf: {  	_ =	sfence.sel $0xFFFF  }
0xc0: {  	[dreg:$0x0] =	wrdreg $0xFFFFFFFF;
	(pc) =	sbr.abs _section_cstart, $3  }
0xc1: {  	[dreg:$0x1] =	wrdreg $0xFFFFFFFF  }
0xc2: {  	_ =	task.clear_ibuf [dreg:s7], $0x2FFFF;
	_ =	strace $0x9FFFFFFF  }
0xc3: {  	(tm) =	ssettm $0x7FFFFFFF  }
tec
execute0_lowered:
.L_overlay_start_1:
0x0: {  	(tag) =	ssettag $0x1  }
0x1: {  	s0 =	rddreg [dreg:$0x0]  }
0x2: {  	s26 =	rddreg [dreg:$0x1]  }
0x3: {  	s1 =	rddreg [dreg:$0x2]  }
0x4: {  	s2 =	srdreg.scid;
	s30 =	rddreg [dreg:$0x3]  }
0x5: {  	s4 =	stileid.u32;
	p1 =	por $0x0, $0x0;
	[dreg:$0x4] =	wrdreg s0  }
0x6: {  	s6 =	sand.u32 $0x1, s2;
	s3 =	sshll.u32 s4, $0x1;
	s2 =	simm.s32 $0x0  }
0x7: {  	p0 =	sne.s32 s4, $0x0;
	s4 =	simm.s32 $0xE100;
	s3 =	sor.u32 s6, s3  }
0x8: {  	[smem:$0x7FF] =	sst s2;
	s7 =	ssub.s32 $0x2, s6;
	s6 =	sadd.s32 $0x54C00, s26  }
0x9: {  	s28 =	sshrl.u32 @!p0 s1, $0x3;
	s5 =	smul.u32 $0xC80, s3;
	s31 =	sshrl.u32 s7, $0x1  }
0xa: {  	_ =	strace $0x80000047;
	s3 =	sadd.s32 $0x600, s26;
	s7 =	ssub.s32 s7, s31  }
0xb: {  	s0 =	rddreg [dreg:$0x4];
	s8 =	sshrl.u32 s5, $0x3;
	s10 =	sadd.s32 $0x19000, s5  }
0xc: {  	s11 =	sadd.s32 s6, s5;
	s13 =	sadd.s32 $0x32000, s5;
	s17 =	sadd.s32 $0x4B000, s5  }
0xd: {  	s21 =	sadd.s32 $0x64000, s5;
	s25 =	sadd.s32 $0x7D000, s5;
	s9 =	sadd.s32 s3, s8  }
0xe: {  	[dreg:$0x6] =	wrdreg s11;
	s14 =	sadd.s32 s6, s10;
	s15 =	sshrl.u32 s13, $0x3  }
0xf: {  	s18 =	sadd.s32 s6, s13;
	s19 =	sshrl.u32 s17, $0x3;
	[dreg:$0x5] =	wrdreg s9  }
0x10: {  	s22 =	sadd.s32 s6, s17;
	s23 =	sshrl.u32 s21, $0x3;
	[dreg:$0x8] =	wrdreg s14  }
0x11: {  	s26 =	sadd.s32 s6, s21;
	s31 =	sshrl.u32 s25, $0x3;
	[dreg:$0xa] =	wrdreg s18  }
0x12: {  	s11 =	sadd.s32 $0x96000, s5;
	s8 =	simm.s32 $0x1;
	[dreg:$0xc] =	wrdreg s22  }
0x13: {  	s9 =	sshrl.u32 s10, $0x3;
	s16 =	sadd.s32 s3, s15;
	[dreg:$0xe] =	wrdreg s26  }
0x14: {  	s20 =	sadd.s32 s3, s19;
	s24 =	sadd.s32 s3, s23;
	[dreg:$0x9] =	wrdreg s16  }
0x15: {  	s10 =	sadd.s32 s3, s31;
	s13 =	sshrl.u32 s11, $0x3;
	[dreg:$0xb] =	wrdreg s20  }
0x16: {  	s15 =	sadd.s32 $0xAF000, s5;
	s19 =	sadd.s32 $0xC8000, s5;
	[dreg:$0xd] =	wrdreg s24  }
0x17: {  	s23 =	sadd.s32 $0xE1000, s5;
	s12 =	sadd.s32 s3, s9;
	[dreg:$0xf] =	wrdreg s10  }
0x18: {  	s31 =	sadd.s32 $0xFA000, s5;
	s14 =	sadd.s32 s3, s13;
	[dreg:$0x7] =	wrdreg s12  }
0x19: {  	s16 =	sadd.s32 s6, s11;
	s17 =	sshrl.u32 s15, $0x3;
	[dreg:$0x11] =	wrdreg s14  }
0x1a: {  	s20 =	sadd.s32 s6, s15;
	s21 =	sshrl.u32 s19, $0x3;
	[dreg:$0x12] =	wrdreg s16  }
0x1b: {  	s24 =	sadd.s32 s6, s19;
	s10 =	sadd.s32 s6, s23;
	[dreg:$0x14] =	wrdreg s20  }
0x1c: {  	s11 =	sshrl.u32 s31, $0x3;
	s13 =	sadd.s32 $0x113000, s5;
	[dreg:$0x16] =	wrdreg s24  }
0x1d: {  	s12 =	sadd.s32 s6, s25;
	s18 =	sadd.s32 s3, s17;
	[dreg:$0x18] =	wrdreg s10  }
0x1e: {  	s22 =	sadd.s32 s3, s21;
	s25 =	sshrl.u32 s23, $0x3;
	[dreg:$0x10] =	wrdreg s12  }
0x1f: {  	s14 =	sadd.s32 s6, s31;
	s15 =	sshrl.u32 s13, $0x3;
	[dreg:$0x13] =	wrdreg s18  }
0x20: {  	s17 =	sadd.s32 $0x12C000, s5;
	s21 =	sadd.s32 $0x145000, s5;
	[dreg:$0x15] =	wrdreg s22  }
0x21: {  	s26 =	sadd.s32 s3, s25;
	s12 =	sadd.s32 s3, s11;
	[dreg:$0x1a] =	wrdreg s14  }
0x22: {  	s16 =	sadd.s32 s3, s15;
	s18 =	sadd.s32 s6, s13;
	[dreg:$0x17] =	wrdreg s26  }
0x23: {  	s19 =	sshrl.u32 s17, $0x3;
	s22 =	sadd.s32 s6, s17;
	[dreg:$0x19] =	wrdreg s12  }
0x24: {  	s23 =	sshrl.u32 s21, $0x3;
	s25 =	sadd.s32 $0x15E000, s5;
	[dreg:$0x1b] =	wrdreg s16  }
0x25: {  	s11 =	sadd.s32 $0x177000, s5;
	s15 =	sadd.s32 $0x190000, s5;
	[dreg:$0x1c] =	wrdreg s18  }
0x26: {  	s20 =	sadd.s32 s3, s19;
	[dreg:$0x1e] =	wrdreg s22;
	s24 =	sadd.s32 s3, s23  }
0x27: {  	s26 =	sadd.s32 s6, s21;
	s31 =	sshrl.u32 s25, $0x3;
	[dreg:$0x1d] =	wrdreg s20  }
0x28: {  	s12 =	sadd.s32 s6, s25;
	s13 =	sshrl.u32 s11, $0x3;
	[dreg:$0x1f] =	wrdreg s24  }
0x29: {  	s16 =	sadd.s32 s6, s11;
	s17 =	sshrl.u32 s15, $0x3;
	[smem:$0x7F2] =	sst s26  }
0x2a: {  	s19 =	sadd.s32 $0x1A9000, s5;
	s23 =	sadd.s32 $0x1C2000, s5;
	[smem:$0x7F4] =	sst s12  }
0x2b: {  	s10 =	sadd.s32 s3, s31;
	s14 =	sadd.s32 s3, s13;
	[smem:$0x7F6] =	sst s16  }
0x2c: {  	s18 =	sadd.s32 s3, s17;
	s20 =	sadd.s32 s6, s15;
	[smem:$0x7F3] =	sst s10  }
0x2d: {  	s21 =	sshrl.u32 s19, $0x3;
	s24 =	sadd.s32 s6, s19;
	[smem:$0x7F5] =	sst s14  }
0x2e: {  	s25 =	sshrl.u32 s23, $0x3;
	s31 =	sadd.s32 $0x1DB000, s5;
	[smem:$0x7F7] =	sst s18  }
0x2f: {  	s13 =	sadd.s32 $0x1F4000, s5;
	s16 =	sadd.s32 $0x226000, s5;
	[smem:$0x7F8] =	sst s20  }
0x30: {  	s22 =	sadd.s32 s3, s21;
	[smem:$0x7FA] =	sst s24;
	s26 =	sadd.s32 s3, s25  }
0x31: {  	s10 =	sadd.s32 s6, s23;
	s11 =	sshrl.u32 s31, $0x3;
	s14 =	sshrl.u32 s13, $0x3  }
0x32: {  	s24 =	sadd.s32 s6, s13;
	s17 =	sshrl.u32 s16, $0x3;
	[smem:$0x7F9] =	sst s22  }
0x33: {  	s18 =	sadd.s32 $0x23F000, s5;
	s20 =	sadd.s32 s6, s16;
	[smem:$0x7FB] =	sst s26  }
0x34: {  	[smem:$0x7FC] =	sst s10;
	s12 =	sadd.s32 s3, s11;
	s10 =	sadd.s32 $0x20D000, s5  }
0x35: {  	s26 =	sadd.s32 s6, s31;
	s25 =	sadd.s32 s3, s14;
	s21 =	sadd.s32 s3, s17  }
0x36: {  	s19 =	sshrl.u32 s18, $0x3;
	s31 =	sadd.s32 $0x258000, s5;
	s18 =	sadd.s32 s6, s18  }
0x37: {  	[smem:$0x7FD] =	sst s12;
	s15 =	sshrl.u32 s10, $0x3;
	s22 =	sadd.s32 s6, s10  }
0x38: {  	s11 =	sshrl.u32 s31, $0x3;
	s14 =	sadd.s32 s6, s31;
	s31 =	smax.u32 s7, $0x1  }
0x39: {  	s19 =	sadd.s32 s3, s19;
	s12 =	sadd.s32 $0x271000, s5;
	s29 =	sadd.s32 $0xFFFFFFFF, s31  }
0x3a: {  	s10 =	simm.s32 $0x4;
	s7 =	simm.s32 $0x2;
	p2 =	sne.s32 s29, $0x0  }
.Ltmp0:
0x3b: {  	s23 =	sadd.s32 s3, s15;
	s16 =	sadd.s32 s3, s11;
	(pc) =	sbr.rel @!p2 .LBB2_5-.Ltmp0, $4  }
0x3c: {  	s13 =	sshrl.u32 s12, $0x3;
	s15 =	sadd.s32 $0x28A000, s5;
	s9 =	sadd.s32 s6, s12  }
0x3d: {  	s11 =	simm.s32 $0xC80;
	s12 =	simm.s32 $0x3;
	s17 =	sshrl.u32 s15, $0x3  }
0x3e: {  	s13 =	sadd.s32 s3, s13;
	s5 =	sadd.s32 s3, s17;
	s3 =	sadd.s32 s6, s15  }
0x3f: {  	s6 =	simm.s32 $0xC800;
	s17 =	simm.s32 $0xD480;
	s15 =	simm.s32 $0x14500  }
0x40: {  	[smem:$0x7F1] =	sst s29;
	s29 =	simm.s32 @!p0 $0x1C04;
	s30 =	simm.s32 @!p0 $0x4  }
0x41: {  	[spmem:s28], [sflag:s29] =	dma.local @!p0 [hbm:s0], $0x19000  }
0x42: {  	_ =	swait.ge @!p0 [sflag:s30], $0x19000  }
0x43: {  	[sflag:s30] =	ssyncset.done @!p0 $0x0  }
0x44: {  	[sflag:s30] =	ssyncadd.s32 @!p0 $0xFFFE7000  }
0x45: {  	[bflag:$0x0] =	sbarrier.arrive $0xFFFF  }
0x46: {  	s29 =	rddreg [dreg:$0x5]  }
0x47: {  	[tilespmem:s6], [sflag:$0x4] =	stream.linear.gather [hbm4b:s29+s2], $0xC80, $0x38;
	[tilespmem:$0x1A900] =	vst v63  }
0x48: {  	_ =	swait.ge [sflag:s10], $0xC80  }
0x49: {  	[sflag:s10] =	ssyncset.done $0x0  }
0x4a: {  	[sflag:s10] =	ssyncadd.s32 $0xFFFFF380  }
0x4b: {  	[tilespmem:s4], [sflag:$0x1] =	stream.indirect.gather [spmem:s1], $0x8, s6, s11, $0xb8;
	[tilespmem:$0x1A900] =	vst v63  }
0x4c: {  	_ =	swait.ge [sflag:s8], $0x6400  }
0x4d: {  	[sflag:s8] =	ssyncset.done $0x0  }
0x4e: {  	s29 =	rddreg [dreg:$0x6];
	[sflag:s8] =	ssyncadd.s32 $0xFFFF9C00  }
0x4f: {  	[hbm4b:s29+s2] =	stream.linear.scatter [tilespmem:s4], [sflag:$0x2], $0x6400, $0x38;
	[tilespmem:$0x1A900] =	vst v63  }
0x50: {  	s31 =	rddreg [dreg:$0x7]  }
0x51: {  	[tilespmem:s17], [sflag:$0x4] =	stream.linear.gather [hbm4b:s31+s2], $0xC80, $0x38;
	[tilespmem:$0x1A900] =	vst v63  }
0x52: {  	_ =	swait.ge [sflag:s10], $0xC80  }
0x53: {  	[sflag:s10] =	ssyncset.done $0x0  }
0x54: {  	[sflag:s10] =	ssyncadd.s32 $0xFFFFF380  }
0x55: {  	[tilespmem:s15], [sflag:$0x1] =	stream.indirect.gather [spmem:s1], $0x8, s17, s11, $0xb8;
	[tilespmem:$0x1A900] =	vst v63  }
0x56: {  	_ =	swait.ge [sflag:s8], $0x6400  }
0x57: {  	[sflag:s8] =	ssyncset.done $0x0  }
0x58: {  	s29 =	rddreg [dreg:$0x8];
	[sflag:s8] =	ssyncadd.s32 $0xFFFF9C00  }
0x59: {  	[hbm4b:s29+s2] =	stream.linear.scatter [tilespmem:s15], [sflag:$0x3], $0x6400, $0x38;
	[tilespmem:$0x1A900] =	vst v63  }
0x5a: {  	_ =	swait.ge [sflag:s7], $0x6400  }
0x5b: {  	[sflag:s7] =	ssyncset.done $0x0  }
0x5c: {  	s29 =	rddreg [dreg:$0x9];
	[sflag:s7] =	ssyncadd.s32 $0xFFFF9C00  }
0x5d: {  	[tilespmem:s6], [sflag:$0x4] =	stream.linear.gather [hbm4b:s29+s2], $0xC80, $0x38;
	[tilespmem:$0x1A900] =	vst v63  }
0x5e: {  	_ =	swait.ge [sflag:s10], $0xC80  }
0x5f: {  	[sflag:s10] =	ssyncset.done $0x0  }
0x60: {  	[sflag:s10] =	ssyncadd.s32 $0xFFFFF380  }
0x61: {  	[tilespmem:s4], [sflag:$0x1] =	stream.indirect.gather [spmem:s1], $0x8, s6, s11, $0xb8;
	[tilespmem:$0x1A900] =	vst v63  }
0x62: {  	_ =	swait.ge [sflag:s8], $0x6400  }
0x63: {  	[sflag:s8] =	ssyncset.done $0x0  }
0x64: {  	s29 =	rddreg [dreg:$0xa];
	[sflag:s8] =	ssyncadd.s32 $0xFFFF9C00  }
0x65: {  	[hbm4b:s29+s2] =	stream.linear.scatter [tilespmem:s4], [sflag:$0x2], $0x6400, $0x38;
	[tilespmem:$0x1A900] =	vst v63  }
0x66: {  	_ =	swait.ge [sflag:s12], $0x6400  }
0x67: {  	[sflag:s12] =	ssyncset.done $0x0  }
0x68: {  	s29 =	rddreg [dreg:$0xb];
	[sflag:s12] =	ssyncadd.s32 $0xFFFF9C00  }
0x69: {  	[tilespmem:s17], [sflag:$0x4] =	stream.linear.gather [hbm4b:s29+s2], $0xC80, $0x38;
	[tilespmem:$0x1A900] =	vst v63  }
0x6a: {  	_ =	swait.ge [sflag:s10], $0xC80  }
0x6b: {  	[sflag:s10] =	ssyncset.done $0x0  }
0x6c: {  	[sflag:s10] =	ssyncadd.s32 $0xFFFFF380  }
0x6d: {  	[tilespmem:s15], [sflag:$0x1] =	stream.indirect.gather [spmem:s1], $0x8, s17, s11, $0xb8;
	[tilespmem:$0x1A900] =	vst v63  }
0x6e: {  	_ =	swait.ge [sflag:s8], $0x6400  }
0x6f: {  	[sflag:s8] =	ssyncset.done $0x0  }
0x70: {  	s29 =	rddreg [dreg:$0xc];
	[sflag:s8] =	ssyncadd.s32 $0xFFFF9C00  }
0x71: {  	[hbm4b:s29+s2] =	stream.linear.scatter [tilespmem:s15], [sflag:$0x3], $0x6400, $0x38;
	[tilespmem:$0x1A900] =	vst v63  }
0x72: {  	_ =	swait.ge [sflag:s7], $0x6400  }
0x73: {  	[sflag:s7] =	ssyncset.done $0x0  }
0x74: {  	s29 =	rddreg [dreg:$0xd];
	[sflag:s7] =	ssyncadd.s32 $0xFFFF9C00  }
0x75: {  	[tilespmem:s6], [sflag:$0x4] =	stream.linear.gather [hbm4b:s29+s2], $0xC80, $0x38;
	[tilespmem:$0x1A900] =	vst v63  }
0x76: {  	_ =	swait.ge [sflag:s10], $0xC80  }
0x77: {  	[sflag:s10] =	ssyncset.done $0x0  }
0x78: {  	[sflag:s10] =	ssyncadd.s32 $0xFFFFF380  }
0x79: {  	[tilespmem:s4], [sflag:$0x1] =	stream.indirect.gather [spmem:s1], $0x8, s6, s11, $0xb8;
	[tilespmem:$0x1A900] =	vst v63  }
0x7a: {  	_ =	swait.ge [sflag:s8], $0x6400  }
0x7b: {  	[sflag:s8] =	ssyncset.done $0x0  }
0x7c: {  	s29 =	rddreg [dreg:$0xe];
	[sflag:s8] =	ssyncadd.s32 $0xFFFF9C00  }
0x7d: {  	[hbm4b:s29+s2] =	stream.linear.scatter [tilespmem:s4], [sflag:$0x2], $0x6400, $0x38;
	[tilespmem:$0x1A900] =	vst v63  }
0x7e: {  	_ =	swait.ge [sflag:s12], $0x6400  }
0x7f: {  	[sflag:s12] =	ssyncset.done $0x0  }
0x80: {  	s29 =	rddreg [dreg:$0xf];
	[sflag:s12] =	ssyncadd.s32 $0xFFFF9C00  }
0x81: {  	[tilespmem:s17], [sflag:$0x4] =	stream.linear.gather [hbm4b:s29+s2], $0xC80, $0x38;
	[tilespmem:$0x1A900] =	vst v63  }
0x82: {  	_ =	swait.ge [sflag:s10], $0xC80  }
0x83: {  	[sflag:s10] =	ssyncset.done $0x0  }
0x84: {  	[sflag:s10] =	ssyncadd.s32 $0xFFFFF380  }
0x85: {  	[tilespmem:s15], [sflag:$0x1] =	stream.indirect.gather [spmem:s1], $0x8, s17, s11, $0xb8;
	[tilespmem:$0x1A900] =	vst v63  }
0x86: {  	_ =	swait.ge [sflag:s8], $0x6400  }
0x87: {  	[sflag:s8] =	ssyncset.done $0x0  }
0x88: {  	s29 =	rddreg [dreg:$0x10];
	[sflag:s8] =	ssyncadd.s32 $0xFFFF9C00  }
0x89: {  	[hbm4b:s29+s2] =	stream.linear.scatter [tilespmem:s15], [sflag:$0x3], $0x6400, $0x38;
	[tilespmem:$0x1A900] =	vst v63  }
0x8a: {  	_ =	swait.ge [sflag:s7], $0x6400  }
0x8b: {  	[sflag:s7] =	ssyncset.done $0x0  }
0x8c: {  	s29 =	rddreg [dreg:$0x11];
	[sflag:s7] =	ssyncadd.s32 $0xFFFF9C00  }
0x8d: {  	[tilespmem:s6], [sflag:$0x4] =	stream.linear.gather [hbm4b:s29+s2], $0xC80, $0x38;
	[tilespmem:$0x1A900] =	vst v63  }
0x8e: {  	_ =	swait.ge [sflag:s10], $0xC80  }
0x8f: {  	[sflag:s10] =	ssyncset.done $0x0  }
0x90: {  	[sflag:s10] =	ssyncadd.s32 $0xFFFFF380  }
0x91: {  	[tilespmem:s4], [sflag:$0x1] =	stream.indirect.gather [spmem:s1], $0x8, s6, s11, $0xb8;
	[tilespmem:$0x1A900] =	vst v63  }
0x92: {  	_ =	swait.ge [sflag:s8], $0x6400  }
0x93: {  	[sflag:s8] =	ssyncset.done $0x0  }
0x94: {  	s29 =	rddreg [dreg:$0x12];
	[sflag:s8] =	ssyncadd.s32 $0xFFFF9C00  }
0x95: {  	[hbm4b:s29+s2] =	stream.linear.scatter [tilespmem:s4], [sflag:$0x2], $0x6400, $0x38;
	[tilespmem:$0x1A900] =	vst v63  }
0x96: {  	_ =	swait.ge [sflag:s12], $0x6400  }
0x97: {  	[sflag:s12] =	ssyncset.done $0x0  }
0x98: {  	s29 =	rddreg [dreg:$0x13];
	[sflag:s12] =	ssyncadd.s32 $0xFFFF9C00  }
0x99: {  	[tilespmem:s17], [sflag:$0x4] =	stream.linear.gather [hbm4b:s29+s2], $0xC80, $0x38;
	[tilespmem:$0x1A900] =	vst v63  }
0x9a: {  	_ =	swait.ge [sflag:s10], $0xC80  }
0x9b: {  	[sflag:s10] =	ssyncset.done $0x0  }
0x9c: {  	[sflag:s10] =	ssyncadd.s32 $0xFFFFF380  }
0x9d: {  	[tilespmem:s15], [sflag:$0x1] =	stream.indirect.gather [spmem:s1], $0x8, s17, s11, $0xb8;
	[tilespmem:$0x1A900] =	vst v63  }
0x9e: {  	_ =	swait.ge [sflag:s8], $0x6400  }
0x9f: {  	[sflag:s8] =	ssyncset.done $0x0  }
0xa0: {  	s29 =	rddreg [dreg:$0x14];
	[sflag:s8] =	ssyncadd.s32 $0xFFFF9C00  }
0xa1: {  	[hbm4b:s29+s2] =	stream.linear.scatter [tilespmem:s15], [sflag:$0x3], $0x6400, $0x38;
	[tilespmem:$0x1A900] =	vst v63  }
0xa2: {  	_ =	swait.ge [sflag:s7], $0x6400  }
0xa3: {  	[sflag:s7] =	ssyncset.done $0x0  }
0xa4: {  	s29 =	rddreg [dreg:$0x15];
	[sflag:s7] =	ssyncadd.s32 $0xFFFF9C00  }
0xa5: {  	[tilespmem:s6], [sflag:$0x4] =	stream.linear.gather [hbm4b:s29+s2], $0xC80, $0x38;
	[tilespmem:$0x1A900] =	vst v63  }
0xa6: {  	_ =	swait.ge [sflag:s10], $0xC80  }
0xa7: {  	[sflag:s10] =	ssyncset.done $0x0  }
0xa8: {  	[sflag:s10] =	ssyncadd.s32 $0xFFFFF380  }
0xa9: {  	[tilespmem:s4], [sflag:$0x1] =	stream.indirect.gather [spmem:s1], $0x8, s6, s11, $0xb8;
	[tilespmem:$0x1A900] =	vst v63  }
0xaa: {  	_ =	swait.ge [sflag:s8], $0x6400  }
0xab: {  	[sflag:s8] =	ssyncset.done $0x0  }
0xac: {  	s29 =	rddreg [dreg:$0x16];
	[sflag:s8] =	ssyncadd.s32 $0xFFFF9C00  }
0xad: {  	[hbm4b:s29+s2] =	stream.linear.scatter [tilespmem:s4], [sflag:$0x2], $0x6400, $0x38;
	[tilespmem:$0x1A900] =	vst v63  }
0xae: {  	_ =	swait.ge [sflag:s12], $0x6400  }
0xaf: {  	[sflag:s12] =	ssyncset.done $0x0  }
0xb0: {  	s29 =	rddreg [dreg:$0x17];
	[sflag:s12] =	ssyncadd.s32 $0xFFFF9C00  }
0xb1: {  	[tilespmem:s17], [sflag:$0x4] =	stream.linear.gather [hbm4b:s29+s2], $0xC80, $0x38;
	[tilespmem:$0x1A900] =	vst v63  }
0xb2: {  	_ =	swait.ge [sflag:s10], $0xC80  }
0xb3: {  	[sflag:s10] =	ssyncset.done $0x0  }
0xb4: {  	[sflag:s10] =	ssyncadd.s32 $0xFFFFF380  }
0xb5: {  	[tilespmem:s15], [sflag:$0x1] =	stream.indirect.gather [spmem:s1], $0x8, s17, s11, $0xb8;
	[tilespmem:$0x1A900] =	vst v63  }
0xb6: {  	_ =	swait.ge [sflag:s8], $0x6400  }
0xb7: {  	[sflag:s8] =	ssyncset.done $0x0  }
0xb8: {  	s29 =	rddreg [dreg:$0x18];
	[sflag:s8] =	ssyncadd.s32 $0xFFFF9C00  }
0xb9: {  	[hbm4b:s29+s2] =	stream.linear.scatter [tilespmem:s15], [sflag:$0x3], $0x6400, $0x38;
	[tilespmem:$0x1A900] =	vst v63  }
0xba: {  	_ =	swait.ge [sflag:s7], $0x6400  }
0xbb: {  	[sflag:s7] =	ssyncset.done $0x0  }
0xbc: {  	s29 =	rddreg [dreg:$0x19];
	[sflag:s7] =	ssyncadd.s32 $0xFFFF9C00  }
0xbd: {  	[tilespmem:s6], [sflag:$0x4] =	stream.linear.gather [hbm4b:s29+s2], $0xC80, $0x38;
	[tilespmem:$0x1A900] =	vst v63  }
0xbe: {  	_ =	swait.ge [sflag:s10], $0xC80  }
0xbf: {  	[sflag:s10] =	ssyncset.done $0x0  }
0xc0: {  	[sflag:s10] =	ssyncadd.s32 $0xFFFFF380  }
0xc1: {  	[tilespmem:s4], [sflag:$0x1] =	stream.indirect.gather [spmem:s1], $0x8, s6, s11, $0xb8;
	[tilespmem:$0x1A900] =	vst v63  }
0xc2: {  	_ =	swait.ge [sflag:s8], $0x6400  }
0xc3: {  	[sflag:s8] =	ssyncset.done $0x0  }
0xc4: {  	s29 =	rddreg [dreg:$0x1a];
	[sflag:s8] =	ssyncadd.s32 $0xFFFF9C00  }
0xc5: {  	[hbm4b:s29+s2] =	stream.linear.scatter [tilespmem:s4], [sflag:$0x2], $0x6400, $0x38;
	[tilespmem:$0x1A900] =	vst v63  }
0xc6: {  	_ =	swait.ge [sflag:s12], $0x6400  }
0xc7: {  	[sflag:s12] =	ssyncset.done $0x0  }
0xc8: {  	s29 =	rddreg [dreg:$0x1b];
	[sflag:s12] =	ssyncadd.s32 $0xFFFF9C00  }
0xc9: {  	[tilespmem:s17], [sflag:$0x4] =	stream.linear.gather [hbm4b:s29+s2], $0xC80, $0x38;
	[tilespmem:$0x1A900] =	vst v63  }
0xca: {  	_ =	swait.ge [sflag:s10], $0xC80  }
0xcb: {  	[sflag:s10] =	ssyncset.done $0x0  }
0xcc: {  	[sflag:s10] =	ssyncadd.s32 $0xFFFFF380  }
0xcd: {  	[tilespmem:s15], [sflag:$0x1] =	stream.indirect.gather [spmem:s1], $0x8, s17, s11, $0xb8;
	[tilespmem:$0x1A900] =	vst v63  }
0xce: {  	_ =	swait.ge [sflag:s8], $0x6400  }
0xcf: {  	[sflag:s8] =	ssyncset.done $0x0  }
0xd0: {  	s29 =	rddreg [dreg:$0x1c];
	[sflag:s8] =	ssyncadd.s32 $0xFFFF9C00  }
0xd1: {  	[hbm4b:s29+s2] =	stream.linear.scatter [tilespmem:s15], [sflag:$0x3], $0x6400, $0x38;
	[tilespmem:$0x1A900] =	vst v63  }
0xd2: {  	_ =	swait.ge [sflag:s7], $0x6400  }
0xd3: {  	[sflag:s7] =	ssyncset.done $0x0  }
0xd4: {  	s29 =	rddreg [dreg:$0x1d];
	[sflag:s7] =	ssyncadd.s32 $0xFFFF9C00  }
0xd5: {  	[tilespmem:s6], [sflag:$0x4] =	stream.linear.gather [hbm4b:s29+s2], $0xC80, $0x38;
	[tilespmem:$0x1A900] =	vst v63  }
0xd6: {  	_ =	swait.ge [sflag:s10], $0xC80  }
0xd7: {  	[sflag:s10] =	ssyncset.done $0x0  }
0xd8: {  	[sflag:s10] =	ssyncadd.s32 $0xFFFFF380  }
0xd9: {  	[tilespmem:s4], [sflag:$0x1] =	stream.indirect.gather [spmem:s1], $0x8, s6, s11, $0xb8;
	[tilespmem:$0x1A900] =	vst v63  }
0xda: {  	_ =	swait.ge [sflag:s8], $0x6400  }
0xdb: {  	[sflag:s8] =	ssyncset.done $0x0  }
0xdc: {  	s29 =	rddreg [dreg:$0x1e];
	[sflag:s8] =	ssyncadd.s32 $0xFFFF9C00  }
0xdd: {  	[hbm4b:s29+s2] =	stream.linear.scatter [tilespmem:s4], [sflag:$0x2], $0x6400, $0x38;
	[tilespmem:$0x1A900] =	vst v63  }
0xde: {  	_ =	swait.ge [sflag:s12], $0x6400  }
0xdf: {  	[sflag:s12] =	ssyncset.done $0x0  }
0xe0: {  	s29 =	rddreg [dreg:$0x1f];
	[sflag:s12] =	ssyncadd.s32 $0xFFFF9C00  }
0xe1: {  	[tilespmem:s17], [sflag:$0x4] =	stream.linear.gather [hbm4b:s29+s2], $0xC80, $0x38;
	[tilespmem:$0x1A900] =	vst v63  }
0xe2: {  	_ =	swait.ge [sflag:s10], $0xC80  }
0xe3: {  	[sflag:s10] =	ssyncset.done $0x0  }
0xe4: {  	[sflag:s10] =	ssyncadd.s32 $0xFFFFF380  }
0xe5: {  	[tilespmem:s15], [sflag:$0x1] =	stream.indirect.gather [spmem:s1], $0x8, s17, s11, $0xb8;
	[tilespmem:$0x1A900] =	vst v63  }
0xe6: {  	_ =	swait.ge [sflag:s8], $0x6400  }
0xe7: {  	s29 =	sld [smem:$0x7F2]  }
0xe8: {  	[sflag:s8] =	ssyncset.done $0x0  }
0xe9: {  	[sflag:s8] =	ssyncadd.s32 $0xFFFF9C00  }
0xea: {  	[hbm4b:s29+s2] =	stream.linear.scatter [tilespmem:s15], [sflag:$0x3], $0x6400, $0x38;
	[tilespmem:$0x1A900] =	vst v63  }
0xeb: {  	_ =	swait.ge [sflag:s7], $0x6400  }
0xec: {  	s29 =	sld [smem:$0x7F3]  }
0xed: {  	[sflag:s7] =	ssyncset.done $0x0  }
0xee: {  	[sflag:s7] =	ssyncadd.s32 $0xFFFF9C00  }
0xef: {  	[tilespmem:s6], [sflag:$0x4] =	stream.linear.gather [hbm4b:s29+s2], $0xC80, $0x38;
	[tilespmem:$0x1A900] =	vst v63  }
0xf0: {  	_ =	swait.ge [sflag:s10], $0xC80  }
0xf1: {  	[sflag:s10] =	ssyncset.done $0x0  }
0xf2: {  	[sflag:s10] =	ssyncadd.s32 $0xFFFFF380  }
0xf3: {  	[tilespmem:s4], [sflag:$0x1] =	stream.indirect.gather [spmem:s1], $0x8, s6, s11, $0xb8;
	[tilespmem:$0x1A900] =	vst v63  }
0xf4: {  	_ =	swait.ge [sflag:s8], $0x6400  }
0xf5: {  	s29 =	sld [smem:$0x7F4]  }
0xf6: {  	[sflag:s8] =	ssyncset.done $0x0  }
0xf7: {  	[sflag:s8] =	ssyncadd.s32 $0xFFFF9C00  }
0xf8: {  	[hbm4b:s29+s2] =	stream.linear.scatter [tilespmem:s4], [sflag:$0x2], $0x6400, $0x38;
	[tilespmem:$0x1A900] =	vst v63  }
0xf9: {  	_ =	swait.ge [sflag:s12], $0x6400  }
0xfa: {  	s29 =	sld [smem:$0x7F5]  }
0xfb: {  	[sflag:s12] =	ssyncset.done $0x0  }
0xfc: {  	[sflag:s12] =	ssyncadd.s32 $0xFFFF9C00  }
0xfd: {  	[tilespmem:s17], [sflag:$0x4] =	stream.linear.gather [hbm4b:s29+s2], $0xC80, $0x38;
	[tilespmem:$0x1A900] =	vst v63  }
0xfe: {  	_ =	swait.ge [sflag:s10], $0xC80  }
0xff: {  	[sflag:s10] =	ssyncset.done $0x0  }
0x100: {  	[sflag:s10] =	ssyncadd.s32 $0xFFFFF380  }
0x101: {  	[tilespmem:s15], [sflag:$0x1] =	stream.indirect.gather [spmem:s1], $0x8, s17, s11, $0xb8;
	[tilespmem:$0x1A900] =	vst v63  }
0x102: {  	_ =	swait.ge [sflag:s8], $0x6400  }
0x103: {  	s29 =	sld [smem:$0x7F6]  }
0x104: {  	[sflag:s8] =	ssyncset.done $0x0  }
0x105: {  	[sflag:s8] =	ssyncadd.s32 $0xFFFF9C00  }
0x106: {  	[hbm4b:s29+s2] =	stream.linear.scatter [tilespmem:s15], [sflag:$0x3], $0x6400, $0x38;
	[tilespmem:$0x1A900] =	vst v63  }
0x107: {  	_ =	swait.ge [sflag:s7], $0x6400  }
0x108: {  	s29 =	sld [smem:$0x7F7]  }
0x109: {  	[sflag:s7] =	ssyncset.done $0x0  }
0x10a: {  	[sflag:s7] =	ssyncadd.s32 $0xFFFF9C00  }
0x10b: {  	[tilespmem:s6], [sflag:$0x4] =	stream.linear.gather [hbm4b:s29+s2], $0xC80, $0x38;
	[tilespmem:$0x1A900] =	vst v63  }
0x10c: {  	_ =	swait.ge [sflag:s10], $0xC80  }
0x10d: {  	[sflag:s10] =	ssyncset.done $0x0  }
0x10e: {  	[sflag:s10] =	ssyncadd.s32 $0xFFFFF380  }
0x10f: {  	[tilespmem:s4], [sflag:$0x1] =	stream.indirect.gather [spmem:s1], $0x8, s6, s11, $0xb8;
	[tilespmem:$0x1A900] =	vst v63  }
0x110: {  	_ =	swait.ge [sflag:s8], $0x6400  }
0x111: {  	s29 =	sld [smem:$0x7F8]  }
0x112: {  	[sflag:s8] =	ssyncset.done $0x0  }
0x113: {  	[sflag:s8] =	ssyncadd.s32 $0xFFFF9C00  }
0x114: {  	[hbm4b:s29+s2] =	stream.linear.scatter [tilespmem:s4], [sflag:$0x2], $0x6400, $0x38;
	[tilespmem:$0x1A900] =	vst v63  }
0x115: {  	_ =	swait.ge [sflag:s12], $0x6400  }
0x116: {  	s29 =	sld [smem:$0x7F9]  }
0x117: {  	[sflag:s12] =	ssyncset.done $0x0  }
0x118: {  	[sflag:s12] =	ssyncadd.s32 $0xFFFF9C00  }
0x119: {  	[tilespmem:s17], [sflag:$0x4] =	stream.linear.gather [hbm4b:s29+s2], $0xC80, $0x38;
	[tilespmem:$0x1A900] =	vst v63  }
0x11a: {  	_ =	swait.ge [sflag:s10], $0xC80  }
0x11b: {  	[sflag:s10] =	ssyncset.done $0x0  }
0x11c: {  	[sflag:s10] =	ssyncadd.s32 $0xFFFFF380  }
0x11d: {  	[tilespmem:s15], [sflag:$0x1] =	stream.indirect.gather [spmem:s1], $0x8, s17, s11, $0xb8;
	[tilespmem:$0x1A900] =	vst v63  }
0x11e: {  	_ =	swait.ge [sflag:s8], $0x6400  }
0x11f: {  	s29 =	sld [smem:$0x7FA]  }
0x120: {  	[sflag:s8] =	ssyncset.done $0x0  }
0x121: {  	[sflag:s8] =	ssyncadd.s32 $0xFFFF9C00  }
0x122: {  	[hbm4b:s29+s2] =	stream.linear.scatter [tilespmem:s15], [sflag:$0x3], $0x6400, $0x38;
	[tilespmem:$0x1A900] =	vst v63  }
0x123: {  	_ =	swait.ge [sflag:s7], $0x6400  }
0x124: {  	s29 =	sld [smem:$0x7FB]  }
0x125: {  	[sflag:s7] =	ssyncset.done $0x0  }
0x126: {  	[sflag:s7] =	ssyncadd.s32 $0xFFFF9C00  }
0x127: {  	[tilespmem:s6], [sflag:$0x4] =	stream.linear.gather [hbm4b:s29+s2], $0xC80, $0x38;
	[tilespmem:$0x1A900] =	vst v63  }
0x128: {  	_ =	swait.ge [sflag:s10], $0xC80  }
0x129: {  	[sflag:s10] =	ssyncset.done $0x0  }
0x12a: {  	[sflag:s10] =	ssyncadd.s32 $0xFFFFF380  }
0x12b: {  	[tilespmem:s4], [sflag:$0x1] =	stream.indirect.gather [spmem:s1], $0x8, s6, s11, $0xb8;
	[tilespmem:$0x1A900] =	vst v63  }
0x12c: {  	_ =	swait.ge [sflag:s8], $0x6400  }
0x12d: {  	s29 =	sld [smem:$0x7FC]  }
0x12e: {  	[sflag:s8] =	ssyncset.done $0x0  }
0x12f: {  	[sflag:s8] =	ssyncadd.s32 $0xFFFF9C00  }
0x130: {  	[hbm4b:s29+s2] =	stream.linear.scatter [tilespmem:s4], [sflag:$0x2], $0x6400, $0x38;
	[tilespmem:$0x1A900] =	vst v63  }
0x131: {  	_ =	swait.ge [sflag:s12], $0x6400  }
0x132: {  	s29 =	sld [smem:$0x7FD]  }
0x133: {  	[sflag:s12] =	ssyncset.done $0x0  }
0x134: {  	[sflag:s12] =	ssyncadd.s32 $0xFFFF9C00  }
0x135: {  	[tilespmem:s17], [sflag:$0x4] =	stream.linear.gather [hbm4b:s29+s2], $0xC80, $0x38;
	[tilespmem:$0x1A900] =	vst v63  }
0x136: {  	_ =	swait.ge [sflag:s10], $0xC80  }
0x137: {  	[sflag:s10] =	ssyncset.done $0x0  }
0x138: {  	[sflag:s10] =	ssyncadd.s32 $0xFFFFF380  }
0x139: {  	[tilespmem:s15], [sflag:$0x1] =	stream.indirect.gather [spmem:s1], $0x8, s17, s11, $0xb8;
	[tilespmem:$0x1A900] =	vst v63  }
0x13a: {  	_ =	swait.ge [sflag:s8], $0x6400  }
0x13b: {  	[sflag:s8] =	ssyncset.done $0x0  }
0x13c: {  	[sflag:s8] =	ssyncadd.s32 $0xFFFF9C00  }
0x13d: {  	[hbm4b:s26+s2] =	stream.linear.scatter [tilespmem:s15], [sflag:$0x3], $0x6400, $0x38;
	[tilespmem:$0x1A900] =	vst v63  }
0x13e: {  	_ =	swait.ge [sflag:s7], $0x6400  }
0x13f: {  	[sflag:s7] =	ssyncset.done $0x0  }
0x140: {  	[sflag:s7] =	ssyncadd.s32 $0xFFFF9C00  }
0x141: {  	[tilespmem:s6], [sflag:$0x4] =	stream.linear.gather [hbm4b:s25+s2], $0xC80, $0x38;
	[tilespmem:$0x1A900] =	vst v63  }
0x142: {  	_ =	swait.ge [sflag:s10], $0xC80  }
0x143: {  	[sflag:s10] =	ssyncset.done $0x0  }
0x144: {  	[sflag:s10] =	ssyncadd.s32 $0xFFFFF380  }
0x145: {  	[tilespmem:s4], [sflag:$0x1] =	stream.indirect.gather [spmem:s1], $0x8, s6, s11, $0xb8;
	[tilespmem:$0x1A900] =	vst v63  }
0x146: {  	_ =	swait.ge [sflag:s8], $0x6400  }
0x147: {  	[sflag:s8] =	ssyncset.done $0x0  }
0x148: {  	[sflag:s8] =	ssyncadd.s32 $0xFFFF9C00  }
0x149: {  	[hbm4b:s24+s2] =	stream.linear.scatter [tilespmem:s4], [sflag:$0x2], $0x6400, $0x38;
	[tilespmem:$0x1A900] =	vst v63  }
0x14a: {  	_ =	swait.ge [sflag:s12], $0x6400  }
0x14b: {  	[sflag:s12] =	ssyncset.done $0x0  }
0x14c: {  	[sflag:s12] =	ssyncadd.s32 $0xFFFF9C00  }
0x14d: {  	[tilespmem:s17], [sflag:$0x4] =	stream.linear.gather [hbm4b:s23+s2], $0xC80, $0x38;
	[tilespmem:$0x1A900] =	vst v63  }
0x14e: {  	_ =	swait.ge [sflag:s10], $0xC80  }
0x14f: {  	[sflag:s10] =	ssyncset.done $0x0  }
0x150: {  	[sflag:s10] =	ssyncadd.s32 $0xFFFFF380  }
0x151: {  	[tilespmem:s15], [sflag:$0x1] =	stream.indirect.gather [spmem:s1], $0x8, s17, s11, $0xb8;
	[tilespmem:$0x1A900] =	vst v63  }
0x152: {  	_ =	swait.ge [sflag:s8], $0x6400  }
0x153: {  	[sflag:s8] =	ssyncset.done $0x0  }
0x154: {  	[sflag:s8] =	ssyncadd.s32 $0xFFFF9C00  }
0x155: {  	[hbm4b:s22+s2] =	stream.linear.scatter [tilespmem:s15], [sflag:$0x3], $0x6400, $0x38;
	[tilespmem:$0x1A900] =	vst v63  }
0x156: {  	_ =	swait.ge [sflag:s7], $0x6400  }
0x157: {  	[sflag:s7] =	ssyncset.done $0x0  }
0x158: {  	[sflag:s7] =	ssyncadd.s32 $0xFFFF9C00  }
0x159: {  	[tilespmem:s6], [sflag:$0x4] =	stream.linear.gather [hbm4b:s21+s2], $0xC80, $0x38;
	[tilespmem:$0x1A900] =	vst v63  }
0x15a: {  	_ =	swait.ge [sflag:s10], $0xC80  }
0x15b: {  	[sflag:s10] =	ssyncset.done $0x0  }
0x15c: {  	[sflag:s10] =	ssyncadd.s32 $0xFFFFF380  }
0x15d: {  	[tilespmem:s4], [sflag:$0x1] =	stream.indirect.gather [spmem:s1], $0x8, s6, s11, $0xb8;
	[tilespmem:$0x1A900] =	vst v63  }
0x15e: {  	_ =	swait.ge [sflag:s8], $0x6400  }
0x15f: {  	[sflag:s8] =	ssyncset.done $0x0  }
0x160: {  	[sflag:s8] =	ssyncadd.s32 $0xFFFF9C00  }
0x161: {  	[hbm4b:s20+s2] =	stream.linear.scatter [tilespmem:s4], [sflag:$0x2], $0x6400, $0x38;
	[tilespmem:$0x1A900] =	vst v63  }
0x162: {  	_ =	swait.ge [sflag:s12], $0x6400  }
0x163: {  	[sflag:s12] =	ssyncset.done $0x0  }
0x164: {  	[sflag:s12] =	ssyncadd.s32 $0xFFFF9C00  }
0x165: {  	[tilespmem:s17], [sflag:$0x4] =	stream.linear.gather [hbm4b:s19+s2], $0xC80, $0x38;
	[tilespmem:$0x1A900] =	vst v63  }
0x166: {  	_ =	swait.ge [sflag:s10], $0xC80  }
0x167: {  	[sflag:s10] =	ssyncset.done $0x0  }
0x168: {  	[sflag:s10] =	ssyncadd.s32 $0xFFFFF380  }
0x169: {  	[tilespmem:s15], [sflag:$0x1] =	stream.indirect.gather [spmem:s1], $0x8, s17, s11, $0xb8;
	[tilespmem:$0x1A900] =	vst v63  }
0x16a: {  	_ =	swait.ge [sflag:s8], $0x6400  }
0x16b: {  	[sflag:s8] =	ssyncset.done $0x0  }
0x16c: {  	[sflag:s8] =	ssyncadd.s32 $0xFFFF9C00  }
0x16d: {  	[hbm4b:s18+s2] =	stream.linear.scatter [tilespmem:s15], [sflag:$0x3], $0x6400, $0x38;
	[tilespmem:$0x1A900] =	vst v63  }
0x16e: {  	_ =	swait.ge [sflag:s7], $0x6400  }
0x16f: {  	[sflag:s7] =	ssyncset.done $0x0  }
0x170: {  	[sflag:s7] =	ssyncadd.s32 $0xFFFF9C00  }
0x171: {  	[tilespmem:s6], [sflag:$0x4] =	stream.linear.gather [hbm4b:s16+s2], $0xC80, $0x38;
	[tilespmem:$0x1A900] =	vst v63  }
0x172: {  	_ =	swait.ge [sflag:s10], $0xC80  }
0x173: {  	[sflag:s10] =	ssyncset.done $0x0  }
0x174: {  	[sflag:s10] =	ssyncadd.s32 $0xFFFFF380  }
0x175: {  	[tilespmem:s4], [sflag:$0x1] =	stream.indirect.gather [spmem:s1], $0x8, s6, s11, $0xb8;
	[tilespmem:$0x1A900] =	vst v63  }
0x176: {  	_ =	swait.ge [sflag:s8], $0x6400  }
0x177: {  	[sflag:s8] =	ssyncset.done $0x0  }
0x178: {  	[sflag:s8] =	ssyncadd.s32 $0xFFFF9C00  }
0x179: {  	[hbm4b:s14+s2] =	stream.linear.scatter [tilespmem:s4], [sflag:$0x2], $0x6400, $0x38;
	[tilespmem:$0x1A900] =	vst v63  }
0x17a: {  	_ =	swait.ge [sflag:s12], $0x6400  }
0x17b: {  	[sflag:s12] =	ssyncset.done $0x0  }
0x17c: {  	[sflag:s12] =	ssyncadd.s32 $0xFFFF9C00  }
0x17d: {  	[tilespmem:s17], [sflag:$0x4] =	stream.linear.gather [hbm4b:s13+s2], $0xC80, $0x38;
	[tilespmem:$0x1A900] =	vst v63  }
0x17e: {  	_ =	swait.ge [sflag:s10], $0xC80  }
0x17f: {  	[sflag:s10] =	ssyncset.done $0x0  }
0x180: {  	[sflag:s10] =	ssyncadd.s32 $0xFFFFF380  }
0x181: {  	[tilespmem:s15], [sflag:$0x1] =	stream.indirect.gather [spmem:s1], $0x8, s17, s11, $0xb8;
	[tilespmem:$0x1A900] =	vst v63  }
0x182: {  	_ =	swait.ge [sflag:s8], $0x6400  }
0x183: {  	[sflag:s8] =	ssyncset.done $0x0  }
0x184: {  	[sflag:s8] =	ssyncadd.s32 $0xFFFF9C00  }
0x185: {  	[hbm4b:s9+s2] =	stream.linear.scatter [tilespmem:s15], [sflag:$0x3], $0x6400, $0x38;
	[tilespmem:$0x1A900] =	vst v63  }
0x186: {  	_ =	swait.ge [sflag:s7], $0x6400  }
0x187: {  	[sflag:s7] =	ssyncset.done $0x0  }
0x188: {  	[sflag:s7] =	ssyncadd.s32 $0xFFFF9C00  }
0x189: {  	[tilespmem:s6], [sflag:$0x4] =	stream.linear.gather [hbm4b:s5+s2], $0xC80, $0x38;
	[tilespmem:$0x1A900] =	vst v63  }
0x18a: {  	_ =	swait.ge [sflag:s10], $0xC80  }
0x18b: {  	[sflag:s10] =	ssyncset.done $0x0  }
0x18c: {  	[sflag:s10] =	ssyncadd.s32 $0xFFFFF380  }
0x18d: {  	[tilespmem:s4], [sflag:$0x1] =	stream.indirect.gather [spmem:s1], $0x8, s6, s11, $0xb8;
	[tilespmem:$0x1A900] =	vst v63  }
0x18e: {  	_ =	swait.ge [sflag:s8], $0x6400  }
0x18f: {  	[sflag:s8] =	ssyncset.done $0x0  }
0x190: {  	[sflag:s8] =	ssyncadd.s32 $0xFFFF9C00  }
0x191: {  	[hbm4b:s3+s2] =	stream.linear.scatter [tilespmem:s4], [sflag:$0x2], $0x6400, $0x38;
	[tilespmem:$0x1A900] =	vst v63  }
0x192: {  	_ =	swait.ge [sflag:s12], $0x6400  }
0x193: {  	s29 =	sld [smem:$0x7F1];
	_ =	sdelay $0x2  }
0x194: {  	s31 =	sadd.s32 $0xFFFFFFFF, s29  }
0x195: {  	p2 =	sne.s32 s31, $0x0  }
.Ltmp1:
0x196: {  	_ = 	snop;
	(pc) =	sbr.rel @!p2 .LBB2_2-.Ltmp1, $4  }
0x197: {  	[sflag:s12] =	ssyncset.done $0x0  }
0x198: {  	[sflag:s12] =	ssyncadd.s32 $0xFFFF9C00  }
0x199: {  	_ =	swait.ge [sflag:s7], $0x6400  }
0x19a: {  	p1 =	por $0x1, $0x1;
	s0 =	rddreg [dreg:$0x4];
	[sflag:s7] =	ssyncset.done $0x0  }
.LBB2_3:
0x19b: {  	[sflag:s7] =	ssyncadd.s32 $0xFFFF9C00;
	s29 =	simm.s32 @!p0 $0x1C04  }
0x19c: {  	[spmem:s28], [sflag:s29] =	dma.local @!p0 [hbm:s0], $0x19000  }
0x19d: {  	_ =	swait.ge @!p0 [sflag:s30], $0x19000  }
0x19e: {  	[sflag:s30] =	ssyncset.done @!p0 $0x0  }
0x19f: {  	[sflag:s30] =	ssyncadd.s32 @!p0 $0xFFFE7000  }
0x1a0: {  	[bflag:$0x0] =	sbarrier.arrive $0xFFFF  }
0x1a1: {  	s29 =	rddreg [dreg:$0x5]  }
0x1a2: {  	[tilespmem:s6], [sflag:$0x4] =	stream.linear.gather [hbm4b:s29+s2], $0xC80, $0x38;
	[tilespmem:$0x1A900] =	vst v63  }
0x1a3: {  	_ =	swait.ge [sflag:s10], $0xC80  }
0x1a4: {  	[sflag:s10] =	ssyncset.done $0x0  }
0x1a5: {  	[sflag:s10] =	ssyncadd.s32 $0xFFFFF380  }
0x1a6: {  	[tilespmem:s4], [sflag:$0x1] =	stream.indirect.gather [spmem:s1], $0x8, s6, s11, $0xb8;
	[tilespmem:$0x1A900] =	vst v63  }
0x1a7: {  	_ =	swait.ge [sflag:s8], $0x6400  }
0x1a8: {  	[sflag:s8] =	ssyncset.done $0x0  }
0x1a9: {  	s0 =	rddreg [dreg:$0x6];
	[sflag:s8] =	ssyncadd.s32 $0xFFFF9C00  }
0x1aa: {  	[hbm4b:s0+s2] =	stream.linear.scatter [tilespmem:s4], [sflag:$0x2], $0x6400, $0x38;
	[tilespmem:$0x1A900] =	vst v63  }
0x1ab: {  	s29 =	rddreg [dreg:$0x7]  }
0x1ac: {  	[tilespmem:s17], [sflag:$0x4] =	stream.linear.gather [hbm4b:s29+s2], $0xC80, $0x38;
	[tilespmem:$0x1A900] =	vst v63  }
0x1ad: {  	_ =	swait.ge [sflag:s10], $0xC80  }
0x1ae: {  	[sflag:s10] =	ssyncset.done $0x0  }
0x1af: {  	[sflag:s10] =	ssyncadd.s32 $0xFFFFF380  }
0x1b0: {  	[tilespmem:s15], [sflag:$0x1] =	stream.indirect.gather [spmem:s1], $0x8, s17, s11, $0xb8;
	[tilespmem:$0x1A900] =	vst v63  }
0x1b1: {  	_ =	swait.ge [sflag:s8], $0x6400  }
0x1b2: {  	[sflag:s8] =	ssyncset.done $0x0  }
0x1b3: {  	s29 =	rddreg [dreg:$0x8];
	[sflag:s8] =	ssyncadd.s32 $0xFFFF9C00  }
0x1b4: {  	[hbm4b:s29+s2] =	stream.linear.scatter [tilespmem:s15], [sflag:$0x3], $0x6400, $0x38;
	[tilespmem:$0x1A900] =	vst v63  }
0x1b5: {  	_ =	swait.ge [sflag:s7], $0x6400  }
0x1b6: {  	[sflag:s7] =	ssyncset.done $0x0  }
0x1b7: {  	s29 =	rddreg [dreg:$0x9];
	[sflag:s7] =	ssyncadd.s32 $0xFFFF9C00  }
0x1b8: {  	[tilespmem:s6], [sflag:$0x4] =	stream.linear.gather [hbm4b:s29+s2], $0xC80, $0x38;
	[tilespmem:$0x1A900] =	vst v63  }
0x1b9: {  	_ =	swait.ge [sflag:s10], $0xC80  }
0x1ba: {  	[sflag:s10] =	ssyncset.done $0x0  }
0x1bb: {  	[sflag:s10] =	ssyncadd.s32 $0xFFFFF380  }
0x1bc: {  	[tilespmem:s4], [sflag:$0x1] =	stream.indirect.gather [spmem:s1], $0x8, s6, s11, $0xb8;
	[tilespmem:$0x1A900] =	vst v63  }
0x1bd: {  	_ =	swait.ge [sflag:s8], $0x6400  }
0x1be: {  	[sflag:s8] =	ssyncset.done $0x0  }
0x1bf: {  	s29 =	rddreg [dreg:$0xa];
	[sflag:s8] =	ssyncadd.s32 $0xFFFF9C00  }
0x1c0: {  	[hbm4b:s29+s2] =	stream.linear.scatter [tilespmem:s4], [sflag:$0x2], $0x6400, $0x38;
	[tilespmem:$0x1A900] =	vst v63  }
0x1c1: {  	_ =	swait.ge [sflag:s12], $0x6400  }
0x1c2: {  	[sflag:s12] =	ssyncset.done $0x0  }
0x1c3: {  	s29 =	rddreg [dreg:$0xb];
	[sflag:s12] =	ssyncadd.s32 $0xFFFF9C00  }
0x1c4: {  	[tilespmem:s17], [sflag:$0x4] =	stream.linear.gather [hbm4b:s29+s2], $0xC80, $0x38;
	[tilespmem:$0x1A900] =	vst v63  }
0x1c5: {  	_ =	swait.ge [sflag:s10], $0xC80  }
0x1c6: {  	[sflag:s10] =	ssyncset.done $0x0  }
0x1c7: {  	[sflag:s10] =	ssyncadd.s32 $0xFFFFF380  }
0x1c8: {  	[tilespmem:s15], [sflag:$0x1] =	stream.indirect.gather [spmem:s1], $0x8, s17, s11, $0xb8;
	[tilespmem:$0x1A900] =	vst v63  }
0x1c9: {  	_ =	swait.ge [sflag:s8], $0x6400  }
0x1ca: {  	[sflag:s8] =	ssyncset.done $0x0  }
0x1cb: {  	s29 =	rddreg [dreg:$0xc];
	[sflag:s8] =	ssyncadd.s32 $0xFFFF9C00  }
0x1cc: {  	[hbm4b:s29+s2] =	stream.linear.scatter [tilespmem:s15], [sflag:$0x3], $0x6400, $0x38;
	[tilespmem:$0x1A900] =	vst v63  }
0x1cd: {  	_ =	swait.ge [sflag:s7], $0x6400  }
0x1ce: {  	[sflag:s7] =	ssyncset.done $0x0  }
0x1cf: {  	s29 =	rddreg [dreg:$0xd];
	[sflag:s7] =	ssyncadd.s32 $0xFFFF9C00  }
0x1d0: {  	[tilespmem:s6], [sflag:$0x4] =	stream.linear.gather [hbm4b:s29+s2], $0xC80, $0x38;
	[tilespmem:$0x1A900] =	vst v63  }
0x1d1: {  	_ =	swait.ge [sflag:s10], $0xC80  }
0x1d2: {  	[sflag:s10] =	ssyncset.done $0x0  }
0x1d3: {  	[sflag:s10] =	ssyncadd.s32 $0xFFFFF380  }
0x1d4: {  	[tilespmem:s4], [sflag:$0x1] =	stream.indirect.gather [spmem:s1], $0x8, s6, s11, $0xb8;
	[tilespmem:$0x1A900] =	vst v63  }
0x1d5: {  	_ =	swait.ge [sflag:s8], $0x6400  }
0x1d6: {  	[sflag:s8] =	ssyncset.done $0x0  }
0x1d7: {  	s29 =	rddreg [dreg:$0xe];
	[sflag:s8] =	ssyncadd.s32 $0xFFFF9C00  }
0x1d8: {  	[hbm4b:s29+s2] =	stream.linear.scatter [tilespmem:s4], [sflag:$0x2], $0x6400, $0x38;
	[tilespmem:$0x1A900] =	vst v63  }
0x1d9: {  	_ =	swait.ge [sflag:s12], $0x6400  }
0x1da: {  	[sflag:s12] =	ssyncset.done $0x0  }
0x1db: {  	s29 =	rddreg [dreg:$0xf];
	[sflag:s12] =	ssyncadd.s32 $0xFFFF9C00  }
0x1dc: {  	[tilespmem:s17], [sflag:$0x4] =	stream.linear.gather [hbm4b:s29+s2], $0xC80, $0x38;
	[tilespmem:$0x1A900] =	vst v63  }
0x1dd: {  	_ =	swait.ge [sflag:s10], $0xC80  }
0x1de: {  	[sflag:s10] =	ssyncset.done $0x0  }
0x1df: {  	[sflag:s10] =	ssyncadd.s32 $0xFFFFF380  }
0x1e0: {  	[tilespmem:s15], [sflag:$0x1] =	stream.indirect.gather [spmem:s1], $0x8, s17, s11, $0xb8;
	[tilespmem:$0x1A900] =	vst v63  }
0x1e1: {  	_ =	swait.ge [sflag:s8], $0x6400  }
0x1e2: {  	[sflag:s8] =	ssyncset.done $0x0  }
0x1e3: {  	s29 =	rddreg [dreg:$0x10];
	[sflag:s8] =	ssyncadd.s32 $0xFFFF9C00  }
0x1e4: {  	[hbm4b:s29+s2] =	stream.linear.scatter [tilespmem:s15], [sflag:$0x3], $0x6400, $0x38;
	[tilespmem:$0x1A900] =	vst v63  }
0x1e5: {  	_ =	swait.ge [sflag:s7], $0x6400  }
0x1e6: {  	[sflag:s7] =	ssyncset.done $0x0  }
0x1e7: {  	s29 =	rddreg [dreg:$0x11];
	[sflag:s7] =	ssyncadd.s32 $0xFFFF9C00  }
0x1e8: {  	[tilespmem:s6], [sflag:$0x4] =	stream.linear.gather [hbm4b:s29+s2], $0xC80, $0x38;
	[tilespmem:$0x1A900] =	vst v63  }
0x1e9: {  	_ =	swait.ge [sflag:s10], $0xC80  }
0x1ea: {  	[sflag:s10] =	ssyncset.done $0x0  }
0x1eb: {  	[sflag:s10] =	ssyncadd.s32 $0xFFFFF380  }
0x1ec: {  	[tilespmem:s4], [sflag:$0x1] =	stream.indirect.gather [spmem:s1], $0x8, s6, s11, $0xb8;
	[tilespmem:$0x1A900] =	vst v63  }
0x1ed: {  	_ =	swait.ge [sflag:s8], $0x6400  }
0x1ee: {  	[sflag:s8] =	ssyncset.done $0x0  }
0x1ef: {  	s29 =	rddreg [dreg:$0x12];
	[sflag:s8] =	ssyncadd.s32 $0xFFFF9C00  }
0x1f0: {  	[hbm4b:s29+s2] =	stream.linear.scatter [tilespmem:s4], [sflag:$0x2], $0x6400, $0x38;
	[tilespmem:$0x1A900] =	vst v63  }
0x1f1: {  	_ =	swait.ge [sflag:s12], $0x6400  }
0x1f2: {  	[sflag:s12] =	ssyncset.done $0x0  }
0x1f3: {  	s29 =	rddreg [dreg:$0x13];
	[sflag:s12] =	ssyncadd.s32 $0xFFFF9C00  }
0x1f4: {  	[tilespmem:s17], [sflag:$0x4] =	stream.linear.gather [hbm4b:s29+s2], $0xC80, $0x38;
	[tilespmem:$0x1A900] =	vst v63  }
0x1f5: {  	_ =	swait.ge [sflag:s10], $0xC80  }
0x1f6: {  	[sflag:s10] =	ssyncset.done $0x0  }
0x1f7: {  	[sflag:s10] =	ssyncadd.s32 $0xFFFFF380  }
0x1f8: {  	[tilespmem:s15], [sflag:$0x1] =	stream.indirect.gather [spmem:s1], $0x8, s17, s11, $0xb8;
	[tilespmem:$0x1A900] =	vst v63  }
0x1f9: {  	_ =	swait.ge [sflag:s8], $0x6400  }
0x1fa: {  	[sflag:s8] =	ssyncset.done $0x0  }
0x1fb: {  	s29 =	rddreg [dreg:$0x14];
	[sflag:s8] =	ssyncadd.s32 $0xFFFF9C00  }
0x1fc: {  	[hbm4b:s29+s2] =	stream.linear.scatter [tilespmem:s15], [sflag:$0x3], $0x6400, $0x38;
	[tilespmem:$0x1A900] =	vst v63  }
0x1fd: {  	_ =	swait.ge [sflag:s7], $0x6400  }
0x1fe: {  	[sflag:s7] =	ssyncset.done $0x0  }
0x1ff: {  	s29 =	rddreg [dreg:$0x15];
	[sflag:s7] =	ssyncadd.s32 $0xFFFF9C00  }
0x200: {  	[tilespmem:s6], [sflag:$0x4] =	stream.linear.gather [hbm4b:s29+s2], $0xC80, $0x38;
	[tilespmem:$0x1A900] =	vst v63  }
0x201: {  	_ =	swait.ge [sflag:s10], $0xC80  }
0x202: {  	[sflag:s10] =	ssyncset.done $0x0  }
0x203: {  	[sflag:s10] =	ssyncadd.s32 $0xFFFFF380  }
0x204: {  	[tilespmem:s4], [sflag:$0x1] =	stream.indirect.gather [spmem:s1], $0x8, s6, s11, $0xb8;
	[tilespmem:$0x1A900] =	vst v63  }
0x205: {  	_ =	swait.ge [sflag:s8], $0x6400  }
0x206: {  	[sflag:s8] =	ssyncset.done $0x0  }
0x207: {  	s29 =	rddreg [dreg:$0x16];
	[sflag:s8] =	ssyncadd.s32 $0xFFFF9C00  }
0x208: {  	[hbm4b:s29+s2] =	stream.linear.scatter [tilespmem:s4], [sflag:$0x2], $0x6400, $0x38;
	[tilespmem:$0x1A900] =	vst v63  }
0x209: {  	_ =	swait.ge [sflag:s12], $0x6400  }
0x20a: {  	[sflag:s12] =	ssyncset.done $0x0  }
0x20b: {  	s29 =	rddreg [dreg:$0x17];
	[sflag:s12] =	ssyncadd.s32 $0xFFFF9C00  }
0x20c: {  	[tilespmem:s17], [sflag:$0x4] =	stream.linear.gather [hbm4b:s29+s2], $0xC80, $0x38;
	[tilespmem:$0x1A900] =	vst v63  }
0x20d: {  	_ =	swait.ge [sflag:s10], $0xC80  }
0x20e: {  	[sflag:s10] =	ssyncset.done $0x0  }
0x20f: {  	[sflag:s10] =	ssyncadd.s32 $0xFFFFF380  }
0x210: {  	[tilespmem:s15], [sflag:$0x1] =	stream.indirect.gather [spmem:s1], $0x8, s17, s11, $0xb8;
	[tilespmem:$0x1A900] =	vst v63  }
0x211: {  	_ =	swait.ge [sflag:s8], $0x6400  }
0x212: {  	[sflag:s8] =	ssyncset.done $0x0  }
0x213: {  	s29 =	rddreg [dreg:$0x18];
	[sflag:s8] =	ssyncadd.s32 $0xFFFF9C00  }
0x214: {  	[hbm4b:s29+s2] =	stream.linear.scatter [tilespmem:s15], [sflag:$0x3], $0x6400, $0x38;
	[tilespmem:$0x1A900] =	vst v63  }
0x215: {  	_ =	swait.ge [sflag:s7], $0x6400  }
0x216: {  	[sflag:s7] =	ssyncset.done $0x0  }
0x217: {  	s29 =	rddreg [dreg:$0x19];
	[sflag:s7] =	ssyncadd.s32 $0xFFFF9C00  }
0x218: {  	[tilespmem:s6], [sflag:$0x4] =	stream.linear.gather [hbm4b:s29+s2], $0xC80, $0x38;
	[tilespmem:$0x1A900] =	vst v63  }
0x219: {  	_ =	swait.ge [sflag:s10], $0xC80  }
0x21a: {  	[sflag:s10] =	ssyncset.done $0x0  }
0x21b: {  	[sflag:s10] =	ssyncadd.s32 $0xFFFFF380  }
0x21c: {  	[tilespmem:s4], [sflag:$0x1] =	stream.indirect.gather [spmem:s1], $0x8, s6, s11, $0xb8;
	[tilespmem:$0x1A900] =	vst v63  }
0x21d: {  	_ =	swait.ge [sflag:s8], $0x6400  }
0x21e: {  	[sflag:s8] =	ssyncset.done $0x0  }
0x21f: {  	s29 =	rddreg [dreg:$0x1a];
	[sflag:s8] =	ssyncadd.s32 $0xFFFF9C00  }
0x220: {  	[hbm4b:s29+s2] =	stream.linear.scatter [tilespmem:s4], [sflag:$0x2], $0x6400, $0x38;
	[tilespmem:$0x1A900] =	vst v63  }
0x221: {  	_ =	swait.ge [sflag:s12], $0x6400  }
0x222: {  	[sflag:s12] =	ssyncset.done $0x0  }
0x223: {  	s29 =	rddreg [dreg:$0x1b];
	[sflag:s12] =	ssyncadd.s32 $0xFFFF9C00  }
0x224: {  	[tilespmem:s17], [sflag:$0x4] =	stream.linear.gather [hbm4b:s29+s2], $0xC80, $0x38;
	[tilespmem:$0x1A900] =	vst v63  }
0x225: {  	_ =	swait.ge [sflag:s10], $0xC80  }
0x226: {  	[sflag:s10] =	ssyncset.done $0x0  }
0x227: {  	[sflag:s10] =	ssyncadd.s32 $0xFFFFF380  }
0x228: {  	[tilespmem:s15], [sflag:$0x1] =	stream.indirect.gather [spmem:s1], $0x8, s17, s11, $0xb8;
	[tilespmem:$0x1A900] =	vst v63  }
0x229: {  	_ =	swait.ge [sflag:s8], $0x6400  }
0x22a: {  	[sflag:s8] =	ssyncset.done $0x0  }
0x22b: {  	s29 =	rddreg [dreg:$0x1c];
	[sflag:s8] =	ssyncadd.s32 $0xFFFF9C00  }
0x22c: {  	[hbm4b:s29+s2] =	stream.linear.scatter [tilespmem:s15], [sflag:$0x3], $0x6400, $0x38;
	[tilespmem:$0x1A900] =	vst v63  }
0x22d: {  	_ =	swait.ge [sflag:s7], $0x6400  }
0x22e: {  	[sflag:s7] =	ssyncset.done $0x0  }
0x22f: {  	s29 =	rddreg [dreg:$0x1d];
	[sflag:s7] =	ssyncadd.s32 $0xFFFF9C00  }
0x230: {  	[tilespmem:s6], [sflag:$0x4] =	stream.linear.gather [hbm4b:s29+s2], $0xC80, $0x38;
	[tilespmem:$0x1A900] =	vst v63  }
0x231: {  	_ =	swait.ge [sflag:s10], $0xC80  }
0x232: {  	[sflag:s10] =	ssyncset.done $0x0  }
0x233: {  	[sflag:s10] =	ssyncadd.s32 $0xFFFFF380  }
0x234: {  	[tilespmem:s4], [sflag:$0x1] =	stream.indirect.gather [spmem:s1], $0x8, s6, s11, $0xb8;
	[tilespmem:$0x1A900] =	vst v63  }
0x235: {  	_ =	swait.ge [sflag:s8], $0x6400  }
0x236: {  	[sflag:s8] =	ssyncset.done $0x0  }
0x237: {  	s29 =	rddreg [dreg:$0x1e];
	[sflag:s8] =	ssyncadd.s32 $0xFFFF9C00  }
0x238: {  	[hbm4b:s29+s2] =	stream.linear.scatter [tilespmem:s4], [sflag:$0x2], $0x6400, $0x38;
	[tilespmem:$0x1A900] =	vst v63  }
0x239: {  	_ =	swait.ge [sflag:s12], $0x6400  }
0x23a: {  	[sflag:s12] =	ssyncset.done $0x0  }
0x23b: {  	s29 =	rddreg [dreg:$0x1f];
	[sflag:s12] =	ssyncadd.s32 $0xFFFF9C00  }
0x23c: {  	[tilespmem:s17], [sflag:$0x4] =	stream.linear.gather [hbm4b:s29+s2], $0xC80, $0x38;
	[tilespmem:$0x1A900] =	vst v63  }
0x23d: {  	_ =	swait.ge [sflag:s10], $0xC80  }
0x23e: {  	[sflag:s10] =	ssyncset.done $0x0  }
0x23f: {  	[sflag:s10] =	ssyncadd.s32 $0xFFFFF380  }
0x240: {  	[tilespmem:s15], [sflag:$0x1] =	stream.indirect.gather [spmem:s1], $0x8, s17, s11, $0xb8;
	[tilespmem:$0x1A900] =	vst v63  }
0x241: {  	_ =	swait.ge [sflag:s8], $0x6400  }
0x242: {  	s29 =	sld [smem:$0x7F2]  }
0x243: {  	[sflag:s8] =	ssyncset.done $0x0  }
0x244: {  	[sflag:s8] =	ssyncadd.s32 $0xFFFF9C00  }
0x245: {  	[hbm4b:s29+s2] =	stream.linear.scatter [tilespmem:s15], [sflag:$0x3], $0x6400, $0x38;
	[tilespmem:$0x1A900] =	vst v63  }
0x246: {  	_ =	swait.ge [sflag:s7], $0x6400  }
0x247: {  	s29 =	sld [smem:$0x7F3]  }
0x248: {  	[sflag:s7] =	ssyncset.done $0x0  }
0x249: {  	[sflag:s7] =	ssyncadd.s32 $0xFFFF9C00  }
0x24a: {  	[tilespmem:s6], [sflag:$0x4] =	stream.linear.gather [hbm4b:s29+s2], $0xC80, $0x38;
	[tilespmem:$0x1A900] =	vst v63  }
0x24b: {  	_ =	swait.ge [sflag:s10], $0xC80  }
0x24c: {  	[sflag:s10] =	ssyncset.done $0x0  }
0x24d: {  	[sflag:s10] =	ssyncadd.s32 $0xFFFFF380  }
0x24e: {  	[tilespmem:s4], [sflag:$0x1] =	stream.indirect.gather [spmem:s1], $0x8, s6, s11, $0xb8;
	[tilespmem:$0x1A900] =	vst v63  }
0x24f: {  	_ =	swait.ge [sflag:s8], $0x6400  }
0x250: {  	s29 =	sld [smem:$0x7F4]  }
0x251: {  	[sflag:s8] =	ssyncset.done $0x0  }
0x252: {  	[sflag:s8] =	ssyncadd.s32 $0xFFFF9C00  }
0x253: {  	[hbm4b:s29+s2] =	stream.linear.scatter [tilespmem:s4], [sflag:$0x2], $0x6400, $0x38;
	[tilespmem:$0x1A900] =	vst v63  }
0x254: {  	_ =	swait.ge [sflag:s12], $0x6400  }
0x255: {  	s29 =	sld [smem:$0x7F5]  }
0x256: {  	[sflag:s12] =	ssyncset.done $0x0  }
0x257: {  	[sflag:s12] =	ssyncadd.s32 $0xFFFF9C00  }
0x258: {  	[tilespmem:s17], [sflag:$0x4] =	stream.linear.gather [hbm4b:s29+s2], $0xC80, $0x38;
	[tilespmem:$0x1A900] =	vst v63  }
0x259: {  	_ =	swait.ge [sflag:s10], $0xC80  }
0x25a: {  	[sflag:s10] =	ssyncset.done $0x0  }
0x25b: {  	[sflag:s10] =	ssyncadd.s32 $0xFFFFF380  }
0x25c: {  	[tilespmem:s15], [sflag:$0x1] =	stream.indirect.gather [spmem:s1], $0x8, s17, s11, $0xb8;
	[tilespmem:$0x1A900] =	vst v63  }
0x25d: {  	_ =	swait.ge [sflag:s8], $0x6400  }
0x25e: {  	s29 =	sld [smem:$0x7F6]  }
0x25f: {  	[sflag:s8] =	ssyncset.done $0x0  }
0x260: {  	[sflag:s8] =	ssyncadd.s32 $0xFFFF9C00  }
0x261: {  	[hbm4b:s29+s2] =	stream.linear.scatter [tilespmem:s15], [sflag:$0x3], $0x6400, $0x38;
	[tilespmem:$0x1A900] =	vst v63  }
0x262: {  	_ =	swait.ge [sflag:s7], $0x6400  }
0x263: {  	s29 =	sld [smem:$0x7F7]  }
0x264: {  	[sflag:s7] =	ssyncset.done $0x0  }
0x265: {  	[sflag:s7] =	ssyncadd.s32 $0xFFFF9C00  }
0x266: {  	[tilespmem:s6], [sflag:$0x4] =	stream.linear.gather [hbm4b:s29+s2], $0xC80, $0x38;
	[tilespmem:$0x1A900] =	vst v63  }
0x267: {  	_ =	swait.ge [sflag:s10], $0xC80  }
0x268: {  	[sflag:s10] =	ssyncset.done $0x0  }
0x269: {  	[sflag:s10] =	ssyncadd.s32 $0xFFFFF380  }
0x26a: {  	[tilespmem:s4], [sflag:$0x1] =	stream.indirect.gather [spmem:s1], $0x8, s6, s11, $0xb8;
	[tilespmem:$0x1A900] =	vst v63  }
0x26b: {  	_ =	swait.ge [sflag:s8], $0x6400  }
0x26c: {  	s29 =	sld [smem:$0x7F8]  }
0x26d: {  	[sflag:s8] =	ssyncset.done $0x0  }
0x26e: {  	[sflag:s8] =	ssyncadd.s32 $0xFFFF9C00  }
0x26f: {  	[hbm4b:s29+s2] =	stream.linear.scatter [tilespmem:s4], [sflag:$0x2], $0x6400, $0x38;
	[tilespmem:$0x1A900] =	vst v63  }
0x270: {  	_ =	swait.ge [sflag:s12], $0x6400  }
0x271: {  	s29 =	sld [smem:$0x7F9]  }
0x272: {  	[sflag:s12] =	ssyncset.done $0x0  }
0x273: {  	[sflag:s12] =	ssyncadd.s32 $0xFFFF9C00  }
0x274: {  	[tilespmem:s17], [sflag:$0x4] =	stream.linear.gather [hbm4b:s29+s2], $0xC80, $0x38;
	[tilespmem:$0x1A900] =	vst v63  }
0x275: {  	_ =	swait.ge [sflag:s10], $0xC80  }
0x276: {  	[sflag:s10] =	ssyncset.done $0x0  }
0x277: {  	[sflag:s10] =	ssyncadd.s32 $0xFFFFF380  }
0x278: {  	[tilespmem:s15], [sflag:$0x1] =	stream.indirect.gather [spmem:s1], $0x8, s17, s11, $0xb8;
	[tilespmem:$0x1A900] =	vst v63  }
0x279: {  	_ =	swait.ge [sflag:s8], $0x6400  }
0x27a: {  	s29 =	sld [smem:$0x7FA]  }
0x27b: {  	[sflag:s8] =	ssyncset.done $0x0  }
0x27c: {  	[sflag:s8] =	ssyncadd.s32 $0xFFFF9C00  }
0x27d: {  	[hbm4b:s29+s2] =	stream.linear.scatter [tilespmem:s15], [sflag:$0x3], $0x6400, $0x38;
	[tilespmem:$0x1A900] =	vst v63  }
0x27e: {  	_ =	swait.ge [sflag:s7], $0x6400  }
0x27f: {  	s29 =	sld [smem:$0x7FB]  }
0x280: {  	[sflag:s7] =	ssyncset.done $0x0  }
0x281: {  	[sflag:s7] =	ssyncadd.s32 $0xFFFF9C00  }
0x282: {  	[tilespmem:s6], [sflag:$0x4] =	stream.linear.gather [hbm4b:s29+s2], $0xC80, $0x38;
	[tilespmem:$0x1A900] =	vst v63  }
0x283: {  	_ =	swait.ge [sflag:s10], $0xC80  }
0x284: {  	[sflag:s10] =	ssyncset.done $0x0  }
0x285: {  	[sflag:s10] =	ssyncadd.s32 $0xFFFFF380  }
0x286: {  	[tilespmem:s4], [sflag:$0x1] =	stream.indirect.gather [spmem:s1], $0x8, s6, s11, $0xb8;
	[tilespmem:$0x1A900] =	vst v63  }
0x287: {  	_ =	swait.ge [sflag:s8], $0x6400  }
0x288: {  	s29 =	sld [smem:$0x7FC]  }
0x289: {  	[sflag:s8] =	ssyncset.done $0x0  }
0x28a: {  	[sflag:s8] =	ssyncadd.s32 $0xFFFF9C00  }
0x28b: {  	[hbm4b:s29+s2] =	stream.linear.scatter [tilespmem:s4], [sflag:$0x2], $0x6400, $0x38;
	[tilespmem:$0x1A900] =	vst v63  }
0x28c: {  	_ =	swait.ge [sflag:s12], $0x6400  }
0x28d: {  	s29 =	sld [smem:$0x7FD]  }
0x28e: {  	[sflag:s12] =	ssyncset.done $0x0  }
0x28f: {  	[sflag:s12] =	ssyncadd.s32 $0xFFFF9C00  }
0x290: {  	[tilespmem:s17], [sflag:$0x4] =	stream.linear.gather [hbm4b:s29+s2], $0xC80, $0x38;
	[tilespmem:$0x1A900] =	vst v63  }
0x291: {  	_ =	swait.ge [sflag:s10], $0xC80  }
0x292: {  	[sflag:s10] =	ssyncset.done $0x0  }
0x293: {  	[sflag:s10] =	ssyncadd.s32 $0xFFFFF380  }
0x294: {  	[tilespmem:s15], [sflag:$0x1] =	stream.indirect.gather [spmem:s1], $0x8, s17, s11, $0xb8;
	[tilespmem:$0x1A900] =	vst v63  }
0x295: {  	_ =	swait.ge [sflag:s8], $0x6400  }
0x296: {  	[sflag:s8] =	ssyncset.done $0x0  }
0x297: {  	[sflag:s8] =	ssyncadd.s32 $0xFFFF9C00  }
0x298: {  	[hbm4b:s26+s2] =	stream.linear.scatter [tilespmem:s15], [sflag:$0x3], $0x6400, $0x38;
	[tilespmem:$0x1A900] =	vst v63  }
0x299: {  	_ =	swait.ge [sflag:s7], $0x6400  }
0x29a: {  	[sflag:s7] =	ssyncset.done $0x0  }
0x29b: {  	[sflag:s7] =	ssyncadd.s32 $0xFFFF9C00  }
0x29c: {  	[tilespmem:s6], [sflag:$0x4] =	stream.linear.gather [hbm4b:s25+s2], $0xC80, $0x38;
	[tilespmem:$0x1A900] =	vst v63  }
0x29d: {  	_ =	swait.ge [sflag:s10], $0xC80  }
0x29e: {  	[sflag:s10] =	ssyncset.done $0x0  }
0x29f: {  	[sflag:s10] =	ssyncadd.s32 $0xFFFFF380  }
0x2a0: {  	[tilespmem:s4], [sflag:$0x1] =	stream.indirect.gather [spmem:s1], $0x8, s6, s11, $0xb8;
	[tilespmem:$0x1A900] =	vst v63  }
0x2a1: {  	_ =	swait.ge [sflag:s8], $0x6400  }
0x2a2: {  	[sflag:s8] =	ssyncset.done $0x0  }
0x2a3: {  	[sflag:s8] =	ssyncadd.s32 $0xFFFF9C00  }
0x2a4: {  	[hbm4b:s24+s2] =	stream.linear.scatter [tilespmem:s4], [sflag:$0x2], $0x6400, $0x38;
	[tilespmem:$0x1A900] =	vst v63  }
0x2a5: {  	_ =	swait.ge [sflag:s12], $0x6400  }
0x2a6: {  	[sflag:s12] =	ssyncset.done $0x0  }
0x2a7: {  	[sflag:s12] =	ssyncadd.s32 $0xFFFF9C00  }
0x2a8: {  	[tilespmem:s17], [sflag:$0x4] =	stream.linear.gather [hbm4b:s23+s2], $0xC80, $0x38;
	[tilespmem:$0x1A900] =	vst v63  }
0x2a9: {  	_ =	swait.ge [sflag:s10], $0xC80  }
0x2aa: {  	[sflag:s10] =	ssyncset.done $0x0  }
0x2ab: {  	[sflag:s10] =	ssyncadd.s32 $0xFFFFF380  }
0x2ac: {  	[tilespmem:s15], [sflag:$0x1] =	stream.indirect.gather [spmem:s1], $0x8, s17, s11, $0xb8;
	[tilespmem:$0x1A900] =	vst v63  }
0x2ad: {  	_ =	swait.ge [sflag:s8], $0x6400  }
0x2ae: {  	[sflag:s8] =	ssyncset.done $0x0  }
0x2af: {  	[sflag:s8] =	ssyncadd.s32 $0xFFFF9C00  }
0x2b0: {  	[hbm4b:s22+s2] =	stream.linear.scatter [tilespmem:s15], [sflag:$0x3], $0x6400, $0x38;
	[tilespmem:$0x1A900] =	vst v63  }
0x2b1: {  	_ =	swait.ge [sflag:s7], $0x6400  }
0x2b2: {  	[sflag:s7] =	ssyncset.done $0x0  }
0x2b3: {  	[sflag:s7] =	ssyncadd.s32 $0xFFFF9C00  }
0x2b4: {  	[tilespmem:s6], [sflag:$0x4] =	stream.linear.gather [hbm4b:s21+s2], $0xC80, $0x38;
	[tilespmem:$0x1A900] =	vst v63  }
0x2b5: {  	_ =	swait.ge [sflag:s10], $0xC80  }
0x2b6: {  	[sflag:s10] =	ssyncset.done $0x0  }
0x2b7: {  	[sflag:s10] =	ssyncadd.s32 $0xFFFFF380  }
0x2b8: {  	[tilespmem:s4], [sflag:$0x1] =	stream.indirect.gather [spmem:s1], $0x8, s6, s11, $0xb8;
	[tilespmem:$0x1A900] =	vst v63  }
0x2b9: {  	_ =	swait.ge [sflag:s8], $0x6400  }
0x2ba: {  	[sflag:s8] =	ssyncset.done $0x0  }
0x2bb: {  	[sflag:s8] =	ssyncadd.s32 $0xFFFF9C00  }
0x2bc: {  	[hbm4b:s20+s2] =	stream.linear.scatter [tilespmem:s4], [sflag:$0x2], $0x6400, $0x38;
	[tilespmem:$0x1A900] =	vst v63  }
0x2bd: {  	_ =	swait.ge [sflag:s12], $0x6400  }
0x2be: {  	[sflag:s12] =	ssyncset.done $0x0  }
0x2bf: {  	[sflag:s12] =	ssyncadd.s32 $0xFFFF9C00  }
0x2c0: {  	[tilespmem:s17], [sflag:$0x4] =	stream.linear.gather [hbm4b:s19+s2], $0xC80, $0x38;
	[tilespmem:$0x1A900] =	vst v63  }
0x2c1: {  	_ =	swait.ge [sflag:s10], $0xC80  }
0x2c2: {  	[sflag:s10] =	ssyncset.done $0x0  }
0x2c3: {  	[sflag:s10] =	ssyncadd.s32 $0xFFFFF380  }
0x2c4: {  	[tilespmem:s15], [sflag:$0x1] =	stream.indirect.gather [spmem:s1], $0x8, s17, s11, $0xb8;
	[tilespmem:$0x1A900] =	vst v63  }
0x2c5: {  	_ =	swait.ge [sflag:s8], $0x6400  }
0x2c6: {  	[sflag:s8] =	ssyncset.done $0x0  }
0x2c7: {  	[sflag:s8] =	ssyncadd.s32 $0xFFFF9C00  }
0x2c8: {  	[hbm4b:s18+s2] =	stream.linear.scatter [tilespmem:s15], [sflag:$0x3], $0x6400, $0x38;
	[tilespmem:$0x1A900] =	vst v63  }
0x2c9: {  	_ =	swait.ge [sflag:s7], $0x6400  }
0x2ca: {  	[sflag:s7] =	ssyncset.done $0x0  }
0x2cb: {  	[sflag:s7] =	ssyncadd.s32 $0xFFFF9C00  }
0x2cc: {  	[tilespmem:s6], [sflag:$0x4] =	stream.linear.gather [hbm4b:s16+s2], $0xC80, $0x38;
	[tilespmem:$0x1A900] =	vst v63  }
0x2cd: {  	_ =	swait.ge [sflag:s10], $0xC80  }
0x2ce: {  	[sflag:s10] =	ssyncset.done $0x0  }
0x2cf: {  	[sflag:s10] =	ssyncadd.s32 $0xFFFFF380  }
0x2d0: {  	[tilespmem:s4], [sflag:$0x1] =	stream.indirect.gather [spmem:s1], $0x8, s6, s11, $0xb8;
	[tilespmem:$0x1A900] =	vst v63  }
0x2d1: {  	_ =	swait.ge [sflag:s8], $0x6400  }
0x2d2: {  	[sflag:s8] =	ssyncset.done $0x0  }
0x2d3: {  	[sflag:s8] =	ssyncadd.s32 $0xFFFF9C00  }
0x2d4: {  	[hbm4b:s14+s2] =	stream.linear.scatter [tilespmem:s4], [sflag:$0x2], $0x6400, $0x38;
	[tilespmem:$0x1A900] =	vst v63  }
0x2d5: {  	_ =	swait.ge [sflag:s12], $0x6400  }
0x2d6: {  	[sflag:s12] =	ssyncset.done $0x0  }
0x2d7: {  	[sflag:s12] =	ssyncadd.s32 $0xFFFF9C00  }
0x2d8: {  	[tilespmem:s17], [sflag:$0x4] =	stream.linear.gather [hbm4b:s13+s2], $0xC80, $0x38;
	[tilespmem:$0x1A900] =	vst v63  }
0x2d9: {  	_ =	swait.ge [sflag:s10], $0xC80  }
0x2da: {  	[sflag:s10] =	ssyncset.done $0x0  }
0x2db: {  	[sflag:s10] =	ssyncadd.s32 $0xFFFFF380  }
0x2dc: {  	[tilespmem:s15], [sflag:$0x1] =	stream.indirect.gather [spmem:s1], $0x8, s17, s11, $0xb8;
	[tilespmem:$0x1A900] =	vst v63  }
0x2dd: {  	_ =	swait.ge [sflag:s8], $0x6400  }
0x2de: {  	[sflag:s8] =	ssyncset.done $0x0  }
0x2df: {  	[sflag:s8] =	ssyncadd.s32 $0xFFFF9C00  }
0x2e0: {  	[hbm4b:s9+s2] =	stream.linear.scatter [tilespmem:s15], [sflag:$0x3], $0x6400, $0x38;
	[tilespmem:$0x1A900] =	vst v63  }
0x2e1: {  	_ =	swait.ge [sflag:s7], $0x6400  }
0x2e2: {  	[sflag:s7] =	ssyncset.done $0x0  }
0x2e3: {  	[sflag:s7] =	ssyncadd.s32 $0xFFFF9C00  }
0x2e4: {  	[tilespmem:s6], [sflag:$0x4] =	stream.linear.gather [hbm4b:s5+s2], $0xC80, $0x38;
	[tilespmem:$0x1A900] =	vst v63  }
0x2e5: {  	_ =	swait.ge [sflag:s10], $0xC80  }
0x2e6: {  	[sflag:s10] =	ssyncset.done $0x0  }
0x2e7: {  	[sflag:s10] =	ssyncadd.s32 $0xFFFFF380  }
0x2e8: {  	[tilespmem:s4], [sflag:$0x1] =	stream.indirect.gather [spmem:s1], $0x8, s6, s11, $0xb8;
	[tilespmem:$0x1A900] =	vst v63  }
0x2e9: {  	_ =	swait.ge [sflag:s8], $0x6400  }
0x2ea: {  	s31 =	sadd.s32 $0xFFFFFFFF, s31;
	[sflag:s8] =	ssyncset.done $0x0  }
0x2eb: {  	p2 =	sne.s32 s31, $0x0;
	[sflag:s8] =	ssyncadd.s32 $0xFFFF9C00  }
0x2ec: {  	[hbm4b:s3+s2] =	stream.linear.scatter [tilespmem:s4], [sflag:$0x2], $0x6400, $0x38;
	[tilespmem:$0x1A900] =	vst v63  }
.Ltmp2:
0x2ed: {  	_ =	swait.ge [sflag:s12], $0x6400;
	(pc) =	sbr.rel @p2 .LBB2_3-.Ltmp2, $4  }
0x2ee: {  	[sflag:s12] =	ssyncset.done $0x0  }
0x2ef: {  	[sflag:s12] =	ssyncadd.s32 $0xFFFF9C00  }
0x2f0: {  	_ =	swait.ge [sflag:s7], $0x6400  }
0x2f1: {  	s0 =	rddreg [dreg:$0x4];
	[sflag:s7] =	ssyncset.done $0x0  }
0x2f2: {  	s30 =	rddreg [dreg:$0x3]  }
.LBB2_5:
0x2f3: {  	[sflag:s7] =	ssyncadd.s32 @p1 $0xFFFF9C00;
	s29 =	simm.s32 @!p0 $0x1C04  }
0x2f4: {  	[spmem:s28], [sflag:s29] =	dma.local @!p0 [hbm:s0], $0x19000  }
0x2f5: {  	s0 =	simm.s32 @!p0 $0x4  }
0x2f6: {  	_ =	swait.ge @!p0 [sflag:s0], $0x19000  }
0x2f7: {  	[sflag:s0] =	ssyncset.done @!p0 $0x0  }
0x2f8: {  	[sflag:s0] =	ssyncadd.s32 @!p0 $0xFFFE7000  }
0x2f9: {  	[bflag:$0x0] =	sbarrier.arrive $0xFFFF  }
0x2fa: {  	s28 =	rddreg [dreg:$0x5]  }
0x2fb: {  	[tilespmem:s6], [sflag:$0x4] =	stream.linear.gather [hbm4b:s28+s2], $0xC80, $0x38;
	[tilespmem:$0x1A900] =	vst v63  }
0x2fc: {  	_ =	swait.ge [sflag:s10], $0xC80  }
0x2fd: {  	[sflag:s10] =	ssyncset.done $0x0  }
0x2fe: {  	[sflag:s10] =	ssyncadd.s32 $0xFFFFF380  }
0x2ff: {  	[tilespmem:s4], [sflag:$0x1] =	stream.indirect.gather [spmem:s1], $0x8, s6, s11, $0xb8;
	[tilespmem:$0x1A900] =	vst v63  }
0x300: {  	_ =	swait.ge [sflag:s8], $0x6400  }
0x301: {  	[sflag:s8] =	ssyncset.done $0x0  }
0x302: {  	s29 =	rddreg [dreg:$0x6];
	[sflag:s8] =	ssyncadd.s32 $0xFFFF9C00  }
0x303: {  	[hbm4b:s29+s2] =	stream.linear.scatter [tilespmem:s4], [sflag:$0x2], $0x6400, $0x38;
	[tilespmem:$0x1A900] =	vst v63  }
0x304: {  	s31 =	rddreg [dreg:$0x7]  }
0x305: {  	[tilespmem:s17], [sflag:$0x4] =	stream.linear.gather [hbm4b:s31+s2], $0xC80, $0x38;
	[tilespmem:$0x1A900] =	vst v63  }
0x306: {  	_ =	swait.ge [sflag:s10], $0xC80  }
0x307: {  	[sflag:s10] =	ssyncset.done $0x0  }
0x308: {  	[sflag:s10] =	ssyncadd.s32 $0xFFFFF380  }
0x309: {  	[tilespmem:s15], [sflag:$0x1] =	stream.indirect.gather [spmem:s1], $0x8, s17, s11, $0xb8;
	[tilespmem:$0x1A900] =	vst v63  }
0x30a: {  	_ =	swait.ge [sflag:s8], $0x6400  }
0x30b: {  	[sflag:s8] =	ssyncset.done $0x0  }
0x30c: {  	s28 =	rddreg [dreg:$0x8];
	[sflag:s8] =	ssyncadd.s32 $0xFFFF9C00  }
0x30d: {  	[hbm4b:s28+s2] =	stream.linear.scatter [tilespmem:s15], [sflag:$0x3], $0x6400, $0x38;
	[tilespmem:$0x1A900] =	vst v63  }
0x30e: {  	_ =	swait.ge [sflag:s7], $0x6400  }
0x30f: {  	[sflag:s7] =	ssyncset.done $0x0  }
0x310: {  	s29 =	rddreg [dreg:$0x9];
	[sflag:s7] =	ssyncadd.s32 $0xFFFF9C00  }
0x311: {  	[tilespmem:s6], [sflag:$0x4] =	stream.linear.gather [hbm4b:s29+s2], $0xC80, $0x38;
	[tilespmem:$0x1A900] =	vst v63  }
0x312: {  	_ =	swait.ge [sflag:s10], $0xC80  }
0x313: {  	[sflag:s10] =	ssyncset.done $0x0  }
0x314: {  	[sflag:s10] =	ssyncadd.s32 $0xFFFFF380  }
0x315: {  	[tilespmem:s4], [sflag:$0x1] =	stream.indirect.gather [spmem:s1], $0x8, s6, s11, $0xb8;
	[tilespmem:$0x1A900] =	vst v63  }
0x316: {  	_ =	swait.ge [sflag:s8], $0x6400  }
0x317: {  	[sflag:s8] =	ssyncset.done $0x0  }
0x318: {  	s31 =	rddreg [dreg:$0xa];
	[sflag:s8] =	ssyncadd.s32 $0xFFFF9C00  }
0x319: {  	[hbm4b:s31+s2] =	stream.linear.scatter [tilespmem:s4], [sflag:$0x2], $0x6400, $0x38;
	[tilespmem:$0x1A900] =	vst v63  }
0x31a: {  	_ =	swait.ge [sflag:s12], $0x6400  }
0x31b: {  	[sflag:s12] =	ssyncset.done $0x0  }
0x31c: {  	s28 =	rddreg [dreg:$0xb];
	[sflag:s12] =	ssyncadd.s32 $0xFFFF9C00  }
0x31d: {  	[tilespmem:s17], [sflag:$0x4] =	stream.linear.gather [hbm4b:s28+s2], $0xC80, $0x38;
	[tilespmem:$0x1A900] =	vst v63  }
0x31e: {  	_ =	swait.ge [sflag:s10], $0xC80  }
0x31f: {  	[sflag:s10] =	ssyncset.done $0x0  }
0x320: {  	[sflag:s10] =	ssyncadd.s32 $0xFFFFF380  }
0x321: {  	[tilespmem:s15], [sflag:$0x1] =	stream.indirect.gather [spmem:s1], $0x8, s17, s11, $0xb8;
	[tilespmem:$0x1A900] =	vst v63  }
0x322: {  	_ =	swait.ge [sflag:s8], $0x6400  }
0x323: {  	[sflag:s8] =	ssyncset.done $0x0  }
0x324: {  	s29 =	rddreg [dreg:$0xc];
	[sflag:s8] =	ssyncadd.s32 $0xFFFF9C00  }
0x325: {  	[hbm4b:s29+s2] =	stream.linear.scatter [tilespmem:s15], [sflag:$0x3], $0x6400, $0x38;
	[tilespmem:$0x1A900] =	vst v63  }
0x326: {  	_ =	swait.ge [sflag:s7], $0x6400  }
0x327: {  	[sflag:s7] =	ssyncset.done $0x0  }
0x328: {  	s31 =	rddreg [dreg:$0xd];
	[sflag:s7] =	ssyncadd.s32 $0xFFFF9C00  }
0x329: {  	[tilespmem:s6], [sflag:$0x4] =	stream.linear.gather [hbm4b:s31+s2], $0xC80, $0x38;
	[tilespmem:$0x1A900] =	vst v63  }
0x32a: {  	_ =	swait.ge [sflag:s10], $0xC80  }
0x32b: {  	[sflag:s10] =	ssyncset.done $0x0  }
0x32c: {  	[sflag:s10] =	ssyncadd.s32 $0xFFFFF380  }
0x32d: {  	[tilespmem:s4], [sflag:$0x1] =	stream.indirect.gather [spmem:s1], $0x8, s6, s11, $0xb8;
	[tilespmem:$0x1A900] =	vst v63  }
0x32e: {  	_ =	swait.ge [sflag:s8], $0x6400  }
0x32f: {  	[sflag:s8] =	ssyncset.done $0x0  }
0x330: {  	s28 =	rddreg [dreg:$0xe];
	[sflag:s8] =	ssyncadd.s32 $0xFFFF9C00  }
0x331: {  	[hbm4b:s28+s2] =	stream.linear.scatter [tilespmem:s4], [sflag:$0x2], $0x6400, $0x38;
	[tilespmem:$0x1A900] =	vst v63  }
0x332: {  	_ =	swait.ge [sflag:s12], $0x6400  }
0x333: {  	[sflag:s12] =	ssyncset.done $0x0  }
0x334: {  	s29 =	rddreg [dreg:$0xf];
	[sflag:s12] =	ssyncadd.s32 $0xFFFF9C00  }
0x335: {  	[tilespmem:s17], [sflag:$0x4] =	stream.linear.gather [hbm4b:s29+s2], $0xC80, $0x38;
	[tilespmem:$0x1A900] =	vst v63  }
0x336: {  	_ =	swait.ge [sflag:s10], $0xC80  }
0x337: {  	[sflag:s10] =	ssyncset.done $0x0  }
0x338: {  	[sflag:s10] =	ssyncadd.s32 $0xFFFFF380  }
0x339: {  	[tilespmem:s15], [sflag:$0x1] =	stream.indirect.gather [spmem:s1], $0x8, s17, s11, $0xb8;
	[tilespmem:$0x1A900] =	vst v63  }
0x33a: {  	_ =	swait.ge [sflag:s8], $0x6400  }
0x33b: {  	[sflag:s8] =	ssyncset.done $0x0  }
0x33c: {  	s31 =	rddreg [dreg:$0x10];
	[sflag:s8] =	ssyncadd.s32 $0xFFFF9C00  }
0x33d: {  	[hbm4b:s31+s2] =	stream.linear.scatter [tilespmem:s15], [sflag:$0x3], $0x6400, $0x38;
	[tilespmem:$0x1A900] =	vst v63  }
0x33e: {  	_ =	swait.ge [sflag:s7], $0x6400  }
0x33f: {  	[sflag:s7] =	ssyncset.done $0x0  }
0x340: {  	s28 =	rddreg [dreg:$0x11];
	[sflag:s7] =	ssyncadd.s32 $0xFFFF9C00  }
0x341: {  	[tilespmem:s6], [sflag:$0x4] =	stream.linear.gather [hbm4b:s28+s2], $0xC80, $0x38;
	[tilespmem:$0x1A900] =	vst v63  }
0x342: {  	_ =	swait.ge [sflag:s10], $0xC80  }
0x343: {  	[sflag:s10] =	ssyncset.done $0x0  }
0x344: {  	[sflag:s10] =	ssyncadd.s32 $0xFFFFF380  }
0x345: {  	[tilespmem:s4], [sflag:$0x1] =	stream.indirect.gather [spmem:s1], $0x8, s6, s11, $0xb8;
	[tilespmem:$0x1A900] =	vst v63  }
0x346: {  	_ =	swait.ge [sflag:s8], $0x6400  }
0x347: {  	[sflag:s8] =	ssyncset.done $0x0  }
0x348: {  	s29 =	rddreg [dreg:$0x12];
	[sflag:s8] =	ssyncadd.s32 $0xFFFF9C00  }
0x349: {  	[hbm4b:s29+s2] =	stream.linear.scatter [tilespmem:s4], [sflag:$0x2], $0x6400, $0x38;
	[tilespmem:$0x1A900] =	vst v63  }
0x34a: {  	_ =	swait.ge [sflag:s12], $0x6400  }
0x34b: {  	[sflag:s12] =	ssyncset.done $0x0  }
0x34c: {  	s31 =	rddreg [dreg:$0x13];
	[sflag:s12] =	ssyncadd.s32 $0xFFFF9C00  }
0x34d: {  	[tilespmem:s17], [sflag:$0x4] =	stream.linear.gather [hbm4b:s31+s2], $0xC80, $0x38;
	[tilespmem:$0x1A900] =	vst v63  }
0x34e: {  	_ =	swait.ge [sflag:s10], $0xC80  }
0x34f: {  	[sflag:s10] =	ssyncset.done $0x0  }
0x350: {  	[sflag:s10] =	ssyncadd.s32 $0xFFFFF380  }
0x351: {  	[tilespmem:s15], [sflag:$0x1] =	stream.indirect.gather [spmem:s1], $0x8, s17, s11, $0xb8;
	[tilespmem:$0x1A900] =	vst v63  }
0x352: {  	_ =	swait.ge [sflag:s8], $0x6400  }
0x353: {  	[sflag:s8] =	ssyncset.done $0x0  }
0x354: {  	s28 =	rddreg [dreg:$0x14];
	[sflag:s8] =	ssyncadd.s32 $0xFFFF9C00  }
0x355: {  	[hbm4b:s28+s2] =	stream.linear.scatter [tilespmem:s15], [sflag:$0x3], $0x6400, $0x38;
	[tilespmem:$0x1A900] =	vst v63  }
0x356: {  	_ =	swait.ge [sflag:s7], $0x6400  }
0x357: {  	[sflag:s7] =	ssyncset.done $0x0  }
0x358: {  	s29 =	rddreg [dreg:$0x15];
	[sflag:s7] =	ssyncadd.s32 $0xFFFF9C00  }
0x359: {  	[tilespmem:s6], [sflag:$0x4] =	stream.linear.gather [hbm4b:s29+s2], $0xC80, $0x38;
	[tilespmem:$0x1A900] =	vst v63  }
0x35a: {  	_ =	swait.ge [sflag:s10], $0xC80  }
0x35b: {  	[sflag:s10] =	ssyncset.done $0x0  }
0x35c: {  	[sflag:s10] =	ssyncadd.s32 $0xFFFFF380  }
0x35d: {  	[tilespmem:s4], [sflag:$0x1] =	stream.indirect.gather [spmem:s1], $0x8, s6, s11, $0xb8;
	[tilespmem:$0x1A900] =	vst v63  }
0x35e: {  	_ =	swait.ge [sflag:s8], $0x6400  }
0x35f: {  	[sflag:s8] =	ssyncset.done $0x0  }
0x360: {  	s31 =	rddreg [dreg:$0x16];
	[sflag:s8] =	ssyncadd.s32 $0xFFFF9C00  }
0x361: {  	[hbm4b:s31+s2] =	stream.linear.scatter [tilespmem:s4], [sflag:$0x2], $0x6400, $0x38;
	[tilespmem:$0x1A900] =	vst v63  }
0x362: {  	_ =	swait.ge [sflag:s12], $0x6400  }
0x363: {  	[sflag:s12] =	ssyncset.done $0x0  }
0x364: {  	s28 =	rddreg [dreg:$0x17];
	[sflag:s12] =	ssyncadd.s32 $0xFFFF9C00  }
0x365: {  	[tilespmem:s17], [sflag:$0x4] =	stream.linear.gather [hbm4b:s28+s2], $0xC80, $0x38;
	[tilespmem:$0x1A900] =	vst v63  }
0x366: {  	_ =	swait.ge [sflag:s10], $0xC80  }
0x367: {  	[sflag:s10] =	ssyncset.done $0x0  }
0x368: {  	[sflag:s10] =	ssyncadd.s32 $0xFFFFF380  }
0x369: {  	[tilespmem:s15], [sflag:$0x1] =	stream.indirect.gather [spmem:s1], $0x8, s17, s11, $0xb8;
	[tilespmem:$0x1A900] =	vst v63  }
0x36a: {  	_ =	swait.ge [sflag:s8], $0x6400  }
0x36b: {  	[sflag:s8] =	ssyncset.done $0x0  }
0x36c: {  	s29 =	rddreg [dreg:$0x18];
	[sflag:s8] =	ssyncadd.s32 $0xFFFF9C00  }
0x36d: {  	[hbm4b:s29+s2] =	stream.linear.scatter [tilespmem:s15], [sflag:$0x3], $0x6400, $0x38;
	[tilespmem:$0x1A900] =	vst v63  }
0x36e: {  	_ =	swait.ge [sflag:s7], $0x6400  }
0x36f: {  	[sflag:s7] =	ssyncset.done $0x0  }
0x370: {  	s31 =	rddreg [dreg:$0x19];
	[sflag:s7] =	ssyncadd.s32 $0xFFFF9C00  }
0x371: {  	[tilespmem:s6], [sflag:$0x4] =	stream.linear.gather [hbm4b:s31+s2], $0xC80, $0x38;
	[tilespmem:$0x1A900] =	vst v63  }
0x372: {  	_ =	swait.ge [sflag:s10], $0xC80  }
0x373: {  	[sflag:s10] =	ssyncset.done $0x0  }
0x374: {  	[sflag:s10] =	ssyncadd.s32 $0xFFFFF380  }
0x375: {  	[tilespmem:s4], [sflag:$0x1] =	stream.indirect.gather [spmem:s1], $0x8, s6, s11, $0xb8;
	[tilespmem:$0x1A900] =	vst v63  }
0x376: {  	_ =	swait.ge [sflag:s8], $0x6400  }
0x377: {  	[sflag:s8] =	ssyncset.done $0x0  }
0x378: {  	s28 =	rddreg [dreg:$0x1a];
	[sflag:s8] =	ssyncadd.s32 $0xFFFF9C00  }
0x379: {  	[hbm4b:s28+s2] =	stream.linear.scatter [tilespmem:s4], [sflag:$0x2], $0x6400, $0x38;
	[tilespmem:$0x1A900] =	vst v63  }
0x37a: {  	_ =	swait.ge [sflag:s12], $0x6400  }
0x37b: {  	[sflag:s12] =	ssyncset.done $0x0  }
0x37c: {  	s29 =	rddreg [dreg:$0x1b];
	[sflag:s12] =	ssyncadd.s32 $0xFFFF9C00  }
0x37d: {  	[tilespmem:s17], [sflag:$0x4] =	stream.linear.gather [hbm4b:s29+s2], $0xC80, $0x38;
	[tilespmem:$0x1A900] =	vst v63  }
0x37e: {  	_ =	swait.ge [sflag:s10], $0xC80  }
0x37f: {  	[sflag:s10] =	ssyncset.done $0x0  }
0x380: {  	[sflag:s10] =	ssyncadd.s32 $0xFFFFF380  }
0x381: {  	[tilespmem:s15], [sflag:$0x1] =	stream.indirect.gather [spmem:s1], $0x8, s17, s11, $0xb8;
	[tilespmem:$0x1A900] =	vst v63  }
0x382: {  	_ =	swait.ge [sflag:s8], $0x6400  }
0x383: {  	[sflag:s8] =	ssyncset.done $0x0  }
0x384: {  	s31 =	rddreg [dreg:$0x1c];
	[sflag:s8] =	ssyncadd.s32 $0xFFFF9C00  }
0x385: {  	[hbm4b:s31+s2] =	stream.linear.scatter [tilespmem:s15], [sflag:$0x3], $0x6400, $0x38;
	[tilespmem:$0x1A900] =	vst v63  }
0x386: {  	_ =	swait.ge [sflag:s7], $0x6400  }
0x387: {  	[sflag:s7] =	ssyncset.done $0x0  }
0x388: {  	s28 =	rddreg [dreg:$0x1d];
	[sflag:s7] =	ssyncadd.s32 $0xFFFF9C00  }
0x389: {  	[tilespmem:s6], [sflag:$0x4] =	stream.linear.gather [hbm4b:s28+s2], $0xC80, $0x38;
	[tilespmem:$0x1A900] =	vst v63  }
0x38a: {  	_ =	swait.ge [sflag:s10], $0xC80  }
0x38b: {  	[sflag:s10] =	ssyncset.done $0x0  }
0x38c: {  	[sflag:s10] =	ssyncadd.s32 $0xFFFFF380  }
0x38d: {  	[tilespmem:s4], [sflag:$0x1] =	stream.indirect.gather [spmem:s1], $0x8, s6, s11, $0xb8;
	[tilespmem:$0x1A900] =	vst v63  }
0x38e: {  	_ =	swait.ge [sflag:s8], $0x6400  }
0x38f: {  	[sflag:s8] =	ssyncset.done $0x0  }
0x390: {  	s29 =	rddreg [dreg:$0x1e];
	[sflag:s8] =	ssyncadd.s32 $0xFFFF9C00  }
0x391: {  	[hbm4b:s29+s2] =	stream.linear.scatter [tilespmem:s4], [sflag:$0x2], $0x6400, $0x38;
	[tilespmem:$0x1A900] =	vst v63  }
0x392: {  	_ =	swait.ge [sflag:s12], $0x6400  }
0x393: {  	[sflag:s12] =	ssyncset.done $0x0  }
0x394: {  	s31 =	rddreg [dreg:$0x1f];
	[sflag:s12] =	ssyncadd.s32 $0xFFFF9C00  }
0x395: {  	[tilespmem:s17], [sflag:$0x4] =	stream.linear.gather [hbm4b:s31+s2], $0xC80, $0x38;
	[tilespmem:$0x1A900] =	vst v63  }
0x396: {  	_ =	swait.ge [sflag:s10], $0xC80  }
0x397: {  	[sflag:s10] =	ssyncset.done $0x0  }
0x398: {  	[sflag:s10] =	ssyncadd.s32 $0xFFFFF380  }
0x399: {  	[tilespmem:s15], [sflag:$0x1] =	stream.indirect.gather [spmem:s1], $0x8, s17, s11, $0xb8;
	[tilespmem:$0x1A900] =	vst v63  }
0x39a: {  	_ =	swait.ge [sflag:s8], $0x6400  }
0x39b: {  	s28 =	sld [smem:$0x7F2]  }
0x39c: {  	[sflag:s8] =	ssyncset.done $0x0  }
0x39d: {  	[sflag:s8] =	ssyncadd.s32 $0xFFFF9C00  }
0x39e: {  	[hbm4b:s28+s2] =	stream.linear.scatter [tilespmem:s15], [sflag:$0x3], $0x6400, $0x38;
	[tilespmem:$0x1A900] =	vst v63  }
0x39f: {  	_ =	swait.ge [sflag:s7], $0x6400  }
0x3a0: {  	s29 =	sld [smem:$0x7F3]  }
0x3a1: {  	[sflag:s7] =	ssyncset.done $0x0  }
0x3a2: {  	[sflag:s7] =	ssyncadd.s32 $0xFFFF9C00  }
0x3a3: {  	[tilespmem:s6], [sflag:$0x4] =	stream.linear.gather [hbm4b:s29+s2], $0xC80, $0x38;
	[tilespmem:$0x1A900] =	vst v63  }
0x3a4: {  	_ =	swait.ge [sflag:s10], $0xC80  }
0x3a5: {  	[sflag:s10] =	ssyncset.done $0x0  }
0x3a6: {  	[sflag:s10] =	ssyncadd.s32 $0xFFFFF380  }
0x3a7: {  	[tilespmem:s4], [sflag:$0x1] =	stream.indirect.gather [spmem:s1], $0x8, s6, s11, $0xb8;
	[tilespmem:$0x1A900] =	vst v63  }
0x3a8: {  	_ =	swait.ge [sflag:s8], $0x6400  }
0x3a9: {  	s31 =	sld [smem:$0x7F4]  }
0x3aa: {  	[sflag:s8] =	ssyncset.done $0x0  }
0x3ab: {  	[sflag:s8] =	ssyncadd.s32 $0xFFFF9C00  }
0x3ac: {  	[hbm4b:s31+s2] =	stream.linear.scatter [tilespmem:s4], [sflag:$0x2], $0x6400, $0x38;
	[tilespmem:$0x1A900] =	vst v63  }
0x3ad: {  	_ =	swait.ge [sflag:s12], $0x6400  }
0x3ae: {  	s28 =	sld [smem:$0x7F5]  }
0x3af: {  	[sflag:s12] =	ssyncset.done $0x0  }
0x3b0: {  	[sflag:s12] =	ssyncadd.s32 $0xFFFF9C00  }
0x3b1: {  	[tilespmem:s17], [sflag:$0x4] =	stream.linear.gather [hbm4b:s28+s2], $0xC80, $0x38;
	[tilespmem:$0x1A900] =	vst v63  }
0x3b2: {  	_ =	swait.ge [sflag:s10], $0xC80  }
0x3b3: {  	[sflag:s10] =	ssyncset.done $0x0  }
0x3b4: {  	[sflag:s10] =	ssyncadd.s32 $0xFFFFF380  }
0x3b5: {  	[tilespmem:s15], [sflag:$0x1] =	stream.indirect.gather [spmem:s1], $0x8, s17, s11, $0xb8;
	[tilespmem:$0x1A900] =	vst v63  }
0x3b6: {  	_ =	swait.ge [sflag:s8], $0x6400  }
0x3b7: {  	s29 =	sld [smem:$0x7F6]  }
0x3b8: {  	[sflag:s8] =	ssyncset.done $0x0  }
0x3b9: {  	[sflag:s8] =	ssyncadd.s32 $0xFFFF9C00  }
0x3ba: {  	[hbm4b:s29+s2] =	stream.linear.scatter [tilespmem:s15], [sflag:$0x3], $0x6400, $0x38;
	[tilespmem:$0x1A900] =	vst v63  }
0x3bb: {  	_ =	swait.ge [sflag:s7], $0x6400  }
0x3bc: {  	s31 =	sld [smem:$0x7F7]  }
0x3bd: {  	[sflag:s7] =	ssyncset.done $0x0  }
0x3be: {  	[sflag:s7] =	ssyncadd.s32 $0xFFFF9C00  }
0x3bf: {  	[tilespmem:s6], [sflag:$0x4] =	stream.linear.gather [hbm4b:s31+s2], $0xC80, $0x38;
	[tilespmem:$0x1A900] =	vst v63  }
0x3c0: {  	_ =	swait.ge [sflag:s10], $0xC80  }
0x3c1: {  	[sflag:s10] =	ssyncset.done $0x0  }
0x3c2: {  	[sflag:s10] =	ssyncadd.s32 $0xFFFFF380  }
0x3c3: {  	[tilespmem:s4], [sflag:$0x1] =	stream.indirect.gather [spmem:s1], $0x8, s6, s11, $0xb8;
	[tilespmem:$0x1A900] =	vst v63  }
0x3c4: {  	_ =	swait.ge [sflag:s8], $0x6400  }
0x3c5: {  	s28 =	sld [smem:$0x7F8]  }
0x3c6: {  	[sflag:s8] =	ssyncset.done $0x0  }
0x3c7: {  	[sflag:s8] =	ssyncadd.s32 $0xFFFF9C00  }
0x3c8: {  	[hbm4b:s28+s2] =	stream.linear.scatter [tilespmem:s4], [sflag:$0x2], $0x6400, $0x38;
	[tilespmem:$0x1A900] =	vst v63  }
0x3c9: {  	_ =	swait.ge [sflag:s12], $0x6400  }
0x3ca: {  	s29 =	sld [smem:$0x7F9]  }
0x3cb: {  	[sflag:s12] =	ssyncset.done $0x0  }
0x3cc: {  	[sflag:s12] =	ssyncadd.s32 $0xFFFF9C00  }
0x3cd: {  	[tilespmem:s17], [sflag:$0x4] =	stream.linear.gather [hbm4b:s29+s2], $0xC80, $0x38;
	[tilespmem:$0x1A900] =	vst v63  }
0x3ce: {  	_ =	swait.ge [sflag:s10], $0xC80  }
0x3cf: {  	[sflag:s10] =	ssyncset.done $0x0  }
0x3d0: {  	[sflag:s10] =	ssyncadd.s32 $0xFFFFF380  }
0x3d1: {  	[tilespmem:s15], [sflag:$0x1] =	stream.indirect.gather [spmem:s1], $0x8, s17, s11, $0xb8;
	[tilespmem:$0x1A900] =	vst v63  }
0x3d2: {  	_ =	swait.ge [sflag:s8], $0x6400  }
0x3d3: {  	s31 =	sld [smem:$0x7FA]  }
0x3d4: {  	[sflag:s8] =	ssyncset.done $0x0  }
0x3d5: {  	[sflag:s8] =	ssyncadd.s32 $0xFFFF9C00  }
0x3d6: {  	[hbm4b:s31+s2] =	stream.linear.scatter [tilespmem:s15], [sflag:$0x3], $0x6400, $0x38;
	[tilespmem:$0x1A900] =	vst v63  }
0x3d7: {  	_ =	swait.ge [sflag:s7], $0x6400  }
0x3d8: {  	s28 =	sld [smem:$0x7FB]  }
0x3d9: {  	[sflag:s7] =	ssyncset.done $0x0  }
0x3da: {  	[sflag:s7] =	ssyncadd.s32 $0xFFFF9C00  }
0x3db: {  	[tilespmem:s6], [sflag:$0x4] =	stream.linear.gather [hbm4b:s28+s2], $0xC80, $0x38;
	[tilespmem:$0x1A900] =	vst v63  }
0x3dc: {  	_ =	swait.ge [sflag:s10], $0xC80  }
0x3dd: {  	[sflag:s10] =	ssyncset.done $0x0  }
0x3de: {  	[sflag:s10] =	ssyncadd.s32 $0xFFFFF380  }
0x3df: {  	[tilespmem:s4], [sflag:$0x1] =	stream.indirect.gather [spmem:s1], $0x8, s6, s11, $0xb8;
	[tilespmem:$0x1A900] =	vst v63  }
0x3e0: {  	_ =	swait.ge [sflag:s8], $0x6400  }
0x3e1: {  	s29 =	sld [smem:$0x7FC]  }
0x3e2: {  	[sflag:s8] =	ssyncset.done $0x0  }
0x3e3: {  	[sflag:s8] =	ssyncadd.s32 $0xFFFF9C00  }
0x3e4: {  	[hbm4b:s29+s2] =	stream.linear.scatter [tilespmem:s4], [sflag:$0x2], $0x6400, $0x38;
	[tilespmem:$0x1A900] =	vst v63  }
0x3e5: {  	_ =	swait.ge [sflag:s12], $0x6400  }
0x3e6: {  	s31 =	sld [smem:$0x7FD]  }
0x3e7: {  	[sflag:s12] =	ssyncset.done $0x0  }
0x3e8: {  	[sflag:s12] =	ssyncadd.s32 $0xFFFF9C00  }
0x3e9: {  	[tilespmem:s17], [sflag:$0x4] =	stream.linear.gather [hbm4b:s31+s2], $0xC80, $0x38;
	[tilespmem:$0x1A900] =	vst v63  }
0x3ea: {  	_ =	swait.ge [sflag:s10], $0xC80  }
0x3eb: {  	[sflag:s10] =	ssyncset.done $0x0  }
0x3ec: {  	[sflag:s10] =	ssyncadd.s32 $0xFFFFF380  }
0x3ed: {  	[tilespmem:s15], [sflag:$0x1] =	stream.indirect.gather [spmem:s1], $0x8, s17, s11, $0xb8;
	[tilespmem:$0x1A900] =	vst v63  }
0x3ee: {  	_ =	swait.ge [sflag:s8], $0x6400  }
0x3ef: {  	[sflag:s8] =	ssyncset.done $0x0  }
0x3f0: {  	[sflag:s8] =	ssyncadd.s32 $0xFFFF9C00  }
0x3f1: {  	[hbm4b:s26+s2] =	stream.linear.scatter [tilespmem:s15], [sflag:$0x3], $0x6400, $0x38;
	[tilespmem:$0x1A900] =	vst v63  }
0x3f2: {  	_ =	swait.ge [sflag:s7], $0x6400  }
0x3f3: {  	[sflag:s7] =	ssyncset.done $0x0  }
0x3f4: {  	[sflag:s7] =	ssyncadd.s32 $0xFFFF9C00  }
0x3f5: {  	[tilespmem:s6], [sflag:$0x4] =	stream.linear.gather [hbm4b:s25+s2], $0xC80, $0x38;
	[tilespmem:$0x1A900] =	vst v63  }
0x3f6: {  	_ =	swait.ge [sflag:s10], $0xC80  }
0x3f7: {  	[sflag:s10] =	ssyncset.done $0x0  }
0x3f8: {  	[sflag:s10] =	ssyncadd.s32 $0xFFFFF380  }
0x3f9: {  	[tilespmem:s4], [sflag:$0x1] =	stream.indirect.gather [spmem:s1], $0x8, s6, s11, $0xb8;
	[tilespmem:$0x1A900] =	vst v63  }
0x3fa: {  	_ =	swait.ge [sflag:s8], $0x6400  }
0x3fb: {  	[sflag:s8] =	ssyncset.done $0x0  }
0x3fc: {  	[sflag:s8] =	ssyncadd.s32 $0xFFFF9C00  }
0x3fd: {  	[hbm4b:s24+s2] =	stream.linear.scatter [tilespmem:s4], [sflag:$0x2], $0x6400, $0x38;
	[tilespmem:$0x1A900] =	vst v63  }
0x3fe: {  	_ =	swait.ge [sflag:s12], $0x6400  }
0x3ff: {  	[sflag:s12] =	ssyncset.done $0x0  }
0x400: {  	[sflag:s12] =	ssyncadd.s32 $0xFFFF9C00  }
0x401: {  	[tilespmem:s17], [sflag:$0x4] =	stream.linear.gather [hbm4b:s23+s2], $0xC80, $0x38;
	[tilespmem:$0x1A900] =	vst v63  }
0x402: {  	_ =	swait.ge [sflag:s10], $0xC80  }
0x403: {  	[sflag:s10] =	ssyncset.done $0x0  }
0x404: {  	[sflag:s10] =	ssyncadd.s32 $0xFFFFF380  }
0x405: {  	[tilespmem:s15], [sflag:$0x1] =	stream.indirect.gather [spmem:s1], $0x8, s17, s11, $0xb8;
	[tilespmem:$0x1A900] =	vst v63  }
0x406: {  	_ =	swait.ge [sflag:s8], $0x6400  }
0x407: {  	[sflag:s8] =	ssyncset.done $0x0  }
0x408: {  	[sflag:s8] =	ssyncadd.s32 $0xFFFF9C00  }
0x409: {  	[hbm4b:s22+s2] =	stream.linear.scatter [tilespmem:s15], [sflag:$0x3], $0x6400, $0x38;
	[tilespmem:$0x1A900] =	vst v63  }
0x40a: {  	_ =	swait.ge [sflag:s7], $0x6400  }
0x40b: {  	[sflag:s7] =	ssyncset.done $0x0  }
0x40c: {  	[sflag:s7] =	ssyncadd.s32 $0xFFFF9C00  }
0x40d: {  	[tilespmem:s6], [sflag:$0x4] =	stream.linear.gather [hbm4b:s21+s2], $0xC80, $0x38;
	[tilespmem:$0x1A900] =	vst v63  }
0x40e: {  	_ =	swait.ge [sflag:s10], $0xC80  }
0x40f: {  	[sflag:s10] =	ssyncset.done $0x0  }
0x410: {  	[sflag:s10] =	ssyncadd.s32 $0xFFFFF380  }
0x411: {  	[tilespmem:s4], [sflag:$0x1] =	stream.indirect.gather [spmem:s1], $0x8, s6, s11, $0xb8;
	[tilespmem:$0x1A900] =	vst v63  }
0x412: {  	_ =	swait.ge [sflag:s8], $0x6400  }
0x413: {  	[sflag:s8] =	ssyncset.done $0x0  }
0x414: {  	[sflag:s8] =	ssyncadd.s32 $0xFFFF9C00  }
0x415: {  	[hbm4b:s20+s2] =	stream.linear.scatter [tilespmem:s4], [sflag:$0x2], $0x6400, $0x38;
	[tilespmem:$0x1A900] =	vst v63  }
0x416: {  	_ =	swait.ge [sflag:s12], $0x6400  }
0x417: {  	[sflag:s12] =	ssyncset.done $0x0  }
0x418: {  	[sflag:s12] =	ssyncadd.s32 $0xFFFF9C00  }
0x419: {  	[tilespmem:s17], [sflag:$0x4] =	stream.linear.gather [hbm4b:s19+s2], $0xC80, $0x38;
	[tilespmem:$0x1A900] =	vst v63  }
0x41a: {  	_ =	swait.ge [sflag:s10], $0xC80  }
0x41b: {  	[sflag:s10] =	ssyncset.done $0x0  }
0x41c: {  	[sflag:s10] =	ssyncadd.s32 $0xFFFFF380  }
0x41d: {  	[tilespmem:s15], [sflag:$0x1] =	stream.indirect.gather [spmem:s1], $0x8, s17, s11, $0xb8;
	[tilespmem:$0x1A900] =	vst v63  }
0x41e: {  	_ =	swait.ge [sflag:s8], $0x6400  }
0x41f: {  	[sflag:s8] =	ssyncset.done $0x0  }
0x420: {  	[sflag:s8] =	ssyncadd.s32 $0xFFFF9C00  }
0x421: {  	[hbm4b:s18+s2] =	stream.linear.scatter [tilespmem:s15], [sflag:$0x3], $0x6400, $0x38;
	[tilespmem:$0x1A900] =	vst v63  }
0x422: {  	_ =	swait.ge [sflag:s7], $0x6400  }
0x423: {  	[sflag:s7] =	ssyncset.done $0x0  }
0x424: {  	[sflag:s7] =	ssyncadd.s32 $0xFFFF9C00  }
0x425: {  	[tilespmem:s6], [sflag:$0x4] =	stream.linear.gather [hbm4b:s16+s2], $0xC80, $0x38;
	[tilespmem:$0x1A900] =	vst v63  }
0x426: {  	_ =	swait.ge [sflag:s10], $0xC80  }
0x427: {  	[sflag:s10] =	ssyncset.done $0x0  }
0x428: {  	[sflag:s10] =	ssyncadd.s32 $0xFFFFF380  }
0x429: {  	[tilespmem:s4], [sflag:$0x1] =	stream.indirect.gather [spmem:s1], $0x8, s6, s11, $0xb8;
	[tilespmem:$0x1A900] =	vst v63  }
0x42a: {  	_ =	swait.ge [sflag:s8], $0x6400  }
0x42b: {  	[sflag:s8] =	ssyncset.done $0x0  }
0x42c: {  	[sflag:s8] =	ssyncadd.s32 $0xFFFF9C00  }
0x42d: {  	[hbm4b:s14+s2] =	stream.linear.scatter [tilespmem:s4], [sflag:$0x2], $0x6400, $0x38;
	[tilespmem:$0x1A900] =	vst v63  }
0x42e: {  	_ =	swait.ge [sflag:s12], $0x6400  }
0x42f: {  	[sflag:s12] =	ssyncset.done $0x0  }
0x430: {  	[sflag:s12] =	ssyncadd.s32 $0xFFFF9C00  }
0x431: {  	[tilespmem:s17], [sflag:$0x4] =	stream.linear.gather [hbm4b:s13+s2], $0xC80, $0x38;
	[tilespmem:$0x1A900] =	vst v63  }
0x432: {  	_ =	swait.ge [sflag:s10], $0xC80  }
0x433: {  	[sflag:s10] =	ssyncset.done $0x0  }
0x434: {  	[sflag:s10] =	ssyncadd.s32 $0xFFFFF380  }
0x435: {  	[tilespmem:s15], [sflag:$0x1] =	stream.indirect.gather [spmem:s1], $0x8, s17, s11, $0xb8;
	[tilespmem:$0x1A900] =	vst v63  }
0x436: {  	_ =	swait.ge [sflag:s8], $0x6400  }
0x437: {  	[sflag:s8] =	ssyncset.done $0x0  }
0x438: {  	[sflag:s8] =	ssyncadd.s32 $0xFFFF9C00  }
0x439: {  	[hbm4b:s9+s2] =	stream.linear.scatter [tilespmem:s15], [sflag:$0x3], $0x6400, $0x38;
	[tilespmem:$0x1A900] =	vst v63  }
0x43a: {  	_ =	swait.ge [sflag:s7], $0x6400  }
0x43b: {  	[sflag:s7] =	ssyncset.done $0x0  }
0x43c: {  	[sflag:s7] =	ssyncadd.s32 $0xFFFF9C00  }
0x43d: {  	[tilespmem:s6], [sflag:$0x4] =	stream.linear.gather [hbm4b:s5+s2], $0xC80, $0x38;
	[tilespmem:$0x1A900] =	vst v63  }
0x43e: {  	_ =	swait.ge [sflag:s10], $0xC80  }
0x43f: {  	[sflag:s10] =	ssyncset.done $0x0  }
0x440: {  	[sflag:s10] =	ssyncadd.s32 $0xFFFFF380  }
0x441: {  	[tilespmem:s4], [sflag:$0x1] =	stream.indirect.gather [spmem:s1], $0x8, s6, s11, $0xb8;
	[tilespmem:$0x1A900] =	vst v63  }
0x442: {  	_ =	swait.ge [sflag:s8], $0x6400  }
0x443: {  	[sflag:s8] =	ssyncset.done $0x0  }
0x444: {  	[sflag:s8] =	ssyncadd.s32 $0xFFFF9C00  }
0x445: {  	[hbm4b:s3+s2] =	stream.linear.scatter [tilespmem:s4], [sflag:$0x2], $0x6400, $0x38;
	[tilespmem:$0x1A900] =	vst v63  }
0x446: {  	_ =	swait.ge [sflag:s12], $0x6400  }
0x447: {  	[sflag:s12] =	ssyncset.done $0x0  }
0x448: {  	[sflag:s12] =	ssyncadd.s32 $0xFFFF9C00  }
0x449: {  	_ =	swait.ge [sflag:s7], $0x6400  }
0x44a: {  	[sflag:s7] =	ssyncset.done $0x0  }
0x44b: {  	[sflag:s7] =	ssyncadd.s32 $0xFFFF9C00  }
0x44c: {  	_ =	sfence.sel $0x180000  }
0x44d: {  	[bflag:$0x0] =	sbarrier.arrive $0xFFFF  }
0x44e: {  	_ =	strace $0x90000047  }
0x44f: {  	s0 =	sadd.s32 @!p0 $0x100000, s30;
	[bflag:$0x2] =	sbarrier.arrive $0xFFFF  }
0x450: {  	[sflag:s0] =	ssyncadd.tile.s32 @!p0 $0x1;
	_ =	shalt  }
.LBB2_2:
.Ltmp3:
0x451: {  	(pc) =	sbr.rel .LBB2_5-.Ltmp3, $2  }
0x452: {  	_ =	sdelay $0x2  }
0x453: {  	s30 =	rddreg [dreg:$0x3]  }
.Lfunc_end2:
_tile_overlayer_lowered:
.L_overlay_start_2:
0x454: {  	(tag) =	ssettag $0x2  }
0x455: {  	s0 =	rddreg [dreg:$0x0];
	s2 =	stileid.u32  }
0x456: {  	s1 =	rddreg [dreg:$0x1];
	p0 =	sne.s32 s2, $0x0  }
0x457: {  	s3 =	rddreg [dreg:$0x2];
	[bflag:$0x3] =	sbarrier.arrive $0xFFFF;
	s2 =	simm.s32 @!p0 $0x1C04  }
0x458: {  	[timem:s3], [sflag:s2] =	dma.local @!p0 [hbm:s0], s1  }
0x459: {  	s0 =	simm.s32 @!p0 $0x4  }
0x45a: {  	_ =	swait.ge @!p0 [sflag:s0], s1  }
0x45b: {  	s1 =	ssub.s32 @!p0 $0x0, s1;
	[sflag:s0] =	ssyncset.done @!p0 $0x0  }
0x45c: {  	[sflag:s0] =	ssyncadd.s32 @!p0 s1  }
0x45d: {  	[bflag:$0x3] =	sbarrier.arrive $0xFFFF  }
0x45e: {  	_ =	shalt  }

</sc_bundles>
